<compile_context>
chip_gen: v7x
topology: tpu7x:2x2x1
jax: 0.10.2.dev20260603
libtpu: 0.0.44.dev20260713+nightly
codegen_flags: <defaults>
</compile_context>

<pallas_src>
import functools

import jax
import jax.numpy as jnp
from jax import lax
from jax.experimental import pallas as pl
from jax.experimental.pallas import tpu as pltpu
from jax.experimental.pallas import tpu_sc as plsc

N = 10000
D = 128
E = 320000
NC = 2
NS = 16
NW = NC * NS
K = 64
NCHUNK = 160
EP = NW * NCHUNK * K
NBUF = 4
NPH = 2
HCH = NCHUNK // NPH
NP = 10240
RPT = NP // NS

_mesh = plsc.VectorSubcoreMesh(core_axis_name="c", subcore_axis_name="s")


@functools.partial(
    pl.kernel,
    out_type=jax.ShapeDtypeStruct((NC, NP), jnp.float32),
    mesh=_mesh,
    scratch_types=[
        pltpu.VMEM((NCHUNK, K), jnp.int32),
        pltpu.VMEM((K,), jnp.float32),
        pltpu.VMEM_SHARED((NP,), jnp.float32),
    ],
)
def _deg_kernel(col_hbm, zeros_hbm, out_hbm, col_v, ones_v, acc_sp):
    c = lax.axis_index("c")
    s = lax.axis_index("s")
    wid = s * NC + c
    pltpu.sync_copy(zeros_hbm.at[pl.ds(s * (NP // NS), NP // NS)],
                    acc_sp.at[pl.ds(s * (NP // NS), NP // NS)])
    pltpu.sync_copy(col_hbm.at[wid], col_v)
    for i in range(K // 16):
        ones_v[pl.ds(i * 16, 16)] = jnp.ones((16,), jnp.float32)
    plsc.subcore_barrier()

    @pl.loop(0, NCHUNK)
    def _(g):
        pltpu.sync_copy(ones_v, acc_sp.at[col_v.at[g]], add=True)

    plsc.subcore_barrier()
    pltpu.sync_copy(acc_sp.at[pl.ds(s * (NP // NS), NP // NS)],
                    out_hbm.at[c, pl.ds(s * (NP // NS), NP // NS)])


@functools.partial(
    pl.kernel,
    out_type=jax.ShapeDtypeStruct((NC, NP, D), jnp.float32),
    mesh=_mesh,
    scratch_types=[
        pltpu.VMEM((HCH, K), jnp.int32),
        pltpu.VMEM((HCH, K), jnp.int32),
        [pltpu.VMEM((K, D), jnp.float32) for _ in range(NBUF)],
        [pltpu.SemaphoreType.DMA for _ in range(NBUF)],
        [pltpu.SemaphoreType.DMA for _ in range(NBUF)],
        pltpu.VMEM_SHARED((NP, D), jnp.float32),
    ],
    compiler_params=pltpu.CompilerParams(use_tc_tiling_on_sc=False),
)
def _seg_kernel(y_hbm, row_hbm, col_hbm, zeros_hbm, out_hbm,
                row_v, col_v, bufs, gsems, ssems, acc_sp):
    c = lax.axis_index("c")
    s = lax.axis_index("s")
    wid = s * NC + c
    pltpu.sync_copy(zeros_hbm.at[pl.ds(s * RPT, RPT)],
                    acc_sp.at[pl.ds(s * RPT, RPT)])
    plsc.subcore_barrier()

    for ph in range(NPH):
        pltpu.sync_copy(row_hbm.at[wid, pl.ds(ph * HCH, HCH)], row_v)
        pltpu.sync_copy(col_hbm.at[wid, pl.ds(ph * HCH, HCH)], col_v)
        for b in range(NBUF):
            pltpu.async_copy(y_hbm.at[row_v.at[b]], bufs[b], gsems[b])

        @pl.loop(0, HCH, step=NBUF)
        def _(g0):
            for b in range(NBUF):
                g = g0 + b
                pltpu.make_async_copy(y_hbm.at[row_v.at[g]], bufs[b],
                                      gsems[b]).wait()
                pltpu.async_copy(bufs[b], acc_sp.at[col_v.at[g]], ssems[b],
                                 add=True)
            for b in range(NBUF):
                g = g0 + b
                pltpu.make_async_copy(bufs[b], acc_sp.at[col_v.at[g]],
                                      ssems[b]).wait()
                nxt = g0 + b + NBUF

                @pl.when(nxt < HCH)
                def _():
                    pltpu.async_copy(y_hbm.at[row_v.at[nxt]], bufs[b],
                                     gsems[b])

    plsc.subcore_barrier()
    pltpu.sync_copy(acc_sp.at[pl.ds(s * RPT, RPT)],
                    out_hbm.at[c, pl.ds(s * RPT, RPT)])


def _gru_evolve(w, wih, whh, bih, bhh):
    dn = (((1,), (1,)), ((), ()))
    gi = lax.dot_general(w, wih, dn, preferred_element_type=jnp.float32) + bih
    gh = lax.dot_general(w, whh, dn, preferred_element_type=jnp.float32) + bhh
    i_r, i_z, i_n = gi[:, :D], gi[:, D:2 * D], gi[:, 2 * D:]
    h_r, h_z, h_n = gh[:, :D], gh[:, D:2 * D], gh[:, 2 * D:]
    r = lax.logistic(i_r + h_r)
    z = lax.logistic(i_z + h_z)
    n = jnp.tanh(i_n + r * h_n)
    return (1.0 - z) * n + z * w


def _tc_dense_body(x_ref, wlin_ref, blin_ref, deg2_ref,
                   iw0_ref, wih0_ref, whh0_ref, bih0_ref, bhh0_ref,
                   iw1_ref, wih1_ref, whh1_ref, bih1_ref, bhh1_ref,
                   y0_ref, dis_ref, w1_ref):
    deg = deg2_ref[:, 0:1] + deg2_ref[:, 1:2]
    dis = jnp.where(deg > 0.0, lax.rsqrt(jnp.where(deg > 0.0, deg, 1.0)), 0.0)
    dis_ref[...] = dis
    dn = (((1,), (1,)), ((), ()))
    x = lax.dot_general(x_ref[...], wlin_ref[...], dn,
                        preferred_element_type=jnp.float32) + blin_ref[...]
    w0 = _gru_evolve(iw0_ref[...], wih0_ref[...], whh0_ref[...],
                     bih0_ref[...], bhh0_ref[...])
    w1_ref[...] = _gru_evolve(iw1_ref[...], wih1_ref[...], whh1_ref[...],
                              bih1_ref[...], bhh1_ref[...])
    y0_ref[...] = dis * jnp.dot(x, w0, preferred_element_type=jnp.float32)


_tc_dense = pl.pallas_call(
    _tc_dense_body,
    out_shape=(
        jax.ShapeDtypeStruct((N, D), jnp.float32),
        jax.ShapeDtypeStruct((N, 1), jnp.float32),
        jax.ShapeDtypeStruct((D, D), jnp.float32),
    ),
)


def _tc_mid_body(z_ref, dis_ref, w1_ref, y1_ref):
    dis = dis_ref[...]
    x1 = dis * (z_ref[0, :N, :] + z_ref[1, :N, :])
    y1_ref[...] = dis * jnp.dot(x1, w1_ref[...], preferred_element_type=jnp.float32)


_tc_mid = pl.pallas_call(
    _tc_mid_body,
    out_shape=jax.ShapeDtypeStruct((N, D), jnp.float32),
)


def _tc_out_body(z_ref, dis_ref, o_ref):
    o_ref[...] = dis_ref[...] * (z_ref[0, :N, :] + z_ref[1, :N, :])


_tc_out = pl.pallas_call(
    _tc_out_body,
    out_shape=jax.ShapeDtypeStruct((N, D), jnp.float32),
)


def kernel(X, edge_index, W_lin, b_lin,
           init_w0, gru_wih0, gru_whh0, gru_bih0, gru_bhh0,
           init_w1, gru_wih1, gru_whh1, gru_bih1, gru_bhh1):
    ppw = (EP - E) // NW
    epw = E // NW
    padrow = jnp.broadcast_to(41 * lax.iota(jnp.int32, ppw), (NW, ppw))
    padcol = jnp.broadcast_to(N + lax.iota(jnp.int32, ppw), (NW, ppw))
    row = jnp.concatenate([edge_index[0].reshape(NW, epw), padrow], axis=1)
    col = jnp.concatenate([edge_index[1].reshape(NW, epw), padcol], axis=1)
    row = row.reshape(NW, NCHUNK, K)
    col = col.reshape(NW, NCHUNK, K)
    zeros_np = jnp.zeros((NP,), jnp.float32)
    zeros_nd = jnp.zeros((NP, D), jnp.float32)

    deg_p = _deg_kernel(col, zeros_np)
    deg2 = deg_p[:, :N].T

    y0, dis, W1 = _tc_dense(X, W_lin, b_lin.reshape(1, D), deg2,
                            init_w0, gru_wih0, gru_whh0,
                            gru_bih0.reshape(1, 3 * D), gru_bhh0.reshape(1, 3 * D),
                            init_w1, gru_wih1, gru_whh1,
                            gru_bih1.reshape(1, 3 * D), gru_bhh1.reshape(1, 3 * D))

    z0_p = _seg_kernel(y0, row, col, zeros_nd)
    y1 = _tc_mid(z0_p, dis, W1)
    z1_p = _seg_kernel(y1, row, col, zeros_nd)
    return _tc_out(z1_p, dis)

# --- scband reference (transcript-rebuilt; emitter-appended) ---
"""Pipeline reference for scband-multi-layer-egcno-64175401337411 (READ-ONLY COPY).

The authoritative reference and input builder live on the scoring server;
editing this copy changes nothing except your own understanding.
"""

import jax, jax.numpy as jnp
import numpy as np

N = 10000
D = 128
E = 320000
NUM_UNITS = 2


def _gru_step(w, w_ih, w_hh, b_ih, b_hh):
    # torch.nn.GRU with seq_len=1, input=h0=w  (shape [D, D]: batch=D rows, feature=D)
    x = w
    h = w
    gi = x @ w_ih.T + b_ih
    gh = h @ w_hh.T + b_hh
    i_r, i_z, i_n = jnp.split(gi, 3, axis=1)
    h_r, h_z, h_n = jnp.split(gh, 3, axis=1)
    r = jax.nn.sigmoid(i_r + h_r)
    z = jax.nn.sigmoid(i_z + h_z)
    n = jnp.tanh(i_n + r * h_n)
    return (1.0 - z) * n + z * h


def _gcn_fixed_w(x, W, row, col, n_nodes):
    # gcn_norm with add_self_loops=False, edge_weight=1, flow source_to_target
    deg = jax.ops.segment_sum(jnp.ones_like(row, dtype=x.dtype), col, num_segments=n_nodes)
    dis = jnp.where(deg > 0, jax.lax.rsqrt(jnp.where(deg > 0, deg, 1.0)), 0.0)
    norm = dis[row] * dis[col]
    xw = x @ W
    msg = xw[row] * norm[:, None]
    return jax.ops.segment_sum(msg, col, num_segments=n_nodes)


def setup_inputs(seed: int = 0) -> dict:
    key = jax.random.key(seed)
    ks = jax.random.split(key, 20)
    s = 1.0 / np.sqrt(D)
    inp = {}
    inp["X"] = jax.random.normal(ks[0], (N, D), dtype=jnp.float32)
    inp["edge_index"] = jax.random.randint(ks[1], (2, E), 0, N, dtype=jnp.int32)
    inp["W_lin"] = jax.random.normal(ks[2], (D, D), dtype=jnp.float32) * s
    inp["b_lin"] = jax.random.normal(ks[3], (D,), dtype=jnp.float32) * s
    for u in range(NUM_UNITS):
        base = 4 + u * 5
        inp[f"init_w{u}"] = jax.random.normal(ks[base + 0], (D, D), dtype=jnp.float32) * s
        inp[f"gru_wih{u}"] = jax.random.normal(ks[base + 1], (3 * D, D), dtype=jnp.float32) * s
        inp[f"gru_whh{u}"] = jax.random.normal(ks[base + 2], (3 * D, D), dtype=jnp.float32) * s
        inp[f"gru_bih{u}"] = jax.random.normal(ks[base + 3], (3 * D,), dtype=jnp.float32) * s
        inp[f"gru_bhh{u}"] = jax.random.normal(ks[base + 4], (3 * D,), dtype=jnp.float32) * s
    return inp


def reference(X, edge_index, W_lin, b_lin,
              init_w0, gru_wih0, gru_whh0, gru_bih0, gru_bhh0,
              init_w1, gru_wih1, gru_whh1, gru_bih1, gru_bhh1):
    row = edge_index[0]
    col = edge_index[1]
    x = X @ W_lin.T + b_lin
    # unit 0
    W0 = _gru_step(init_w0, gru_wih0, gru_whh0, gru_bih0, gru_bhh0)
    x = _gcn_fixed_w(x, W0, row, col, N)
    # unit 1
    W1 = _gru_step(init_w1, gru_wih1, gru_whh1, gru_bih1, gru_bhh1)
    x = _gcn_fixed_w(x, W1, row, col, N)
    return x

if __name__ == "__main__":
    import jax
    _d = setup_inputs()
    print(jax.jit(kernel)(*tuple(_d.values())))

</pallas_src>

<mosaic_0001>
#map = affine_map<(d0, d1) -> (0, 0, 0)>
#map1 = affine_map<(d0, d1) -> (0)>
#map2 = affine_map<(d0, d1) -> (0, 0)>
module attributes {stable_mosaic.version = 14 : i64} {
  func.func @_deg_kernel(%arg0: i32, %arg1: i32, %arg2: memref<32x160x64xi32, #tpu.memory_space<hbm>>, %arg3: memref<10240xf32, #tpu.memory_space<hbm>>, %arg4: memref<2x10240xf32, #tpu.memory_space<hbm>>, %arg5: memref<160x64xi32, #tpu.memory_space<vmem>>, %arg6: memref<64xf32, #tpu.memory_space<vmem>>, %arg7: memref<10240xf32, #tpu.memory_space<vmem_shared>>) attributes {dimension_semantics = [#tpu.dimension_semantics<core_parallel>, #tpu.dimension_semantics<subcore_parallel>], iteration_bounds = array<i64: 2, 16>, scalar_prefetch = 0 : i64, scratch_operands = 3 : i64, tpu.core_type = #tpu.core_type<sc_vector_subcore>, window_params = [{transform_indices = #map}, {transform_indices = #map1}, {transform_indices = #map2}]} {
    %mul3A = arith.constant 2 : i32
    %mul3A_0 = arith.muli %arg1, %mul3A : i32
    %add3A = arith.addi %mul3A_0, %arg0 : i32
    %mul3A_1 = arith.constant 640 : i32
    %mul3A_2 = arith.muli %arg1, %mul3A_1 : i32
    %mul3A_3 = arith.constant 640 : i32
    %mul3A_4 = arith.muli %arg1, %mul3A_3 : i32
    "tpu.region"() ({
      %run_scoped3A = tpu.sem_alloc : memref<!tpu.dma_semaphore, #tpu.memory_space<semaphore_mem>>
      %dma_start3A = tpu.memref_slice %arg7[%mul3A_4] : memref<10240xf32, #tpu.memory_space<vmem_shared>> -> memref<640xf32, #tpu.memory_space<vmem_shared>>
      %dma_start3A_36 = tpu.memref_slice %arg3[%mul3A_2] : memref<10240xf32, #tpu.memory_space<hbm>> -> memref<640xf32, #tpu.memory_space<hbm>>
      tpu.enqueue_dma source(%dma_start3A_36 : memref<640xf32, #tpu.memory_space<hbm>>) target(%dma_start3A : memref<640xf32, #tpu.memory_space<vmem_shared>>) target_semaphore(%run_scoped3A : memref<!tpu.dma_semaphore, #tpu.memory_space<semaphore_mem>>)
      %dma_wait3A = tpu.memref_slice %arg7[%mul3A_4] : memref<10240xf32, #tpu.memory_space<vmem_shared>> -> memref<640xf32, #tpu.memory_space<vmem_shared>>
      %dma_wait3A_37 = tpu.memref_slice %arg3[%mul3A_2] : memref<10240xf32, #tpu.memory_space<hbm>> -> memref<640xf32, #tpu.memory_space<hbm>>
      tpu.wait_dma2 semaphore(%run_scoped3A : memref<!tpu.dma_semaphore, #tpu.memory_space<semaphore_mem>>) src(%dma_wait3A_37 : memref<640xf32, #tpu.memory_space<hbm>>) dst(%dma_wait3A : memref<640xf32, #tpu.memory_space<vmem_shared>>)
      tpu.yield
    }) : () -> ()
    "tpu.region"() ({
      %run_scoped3A = tpu.sem_alloc : memref<!tpu.dma_semaphore, #tpu.memory_space<semaphore_mem>>
      %dma_start3A = arith.constant 0 : i32
      %dma_start3A_36 = arith.constant 0 : i32
      %dma_start3A_37 = tpu.memref_slice %arg2[%add3A, %dma_start3A, %dma_start3A_36] : memref<32x160x64xi32, #tpu.memory_space<hbm>> -> memref<1x160x64xi32, #tpu.memory_space<hbm>>
      %dma_start3A_38 = tpu.memref_squeeze %dma_start3A_37 : memref<1x160x64xi32, #tpu.memory_space<hbm>> -> memref<160x64xi32, #tpu.memory_space<hbm>>
      %dma_start3A_39 = arith.constant 0 : i32
      %dma_start3A_40 = arith.constant 0 : i32
      %dma_start3A_41 = tpu.memref_slice %arg2[%add3A, %dma_start3A_39, %dma_start3A_40] : memref<32x160x64xi32, #tpu.memory_space<hbm>> -> memref<1x160x64xi32, #tpu.memory_space<hbm>>
      %dma_start3A_42 = tpu.memref_squeeze %dma_start3A_41 : memref<1x160x64xi32, #tpu.memory_space<hbm>> -> memref<160x64xi32, #tpu.memory_space<hbm>>
      tpu.enqueue_dma source(%dma_start3A_42 : memref<160x64xi32, #tpu.memory_space<hbm>>) target(%arg5 : memref<160x64xi32, #tpu.memory_space<vmem>>) target_semaphore(%run_scoped3A : memref<!tpu.dma_semaphore, #tpu.memory_space<semaphore_mem>>)
      %dma_wait3A = arith.constant 0 : i32
      %dma_wait3A_43 = arith.constant 0 : i32
      %dma_wait3A_44 = tpu.memref_slice %arg2[%add3A, %dma_wait3A, %dma_wait3A_43] : memref<32x160x64xi32, #tpu.memory_space<hbm>> -> memref<1x160x64xi32, #tpu.memory_space<hbm>>
      %dma_wait3A_45 = tpu.memref_squeeze %dma_wait3A_44 : memref<1x160x64xi32, #tpu.memory_space<hbm>> -> memref<160x64xi32, #tpu.memory_space<hbm>>
      %dma_wait3A_46 = arith.constant 0 : i32
      %dma_wait3A_47 = arith.constant 0 : i32
      %dma_wait3A_48 = tpu.memref_slice %arg2[%add3A, %dma_wait3A_46, %dma_wait3A_47] : memref<32x160x64xi32, #tpu.memory_space<hbm>> -> memref<1x160x64xi32, #tpu.memory_space<hbm>>
      %dma_wait3A_49 = tpu.memref_squeeze %dma_wait3A_48 : memref<1x160x64xi32, #tpu.memory_space<hbm>> -> memref<160x64xi32, #tpu.memory_space<hbm>>
      tpu.wait_dma2 semaphore(%run_scoped3A : memref<!tpu.dma_semaphore, #tpu.memory_space<semaphore_mem>>) src(%dma_wait3A_49 : memref<160x64xi32, #tpu.memory_space<hbm>>) dst(%arg5 : memref<160x64xi32, #tpu.memory_space<vmem>>)
      tpu.yield
    }) : () -> ()
    %broadcast_in_dim3A = arith.constant 1.000000e+00 : f32
    %broadcast_in_dim3A_5 = vector.broadcast %broadcast_in_dim3A : f32 to vector<16xf32>
    %swap3A = arith.constant 0 : index
    %swap3A_6 = tpu.vector_load %arg6[%swap3A] {strides = array<i32>} : memref<64xf32, #tpu.memory_space<vmem>>, vector<16xf32>,
    %swap3A_7 = vector.shape_cast %swap3A_6 : vector<16xf32> to vector<16xf32>
    %swap3A_8 = vector.shape_cast %broadcast_in_dim3A_5 : vector<16xf32> to vector<16xf32>
    tpu.vector_store %arg6[%swap3A], %swap3A_8 {strides = array<i32>} : memref<64xf32, #tpu.memory_space<vmem>>, vector<16xf32>,
    %broadcast_in_dim3A_9 = arith.constant 1.000000e+00 : f32
    %broadcast_in_dim3A_10 = vector.broadcast %broadcast_in_dim3A_9 : f32 to vector<16xf32>
    %swap3A_11 = arith.constant 16 : index
    %swap3A_12 = tpu.vector_load %arg6[%swap3A_11] {strides = array<i32>} : memref<64xf32, #tpu.memory_space<vmem>>, vector<16xf32>,
    %swap3A_13 = vector.shape_cast %swap3A_12 : vector<16xf32> to vector<16xf32>
    %swap3A_14 = vector.shape_cast %broadcast_in_dim3A_10 : vector<16xf32> to vector<16xf32>
    tpu.vector_store %arg6[%swap3A_11], %swap3A_14 {strides = array<i32>} : memref<64xf32, #tpu.memory_space<vmem>>, vector<16xf32>,
    %broadcast_in_dim3A_15 = arith.constant 1.000000e+00 : f32
    %broadcast_in_dim3A_16 = vector.broadcast %broadcast_in_dim3A_15 : f32 to vector<16xf32>
    %swap3A_17 = arith.constant 32 : index
    %swap3A_18 = tpu.vector_load %arg6[%swap3A_17] {strides = array<i32>} : memref<64xf32, #tpu.memory_space<vmem>>, vector<16xf32>,
    %swap3A_19 = vector.shape_cast %swap3A_18 : vector<16xf32> to vector<16xf32>
    %swap3A_20 = vector.shape_cast %broadcast_in_dim3A_16 : vector<16xf32> to vector<16xf32>
    tpu.vector_store %arg6[%swap3A_17], %swap3A_20 {strides = array<i32>} : memref<64xf32, #tpu.memory_space<vmem>>, vector<16xf32>,
    %broadcast_in_dim3A_21 = arith.constant 1.000000e+00 : f32
    %broadcast_in_dim3A_22 = vector.broadcast %broadcast_in_dim3A_21 : f32 to vector<16xf32>
    %swap3A_23 = arith.constant 48 : index
    %swap3A_24 = tpu.vector_load %arg6[%swap3A_23] {strides = array<i32>} : memref<64xf32, #tpu.memory_space<vmem>>, vector<16xf32>,
    %swap3A_25 = vector.shape_cast %swap3A_24 : vector<16xf32> to vector<16xf32>
    %swap3A_26 = vector.shape_cast %broadcast_in_dim3A_22 : vector<16xf32> to vector<16xf32>
    tpu.vector_store %arg6[%swap3A_23], %swap3A_26 {strides = array<i32>} : memref<64xf32, #tpu.memory_space<vmem>>, vector<16xf32>,
    %barrier3A = arith.constant 0 : index
    tpu.barrier barrier_id(%barrier3A)
    %scan3A = arith.constant 0 : i32
    %scan3A_27 = arith.constant 160 : i32
    %scan3A_28 = arith.addi %scan3A, %scan3A_27 : i32
    %scan3A_29 = arith.constant 1 : i32
    scf.for %scan3A_36 = %scan3A to %scan3A_28 step %scan3A_29  : i32 {
      %mul3A_37 = arith.constant 1 : i32
      %mul3A_38 = arith.muli %scan3A_36, %mul3A_37 : i32
      %add3A_39 = arith.constant 0 : i32
      %add3A_40 = arith.addi %add3A_39, %mul3A_38 : i32
      "tpu.region"() ({
        %run_scoped3A = tpu.sem_alloc : memref<!tpu.dma_semaphore, #tpu.memory_space<semaphore_mem>>
        %dma_start3A = arith.constant 0 : i32
        %dma_start3A_41 = tpu.memref_slice %arg5[%add3A_40, %dma_start3A] : memref<160x64xi32, #tpu.memory_space<vmem>> -> memref<1x64xi32, #tpu.memory_space<vmem>>
        %dma_start3A_42 = tpu.memref_squeeze %dma_start3A_41 : memref<1x64xi32, #tpu.memory_space<vmem>> -> memref<64xi32, #tpu.memory_space<vmem>>
        %dma_start3A_43 = arith.constant 0 : i32
        %dma_start3A_44 = tpu.memref_slice %arg7[%dma_start3A_43] : memref<10240xf32, #tpu.memory_space<vmem_shared>> -> memref<10240xf32, #tpu.memory_space<vmem_shared>>
        tpu.enqueue_indirect_dma source(%arg6 : memref<64xf32, #tpu.memory_space<vmem>>) target(%dma_start3A_44 : memref<10240xf32, #tpu.memory_space<vmem_shared>>) offsets(%dma_start3A_42 : memref<64xi32, #tpu.memory_space<vmem>>) semaphore(%run_scoped3A : memref<!tpu.dma_semaphore, #tpu.memory_space<semaphore_mem>>) {add = true}
        %dma_wait3A = arith.constant 0 : i32
        %dma_wait3A_45 = tpu.memref_slice %arg5[%add3A_40, %dma_wait3A] : memref<160x64xi32, #tpu.memory_space<vmem>> -> memref<1x64xi32, #tpu.memory_space<vmem>>
        %dma_wait3A_46 = tpu.memref_squeeze %dma_wait3A_45 : memref<1x64xi32, #tpu.memory_space<vmem>> -> memref<64xi32, #tpu.memory_space<vmem>>
        %dma_wait3A_47 = arith.constant 0 : i32
        %dma_wait3A_48 = tpu.memref_slice %arg7[%dma_wait3A_47] : memref<10240xf32, #tpu.memory_space<vmem_shared>> -> memref<10240xf32, #tpu.memory_space<vmem_shared>>
        tpu.wait_indirect_dma semaphore(%run_scoped3A : memref<!tpu.dma_semaphore, #tpu.memory_space<semaphore_mem>>) src(%arg6 : memref<64xf32, #tpu.memory_space<vmem>>) dst(%dma_wait3A_48 : memref<10240xf32, #tpu.memory_space<vmem_shared>>)
        tpu.yield
      }) : () -> ()
    }
    %scan3A_30 = arith.constant 160 : i32
    %barrier3A_31 = arith.constant 0 : index
    tpu.barrier barrier_id(%barrier3A_31)
    %mul3A_32 = arith.constant 640 : i32
    %mul3A_33 = arith.muli %arg1, %mul3A_32 : i32
    %mul3A_34 = arith.constant 640 : i32
    %mul3A_35 = arith.muli %arg1, %mul3A_34 : i32
    "tpu.region"() ({
      %run_scoped3A = tpu.sem_alloc : memref<!tpu.dma_semaphore, #tpu.memory_space<semaphore_mem>>
      %dma_start3A = tpu.memref_slice %arg4[%arg0, %mul3A_35] : memref<2x10240xf32, #tpu.memory_space<hbm>> -> memref<1x640xf32, #tpu.memory_space<hbm>>
      %dma_start3A_36 = tpu.memref_squeeze %dma_start3A : memref<1x640xf32, #tpu.memory_space<hbm>> -> memref<640xf32, #tpu.memory_space<hbm>>
      %dma_start3A_37 = tpu.memref_slice %arg7[%mul3A_33] : memref<10240xf32, #tpu.memory_space<vmem_shared>> -> memref<640xf32, #tpu.memory_space<vmem_shared>>
      tpu.enqueue_dma source(%dma_start3A_37 : memref<640xf32, #tpu.memory_space<vmem_shared>>) target(%dma_start3A_36 : memref<640xf32, #tpu.memory_space<hbm>>) target_semaphore(%run_scoped3A : memref<!tpu.dma_semaphore, #tpu.memory_space<semaphore_mem>>)
      %dma_wait3A = tpu.memref_slice %arg4[%arg0, %mul3A_35] : memref<2x10240xf32, #tpu.memory_space<hbm>> -> memref<1x640xf32, #tpu.memory_space<hbm>>
      %dma_wait3A_38 = tpu.memref_squeeze %dma_wait3A : memref<1x640xf32, #tpu.memory_space<hbm>> -> memref<640xf32, #tpu.memory_space<hbm>>
      %dma_wait3A_39 = tpu.memref_slice %arg7[%mul3A_33] : memref<10240xf32, #tpu.memory_space<vmem_shared>> -> memref<640xf32, #tpu.memory_space<vmem_shared>>
      tpu.wait_dma2 semaphore(%run_scoped3A : memref<!tpu.dma_semaphore, #tpu.memory_space<semaphore_mem>>) src(%dma_wait3A_39 : memref<640xf32, #tpu.memory_space<vmem_shared>>) dst(%dma_wait3A_38 : memref<640xf32, #tpu.memory_space<hbm>>)
      tpu.yield
    }) : () -> ()
    return
  }
}

#map = affine_map<(d0, d1) -> (0, 0)>
#map1 = affine_map<(d0, d1) -> (0, 0, 0)>
module attributes {stable_mosaic.version = 14 : i64} {
  func.func @_seg_kernel(%arg0: i32, %arg1: i32, %arg2: memref<10000x128xf32, #tpu.memory_space<hbm>>, %arg3: memref<32x160x64xi32, #tpu.memory_space<hbm>>, %arg4: memref<32x160x64xi32, #tpu.memory_space<hbm>>, %arg5: memref<10240x128xf32, #tpu.memory_space<hbm>>, %arg6: memref<2x10240x128xf32, #tpu.memory_space<hbm>>, %arg7: memref<80x64xi32, #tpu.memory_space<vmem>>, %arg8: memref<80x64xi32, #tpu.memory_space<vmem>>, %arg9: memref<64x128xf32, #tpu.memory_space<vmem>>, %arg10: memref<64x128xf32, #tpu.memory_space<vmem>>, %arg11: memref<64x128xf32, #tpu.memory_space<vmem>>, %arg12: memref<64x128xf32, #tpu.memory_space<vmem>>, %arg13: memref<!tpu.dma_semaphore, #tpu.memory_space<semaphore_mem>>, %arg14: memref<!tpu.dma_semaphore, #tpu.memory_space<semaphore_mem>>, %arg15: memref<!tpu.dma_semaphore, #tpu.memory_space<semaphore_mem>>, %arg16: memref<!tpu.dma_semaphore, #tpu.memory_space<semaphore_mem>>, %arg17: memref<!tpu.dma_semaphore, #tpu.memory_space<semaphore_mem>>, %arg18: memref<!tpu.dma_semaphore, #tpu.memory_space<semaphore_mem>>, %arg19: memref<!tpu.dma_semaphore, #tpu.memory_space<semaphore_mem>>, %arg20: memref<!tpu.dma_semaphore, #tpu.memory_space<semaphore_mem>>, %arg21: memref<10240x128xf32, #tpu.memory_space<vmem_shared>>) attributes {dimension_semantics = [#tpu.dimension_semantics<core_parallel>, #tpu.dimension_semantics<subcore_parallel>], iteration_bounds = array<i64: 2, 16>, scalar_prefetch = 0 : i64, scratch_operands = 15 : i64, tpu.core_type = #tpu.core_type<sc_vector_subcore>, window_params = [{transform_indices = #map}, {transform_indices = #map1}, {transform_indices = #map1}, {transform_indices = #map}, {transform_indices = #map1}]} {
    %mul3A = arith.constant 2 : i32
    %mul3A_0 = arith.muli %arg1, %mul3A : i32
    %add3A = arith.addi %mul3A_0, %arg0 : i32
    %mul3A_1 = arith.constant 640 : i32
    %mul3A_2 = arith.muli %arg1, %mul3A_1 : i32
    %mul3A_3 = arith.constant 640 : i32
    %mul3A_4 = arith.muli %arg1, %mul3A_3 : i32
    "tpu.region"() ({
      %run_scoped3A = tpu.sem_alloc : memref<!tpu.dma_semaphore, #tpu.memory_space<semaphore_mem>>
      %dma_start3A_74 = arith.constant 0 : i32
      %dma_start3A_75 = tpu.memref_slice %arg21[%mul3A_4, %dma_start3A_74] : memref<10240x128xf32, #tpu.memory_space<vmem_shared>> -> memref<640x128xf32, #tpu.memory_space<vmem_shared>>
      %dma_start3A_76 = arith.constant 0 : i32
      %dma_start3A_77 = tpu.memref_slice %arg5[%mul3A_2, %dma_start3A_76] : memref<10240x128xf32, #tpu.memory_space<hbm>> -> memref<640x128xf32, #tpu.memory_space<hbm>>
      tpu.enqueue_dma source(%dma_start3A_77 : memref<640x128xf32, #tpu.memory_space<hbm>>) target(%dma_start3A_75 : memref<640x128xf32, #tpu.memory_space<vmem_shared>>) target_semaphore(%run_scoped3A : memref<!tpu.dma_semaphore, #tpu.memory_space<semaphore_mem>>)
      %dma_wait3A = arith.constant 0 : i32
      %dma_wait3A_78 = tpu.memref_slice %arg21[%mul3A_4, %dma_wait3A] : memref<10240x128xf32, #tpu.memory_space<vmem_shared>> -> memref<640x128xf32, #tpu.memory_space<vmem_shared>>
      %dma_wait3A_79 = arith.constant 0 : i32
      %dma_wait3A_80 = tpu.memref_slice %arg5[%mul3A_2, %dma_wait3A_79] : memref<10240x128xf32, #tpu.memory_space<hbm>> -> memref<640x128xf32, #tpu.memory_space<hbm>>
      tpu.wait_dma2 semaphore(%run_scoped3A : memref<!tpu.dma_semaphore, #tpu.memory_space<semaphore_mem>>) src(%dma_wait3A_80 : memref<640x128xf32, #tpu.memory_space<hbm>>) dst(%dma_wait3A_78 : memref<640x128xf32, #tpu.memory_space<vmem_shared>>)
      tpu.yield
    }) : () -> ()
    %barrier3A = arith.constant 0 : index
    tpu.barrier barrier_id(%barrier3A)
    "tpu.region"() ({
      %run_scoped3A = tpu.sem_alloc : memref<!tpu.dma_semaphore, #tpu.memory_space<semaphore_mem>>
      %dma_start3A_74 = arith.constant 0 : i32
      %dma_start3A_75 = arith.constant 0 : i32
      %dma_start3A_76 = tpu.memref_slice %arg3[%add3A, %dma_start3A_74, %dma_start3A_75] : memref<32x160x64xi32, #tpu.memory_space<hbm>> -> memref<1x80x64xi32, #tpu.memory_space<hbm>>
      %dma_start3A_77 = tpu.memref_squeeze %dma_start3A_76 : memref<1x80x64xi32, #tpu.memory_space<hbm>> -> memref<80x64xi32, #tpu.memory_space<hbm>>
      %dma_start3A_78 = arith.constant 0 : i32
      %dma_start3A_79 = arith.constant 0 : i32
      %dma_start3A_80 = tpu.memref_slice %arg3[%add3A, %dma_start3A_78, %dma_start3A_79] : memref<32x160x64xi32, #tpu.memory_space<hbm>> -> memref<1x80x64xi32, #tpu.memory_space<hbm>>
      %dma_start3A_81 = tpu.memref_squeeze %dma_start3A_80 : memref<1x80x64xi32, #tpu.memory_space<hbm>> -> memref<80x64xi32, #tpu.memory_space<hbm>>
      tpu.enqueue_dma source(%dma_start3A_81 : memref<80x64xi32, #tpu.memory_space<hbm>>) target(%arg7 : memref<80x64xi32, #tpu.memory_space<vmem>>) target_semaphore(%run_scoped3A : memref<!tpu.dma_semaphore, #tpu.memory_space<semaphore_mem>>)
      %dma_wait3A = arith.constant 0 : i32
      %dma_wait3A_82 = arith.constant 0 : i32
      %dma_wait3A_83 = tpu.memref_slice %arg3[%add3A, %dma_wait3A, %dma_wait3A_82] : memref<32x160x64xi32, #tpu.memory_space<hbm>> -> memref<1x80x64xi32, #tpu.memory_space<hbm>>
      %dma_wait3A_84 = tpu.memref_squeeze %dma_wait3A_83 : memref<1x80x64xi32, #tpu.memory_space<hbm>> -> memref<80x64xi32, #tpu.memory_space<hbm>>
      %dma_wait3A_85 = arith.constant 0 : i32
      %dma_wait3A_86 = arith.constant 0 : i32
      %dma_wait3A_87 = tpu.memref_slice %arg3[%add3A, %dma_wait3A_85, %dma_wait3A_86] : memref<32x160x64xi32, #tpu.memory_space<hbm>> -> memref<1x80x64xi32, #tpu.memory_space<hbm>>
      %dma_wait3A_88 = tpu.memref_squeeze %dma_wait3A_87 : memref<1x80x64xi32, #tpu.memory_space<hbm>> -> memref<80x64xi32, #tpu.memory_space<hbm>>
      tpu.wait_dma2 semaphore(%run_scoped3A : memref<!tpu.dma_semaphore, #tpu.memory_space<semaphore_mem>>) src(%dma_wait3A_88 : memref<80x64xi32, #tpu.memory_space<hbm>>) dst(%arg7 : memref<80x64xi32, #tpu.memory_space<vmem>>)
      tpu.yield
    }) : () -> ()
    "tpu.region"() ({
      %run_scoped3A = tpu.sem_alloc : memref<!tpu.dma_semaphore, #tpu.memory_space<semaphore_mem>>
      %dma_start3A_74 = arith.constant 0 : i32
      %dma_start3A_75 = arith.constant 0 : i32
      %dma_start3A_76 = tpu.memref_slice %arg4[%add3A, %dma_start3A_74, %dma_start3A_75] : memref<32x160x64xi32, #tpu.memory_space<hbm>> -> memref<1x80x64xi32, #tpu.memory_space<hbm>>
      %dma_start3A_77 = tpu.memref_squeeze %dma_start3A_76 : memref<1x80x64xi32, #tpu.memory_space<hbm>> -> memref<80x64xi32, #tpu.memory_space<hbm>>
      %dma_start3A_78 = arith.constant 0 : i32
      %dma_start3A_79 = arith.constant 0 : i32
      %dma_start3A_80 = tpu.memref_slice %arg4[%add3A, %dma_start3A_78, %dma_start3A_79] : memref<32x160x64xi32, #tpu.memory_space<hbm>> -> memref<1x80x64xi32, #tpu.memory_space<hbm>>
      %dma_start3A_81 = tpu.memref_squeeze %dma_start3A_80 : memref<1x80x64xi32, #tpu.memory_space<hbm>> -> memref<80x64xi32, #tpu.memory_space<hbm>>
      tpu.enqueue_dma source(%dma_start3A_81 : memref<80x64xi32, #tpu.memory_space<hbm>>) target(%arg8 : memref<80x64xi32, #tpu.memory_space<vmem>>) target_semaphore(%run_scoped3A : memref<!tpu.dma_semaphore, #tpu.memory_space<semaphore_mem>>)
      %dma_wait3A = arith.constant 0 : i32
      %dma_wait3A_82 = arith.constant 0 : i32
      %dma_wait3A_83 = tpu.memref_slice %arg4[%add3A, %dma_wait3A, %dma_wait3A_82] : memref<32x160x64xi32, #tpu.memory_space<hbm>> -> memref<1x80x64xi32, #tpu.memory_space<hbm>>
      %dma_wait3A_84 = tpu.memref_squeeze %dma_wait3A_83 : memref<1x80x64xi32, #tpu.memory_space<hbm>> -> memref<80x64xi32, #tpu.memory_space<hbm>>
      %dma_wait3A_85 = arith.constant 0 : i32
      %dma_wait3A_86 = arith.constant 0 : i32
      %dma_wait3A_87 = tpu.memref_slice %arg4[%add3A, %dma_wait3A_85, %dma_wait3A_86] : memref<32x160x64xi32, #tpu.memory_space<hbm>> -> memref<1x80x64xi32, #tpu.memory_space<hbm>>
      %dma_wait3A_88 = tpu.memref_squeeze %dma_wait3A_87 : memref<1x80x64xi32, #tpu.memory_space<hbm>> -> memref<80x64xi32, #tpu.memory_space<hbm>>
      tpu.wait_dma2 semaphore(%run_scoped3A : memref<!tpu.dma_semaphore, #tpu.memory_space<semaphore_mem>>) src(%dma_wait3A_88 : memref<80x64xi32, #tpu.memory_space<hbm>>) dst(%arg8 : memref<80x64xi32, #tpu.memory_space<vmem>>)
      tpu.yield
    }) : () -> ()
    %dma_start3A = arith.constant 0 : i32
    %dma_start3A_5 = arith.constant 0 : i32
    %dma_start3A_6 = tpu.memref_slice %arg7[%dma_start3A, %dma_start3A_5] : memref<80x64xi32, #tpu.memory_space<vmem>> -> memref<1x64xi32, #tpu.memory_space<vmem>>
    %dma_start3A_7 = tpu.memref_squeeze %dma_start3A_6 : memref<1x64xi32, #tpu.memory_space<vmem>> -> memref<64xi32, #tpu.memory_space<vmem>>
    %dma_start3A_8 = arith.constant 0 : i32
    %dma_start3A_9 = arith.constant 0 : i32
    %dma_start3A_10 = tpu.memref_slice %arg2[%dma_start3A_8, %dma_start3A_9] : memref<10000x128xf32, #tpu.memory_space<hbm>> -> memref<10000x128xf32, #tpu.memory_space<hbm>>
    tpu.enqueue_indirect_dma source(%dma_start3A_10 : memref<10000x128xf32, #tpu.memory_space<hbm>>) target(%arg9 : memref<64x128xf32, #tpu.memory_space<vmem>>) offsets(%dma_start3A_7 : memref<64xi32, #tpu.memory_space<vmem>>) semaphore(%arg13 : memref<!tpu.dma_semaphore, #tpu.memory_space<semaphore_mem>>)
    %dma_start3A_11 = arith.constant 1 : i32
    %dma_start3A_12 = arith.constant 0 : i32
    %dma_start3A_13 = tpu.memref_slice %arg7[%dma_start3A_11, %dma_start3A_12] : memref<80x64xi32, #tpu.memory_space<vmem>> -> memref<1x64xi32, #tpu.memory_space<vmem>>
    %dma_start3A_14 = tpu.memref_squeeze %dma_start3A_13 : memref<1x64xi32, #tpu.memory_space<vmem>> -> memref<64xi32, #tpu.memory_space<vmem>>
    %dma_start3A_15 = arith.constant 0 : i32
    %dma_start3A_16 = arith.constant 0 : i32
    %dma_start3A_17 = tpu.memref_slice %arg2[%dma_start3A_15, %dma_start3A_16] : memref<10000x128xf32, #tpu.memory_space<hbm>> -> memref<10000x128xf32, #tpu.memory_space<hbm>>
    tpu.enqueue_indirect_dma source(%dma_start3A_17 : memref<10000x128xf32, #tpu.memory_space<hbm>>) target(%arg10 : memref<64x128xf32, #tpu.memory_space<vmem>>) offsets(%dma_start3A_14 : memref<64xi32, #tpu.memory_space<vmem>>) semaphore(%arg14 : memref<!tpu.dma_semaphore, #tpu.memory_space<semaphore_mem>>)
    %dma_start3A_18 = arith.constant 2 : i32
    %dma_start3A_19 = arith.constant 0 : i32
    %dma_start3A_20 = tpu.memref_slice %arg7[%dma_start3A_18, %dma_start3A_19] : memref<80x64xi32, #tpu.memory_space<vmem>> -> memref<1x64xi32, #tpu.memory_space<vmem>>
    %dma_start3A_21 = tpu.memref_squeeze %dma_start3A_20 : memref<1x64xi32, #tpu.memory_space<vmem>> -> memref<64xi32, #tpu.memory_space<vmem>>
    %dma_start3A_22 = arith.constant 0 : i32
    %dma_start3A_23 = arith.constant 0 : i32
    %dma_start3A_24 = tpu.memref_slice %arg2[%dma_start3A_22, %dma_start3A_23] : memref<10000x128xf32, #tpu.memory_space<hbm>> -> memref<10000x128xf32, #tpu.memory_space<hbm>>
    tpu.enqueue_indirect_dma source(%dma_start3A_24 : memref<10000x128xf32, #tpu.memory_space<hbm>>) target(%arg11 : memref<64x128xf32, #tpu.memory_space<vmem>>) offsets(%dma_start3A_21 : memref<64xi32, #tpu.memory_space<vmem>>) semaphore(%arg15 : memref<!tpu.dma_semaphore, #tpu.memory_space<semaphore_mem>>)
    %dma_start3A_25 = arith.constant 3 : i32
    %dma_start3A_26 = arith.constant 0 : i32
    %dma_start3A_27 = tpu.memref_slice %arg7[%dma_start3A_25, %dma_start3A_26] : memref<80x64xi32, #tpu.memory_space<vmem>> -> memref<1x64xi32, #tpu.memory_space<vmem>>
    %dma_start3A_28 = tpu.memref_squeeze %dma_start3A_27 : memref<1x64xi32, #tpu.memory_space<vmem>> -> memref<64xi32, #tpu.memory_space<vmem>>
    %dma_start3A_29 = arith.constant 0 : i32
    %dma_start3A_30 = arith.constant 0 : i32
    %dma_start3A_31 = tpu.memref_slice %arg2[%dma_start3A_29, %dma_start3A_30] : memref<10000x128xf32, #tpu.memory_space<hbm>> -> memref<10000x128xf32, #tpu.memory_space<hbm>>
    tpu.enqueue_indirect_dma source(%dma_start3A_31 : memref<10000x128xf32, #tpu.memory_space<hbm>>) target(%arg12 : memref<64x128xf32, #tpu.memory_space<vmem>>) offsets(%dma_start3A_28 : memref<64xi32, #tpu.memory_space<vmem>>) semaphore(%arg16 : memref<!tpu.dma_semaphore, #tpu.memory_space<semaphore_mem>>)
    %scan3A = arith.constant 0 : i32
    %scan3A_32 = arith.constant 20 : i32
    %scan3A_33 = arith.addi %scan3A, %scan3A_32 : i32
    %scan3A_34 = arith.constant 1 : i32
    scf.for %scan3A_74 = %scan3A to %scan3A_33 step %scan3A_34  : i32 {
      %mul3A_75 = arith.constant 4 : i32
      %mul3A_76 = arith.muli %scan3A_74, %mul3A_75 : i32
      %add3A_77 = arith.constant 0 : i32
      %add3A_78 = arith.addi %add3A_77, %mul3A_76 : i32
      %add3A_79 = arith.constant 0 : i32
      %add3A_80 = arith.addi %add3A_78, %add3A_79 : i32
      %dma_wait3A = arith.constant 0 : i32
      %dma_wait3A_81 = tpu.memref_slice %arg7[%add3A_80, %dma_wait3A] : memref<80x64xi32, #tpu.memory_space<vmem>> -> memref<1x64xi32, #tpu.memory_space<vmem>>
      %dma_wait3A_82 = tpu.memref_squeeze %dma_wait3A_81 : memref<1x64xi32, #tpu.memory_space<vmem>> -> memref<64xi32, #tpu.memory_space<vmem>>
      %dma_wait3A_83 = arith.constant 0 : i32
      %dma_wait3A_84 = arith.constant 0 : i32
      %dma_wait3A_85 = tpu.memref_slice %arg2[%dma_wait3A_83, %dma_wait3A_84] : memref<10000x128xf32, #tpu.memory_space<hbm>> -> memref<10000x128xf32, #tpu.memory_space<hbm>>
      tpu.wait_indirect_dma semaphore(%arg13 : memref<!tpu.dma_semaphore, #tpu.memory_space<semaphore_mem>>) src(%dma_wait3A_85 : memref<10000x128xf32, #tpu.memory_space<hbm>>) dst(%arg9 : memref<64x128xf32, #tpu.memory_space<vmem>>)
      %dma_start3A_86 = arith.constant 0 : i32
      %dma_start3A_87 = tpu.memref_slice %arg8[%add3A_80, %dma_start3A_86] : memref<80x64xi32, #tpu.memory_space<vmem>> -> memref<1x64xi32, #tpu.memory_space<vmem>>
      %dma_start3A_88 = tpu.memref_squeeze %dma_start3A_87 : memref<1x64xi32, #tpu.memory_space<vmem>> -> memref<64xi32, #tpu.memory_space<vmem>>
      %dma_start3A_89 = arith.constant 0 : i32
      %dma_start3A_90 = arith.constant 0 : i32
      %dma_start3A_91 = tpu.memref_slice %arg21[%dma_start3A_89, %dma_start3A_90] : memref<10240x128xf32, #tpu.memory_space<vmem_shared>> -> memref<10240x128xf32, #tpu.memory_space<vmem_shared>>
      tpu.enqueue_indirect_dma source(%arg9 : memref<64x128xf32, #tpu.memory_space<vmem>>) target(%dma_start3A_91 : memref<10240x128xf32, #tpu.memory_space<vmem_shared>>) offsets(%dma_start3A_88 : memref<64xi32, #tpu.memory_space<vmem>>) semaphore(%arg17 : memref<!tpu.dma_semaphore, #tpu.memory_space<semaphore_mem>>) {add = true}
      %add3A_92 = arith.constant 1 : i32
      %add3A_93 = arith.addi %add3A_78, %add3A_92 : i32
      %dma_wait3A_94 = arith.constant 0 : i32
      %dma_wait3A_95 = tpu.memref_slice %arg7[%add3A_93, %dma_wait3A_94] : memref<80x64xi32, #tpu.memory_space<vmem>> -> memref<1x64xi32, #tpu.memory_space<vmem>>
      %dma_wait3A_96 = tpu.memref_squeeze %dma_wait3A_95 : memref<1x64xi32, #tpu.memory_space<vmem>> -> memref<64xi32, #tpu.memory_space<vmem>>
      %dma_wait3A_97 = arith.constant 0 : i32
      %dma_wait3A_98 = arith.constant 0 : i32
      %dma_wait3A_99 = tpu.memref_slice %arg2[%dma_wait3A_97, %dma_wait3A_98] : memref<10000x128xf32, #tpu.memory_space<hbm>> -> memref<10000x128xf32, #tpu.memory_space<hbm>>
      tpu.wait_indirect_dma semaphore(%arg14 : memref<!tpu.dma_semaphore, #tpu.memory_space<semaphore_mem>>) src(%dma_wait3A_99 : memref<10000x128xf32, #tpu.memory_space<hbm>>) dst(%arg10 : memref<64x128xf32, #tpu.memory_space<vmem>>)
      %dma_start3A_100 = arith.constant 0 : i32
      %dma_start3A_101 = tpu.memref_slice %arg8[%add3A_93, %dma_start3A_100] : memref<80x64xi32, #tpu.memory_space<vmem>> -> memref<1x64xi32, #tpu.memory_space<vmem>>
      %dma_start3A_102 = tpu.memref_squeeze %dma_start3A_101 : memref<1x64xi32, #tpu.memory_space<vmem>> -> memref<64xi32, #tpu.memory_space<vmem>>
      %dma_start3A_103 = arith.constant 0 : i32
      %dma_start3A_104 = arith.constant 0 : i32
      %dma_start3A_105 = tpu.memref_slice %arg21[%dma_start3A_103, %dma_start3A_104] : memref<10240x128xf32, #tpu.memory_space<vmem_shared>> -> memref<10240x128xf32, #tpu.memory_space<vmem_shared>>
      tpu.enqueue_indirect_dma source(%arg10 : memref<64x128xf32, #tpu.memory_space<vmem>>) target(%dma_start3A_105 : memref<10240x128xf32, #tpu.memory_space<vmem_shared>>) offsets(%dma_start3A_102 : memref<64xi32, #tpu.memory_space<vmem>>) semaphore(%arg18 : memref<!tpu.dma_semaphore, #tpu.memory_space<semaphore_mem>>) {add = true}
      %add3A_106 = arith.constant 2 : i32
      %add3A_107 = arith.addi %add3A_78, %add3A_106 : i32
      %dma_wait3A_108 = arith.constant 0 : i32
      %dma_wait3A_109 = tpu.memref_slice %arg7[%add3A_107, %dma_wait3A_108] : memref<80x64xi32, #tpu.memory_space<vmem>> -> memref<1x64xi32, #tpu.memory_space<vmem>>
      %dma_wait3A_110 = tpu.memref_squeeze %dma_wait3A_109 : memref<1x64xi32, #tpu.memory_space<vmem>> -> memref<64xi32, #tpu.memory_space<vmem>>
      %dma_wait3A_111 = arith.constant 0 : i32
      %dma_wait3A_112 = arith.constant 0 : i32
      %dma_wait3A_113 = tpu.memref_slice %arg2[%dma_wait3A_111, %dma_wait3A_112] : memref<10000x128xf32, #tpu.memory_space<hbm>> -> memref<10000x128xf32, #tpu.memory_space<hbm>>
      tpu.wait_indirect_dma semaphore(%arg15 : memref<!tpu.dma_semaphore, #tpu.memory_space<semaphore_mem>>) src(%dma_wait3A_113 : memref<10000x128xf32, #tpu.memory_space<hbm>>) dst(%arg11 : memref<64x128xf32, #tpu.memory_space<vmem>>)
      %dma_start3A_114 = arith.constant 0 : i32
      %dma_start3A_115 = tpu.memref_slice %arg8[%add3A_107, %dma_start3A_114] : memref<80x64xi32, #tpu.memory_space<vmem>> -> memref<1x64xi32, #tpu.memory_space<vmem>>
      %dma_start3A_116 = tpu.memref_squeeze %dma_start3A_115 : memref<1x64xi32, #tpu.memory_space<vmem>> -> memref<64xi32, #tpu.memory_space<vmem>>
      %dma_start3A_117 = arith.constant 0 : i32
      %dma_start3A_118 = arith.constant 0 : i32
      %dma_start3A_119 = tpu.memref_slice %arg21[%dma_start3A_117, %dma_start3A_118] : memref<10240x128xf32, #tpu.memory_space<vmem_shared>> -> memref<10240x128xf32, #tpu.memory_space<vmem_shared>>
      tpu.enqueue_indirect_dma source(%arg11 : memref<64x128xf32, #tpu.memory_space<vmem>>) target(%dma_start3A_119 : memref<10240x128xf32, #tpu.memory_space<vmem_shared>>) offsets(%dma_start3A_116 : memref<64xi32, #tpu.memory_space<vmem>>) semaphore(%arg19 : memref<!tpu.dma_semaphore, #tpu.memory_space<semaphore_mem>>) {add = true}
      %add3A_120 = arith.constant 3 : i32
      %add3A_121 = arith.addi %add3A_78, %add3A_120 : i32
      %dma_wait3A_122 = arith.constant 0 : i32
      %dma_wait3A_123 = tpu.memref_slice %arg7[%add3A_121, %dma_wait3A_122] : memref<80x64xi32, #tpu.memory_space<vmem>> -> memref<1x64xi32, #tpu.memory_space<vmem>>
      %dma_wait3A_124 = tpu.memref_squeeze %dma_wait3A_123 : memref<1x64xi32, #tpu.memory_space<vmem>> -> memref<64xi32, #tpu.memory_space<vmem>>
      %dma_wait3A_125 = arith.constant 0 : i32
      %dma_wait3A_126 = arith.constant 0 : i32
      %dma_wait3A_127 = tpu.memref_slice %arg2[%dma_wait3A_125, %dma_wait3A_126] : memref<10000x128xf32, #tpu.memory_space<hbm>> -> memref<10000x128xf32, #tpu.memory_space<hbm>>
      tpu.wait_indirect_dma semaphore(%arg16 : memref<!tpu.dma_semaphore, #tpu.memory_space<semaphore_mem>>) src(%dma_wait3A_127 : memref<10000x128xf32, #tpu.memory_space<hbm>>) dst(%arg12 : memref<64x128xf32, #tpu.memory_space<vmem>>)
      %dma_start3A_128 = arith.constant 0 : i32
      %dma_start3A_129 = tpu.memref_slice %arg8[%add3A_121, %dma_start3A_128] : memref<80x64xi32, #tpu.memory_space<vmem>> -> memref<1x64xi32, #tpu.memory_space<vmem>>
      %dma_start3A_130 = tpu.memref_squeeze %dma_start3A_129 : memref<1x64xi32, #tpu.memory_space<vmem>> -> memref<64xi32, #tpu.memory_space<vmem>>
      %dma_start3A_131 = arith.constant 0 : i32
      %dma_start3A_132 = arith.constant 0 : i32
      %dma_start3A_133 = tpu.memref_slice %arg21[%dma_start3A_131, %dma_start3A_132] : memref<10240x128xf32, #tpu.memory_space<vmem_shared>> -> memref<10240x128xf32, #tpu.memory_space<vmem_shared>>
      tpu.enqueue_indirect_dma source(%arg12 : memref<64x128xf32, #tpu.memory_space<vmem>>) target(%dma_start3A_133 : memref<10240x128xf32, #tpu.memory_space<vmem_shared>>) offsets(%dma_start3A_130 : memref<64xi32, #tpu.memory_space<vmem>>) semaphore(%arg20 : memref<!tpu.dma_semaphore, #tpu.memory_space<semaphore_mem>>) {add = true}
      %add3A_134 = arith.constant 0 : i32
      %add3A_135 = arith.addi %add3A_78, %add3A_134 : i32
      %dma_wait3A_136 = arith.constant 0 : i32
      %dma_wait3A_137 = tpu.memref_slice %arg8[%add3A_135, %dma_wait3A_136] : memref<80x64xi32, #tpu.memory_space<vmem>> -> memref<1x64xi32, #tpu.memory_space<vmem>>
      %dma_wait3A_138 = tpu.memref_squeeze %dma_wait3A_137 : memref<1x64xi32, #tpu.memory_space<vmem>> -> memref<64xi32, #tpu.memory_space<vmem>>
      %dma_wait3A_139 = arith.constant 0 : i32
      %dma_wait3A_140 = arith.constant 0 : i32
      %dma_wait3A_141 = tpu.memref_slice %arg21[%dma_wait3A_139, %dma_wait3A_140] : memref<10240x128xf32, #tpu.memory_space<vmem_shared>> -> memref<10240x128xf32, #tpu.memory_space<vmem_shared>>
      tpu.wait_indirect_dma semaphore(%arg17 : memref<!tpu.dma_semaphore, #tpu.memory_space<semaphore_mem>>) src(%arg9 : memref<64x128xf32, #tpu.memory_space<vmem>>) dst(%dma_wait3A_141 : memref<10240x128xf32, #tpu.memory_space<vmem_shared>>)
      %add3A_142 = arith.constant 0 : i32
      %add3A_143 = arith.addi %add3A_78, %add3A_142 : i32
      %add3A_144 = arith.constant 4 : i32
      %add3A_145 = arith.addi %add3A_143, %add3A_144 : i32
      %lt3A = arith.constant 80 : i32
      %lt3A_146 = arith.cmpi slt, %add3A_145, %lt3A : i32
      %convert_element_type3A = arith.extui %lt3A_146 : i1 to i32
      %cond3A = arith.constant 0 : i32
      %cond3A_147 = arith.cmpi ne, %convert_element_type3A, %cond3A : i32
      scf.if %cond3A_147 {
        %dma_start3A_199 = arith.constant 0 : i32
        %dma_start3A_200 = tpu.memref_slice %arg7[%add3A_145, %dma_start3A_199] : memref<80x64xi32, #tpu.memory_space<vmem>> -> memref<1x64xi32, #tpu.memory_space<vmem>>
        %dma_start3A_201 = tpu.memref_squeeze %dma_start3A_200 : memref<1x64xi32, #tpu.memory_space<vmem>> -> memref<64xi32, #tpu.memory_space<vmem>>
        %dma_start3A_202 = arith.constant 0 : i32
        %dma_start3A_203 = arith.constant 0 : i32
        %dma_start3A_204 = tpu.memref_slice %arg2[%dma_start3A_202, %dma_start3A_203] : memref<10000x128xf32, #tpu.memory_space<hbm>> -> memref<10000x128xf32, #tpu.memory_space<hbm>>
        tpu.enqueue_indirect_dma source(%dma_start3A_204 : memref<10000x128xf32, #tpu.memory_space<hbm>>) target(%arg9 : memref<64x128xf32, #tpu.memory_space<vmem>>) offsets(%dma_start3A_201 : memref<64xi32, #tpu.memory_space<vmem>>) semaphore(%arg13 : memref<!tpu.dma_semaphore, #tpu.memory_space<semaphore_mem>>)
      } else {
      }
      %add3A_148 = arith.constant 1 : i32
      %add3A_149 = arith.addi %add3A_78, %add3A_148 : i32
      %dma_wait3A_150 = arith.constant 0 : i32
      %dma_wait3A_151 = tpu.memref_slice %arg8[%add3A_149, %dma_wait3A_150] : memref<80x64xi32, #tpu.memory_space<vmem>> -> memref<1x64xi32, #tpu.memory_space<vmem>>
      %dma_wait3A_152 = tpu.memref_squeeze %dma_wait3A_151 : memref<1x64xi32, #tpu.memory_space<vmem>> -> memref<64xi32, #tpu.memory_space<vmem>>
      %dma_wait3A_153 = arith.constant 0 : i32
      %dma_wait3A_154 = arith.constant 0 : i32
      %dma_wait3A_155 = tpu.memref_slice %arg21[%dma_wait3A_153, %dma_wait3A_154] : memref<10240x128xf32, #tpu.memory_space<vmem_shared>> -> memref<10240x128xf32, #tpu.memory_space<vmem_shared>>
      tpu.wait_indirect_dma semaphore(%arg18 : memref<!tpu.dma_semaphore, #tpu.memory_space<semaphore_mem>>) src(%arg10 : memref<64x128xf32, #tpu.memory_space<vmem>>) dst(%dma_wait3A_155 : memref<10240x128xf32, #tpu.memory_space<vmem_shared>>)
      %add3A_156 = arith.constant 1 : i32
      %add3A_157 = arith.addi %add3A_78, %add3A_156 : i32
      %add3A_158 = arith.constant 4 : i32
      %add3A_159 = arith.addi %add3A_157, %add3A_158 : i32
      %lt3A_160 = arith.constant 80 : i32
      %lt3A_161 = arith.cmpi slt, %add3A_159, %lt3A_160 : i32
      %convert_element_type3A_162 = arith.extui %lt3A_161 : i1 to i32
      %cond3A_163 = arith.constant 0 : i32
      %cond3A_164 = arith.cmpi ne, %convert_element_type3A_162, %cond3A_163 : i32
      scf.if %cond3A_164 {
        %dma_start3A_199 = arith.constant 0 : i32
        %dma_start3A_200 = tpu.memref_slice %arg7[%add3A_159, %dma_start3A_199] : memref<80x64xi32, #tpu.memory_space<vmem>> -> memref<1x64xi32, #tpu.memory_space<vmem>>
        %dma_start3A_201 = tpu.memref_squeeze %dma_start3A_200 : memref<1x64xi32, #tpu.memory_space<vmem>> -> memref<64xi32, #tpu.memory_space<vmem>>
        %dma_start3A_202 = arith.constant 0 : i32
        %dma_start3A_203 = arith.constant 0 : i32
        %dma_start3A_204 = tpu.memref_slice %arg2[%dma_start3A_202, %dma_start3A_203] : memref<10000x128xf32, #tpu.memory_space<hbm>> -> memref<10000x128xf32, #tpu.memory_space<hbm>>
        tpu.enqueue_indirect_dma source(%dma_start3A_204 : memref<10000x128xf32, #tpu.memory_space<hbm>>) target(%arg10 : memref<64x128xf32, #tpu.memory_space<vmem>>) offsets(%dma_start3A_201 : memref<64xi32, #tpu.memory_space<vmem>>) semaphore(%arg14 : memref<!tpu.dma_semaphore, #tpu.memory_space<semaphore_mem>>)
      } else {
      }
      %add3A_165 = arith.constant 2 : i32
      %add3A_166 = arith.addi %add3A_78, %add3A_165 : i32
      %dma_wait3A_167 = arith.constant 0 : i32
      %dma_wait3A_168 = tpu.memref_slice %arg8[%add3A_166, %dma_wait3A_167] : memref<80x64xi32, #tpu.memory_space<vmem>> -> memref<1x64xi32, #tpu.memory_space<vmem>>
      %dma_wait3A_169 = tpu.memref_squeeze %dma_wait3A_168 : memref<1x64xi32, #tpu.memory_space<vmem>> -> memref<64xi32, #tpu.memory_space<vmem>>
      %dma_wait3A_170 = arith.constant 0 : i32
      %dma_wait3A_171 = arith.constant 0 : i32
      %dma_wait3A_172 = tpu.memref_slice %arg21[%dma_wait3A_170, %dma_wait3A_171] : memref<10240x128xf32, #tpu.memory_space<vmem_shared>> -> memref<10240x128xf32, #tpu.memory_space<vmem_shared>>
      tpu.wait_indirect_dma semaphore(%arg19 : memref<!tpu.dma_semaphore, #tpu.memory_space<semaphore_mem>>) src(%arg11 : memref<64x128xf32, #tpu.memory_space<vmem>>) dst(%dma_wait3A_172 : memref<10240x128xf32, #tpu.memory_space<vmem_shared>>)
      %add3A_173 = arith.constant 2 : i32
      %add3A_174 = arith.addi %add3A_78, %add3A_173 : i32
      %add3A_175 = arith.constant 4 : i32
      %add3A_176 = arith.addi %add3A_174, %add3A_175 : i32
      %lt3A_177 = arith.constant 80 : i32
      %lt3A_178 = arith.cmpi slt, %add3A_176, %lt3A_177 : i32
      %convert_element_type3A_179 = arith.extui %lt3A_178 : i1 to i32
      %cond3A_180 = arith.constant 0 : i32
      %cond3A_181 = arith.cmpi ne, %convert_element_type3A_179, %cond3A_180 : i32
      scf.if %cond3A_181 {
        %dma_start3A_199 = arith.constant 0 : i32
        %dma_start3A_200 = tpu.memref_slice %arg7[%add3A_176, %dma_start3A_199] : memref<80x64xi32, #tpu.memory_space<vmem>> -> memref<1x64xi32, #tpu.memory_space<vmem>>
        %dma_start3A_201 = tpu.memref_squeeze %dma_start3A_200 : memref<1x64xi32, #tpu.memory_space<vmem>> -> memref<64xi32, #tpu.memory_space<vmem>>
        %dma_start3A_202 = arith.constant 0 : i32
        %dma_start3A_203 = arith.constant 0 : i32
        %dma_start3A_204 = tpu.memref_slice %arg2[%dma_start3A_202, %dma_start3A_203] : memref<10000x128xf32, #tpu.memory_space<hbm>> -> memref<10000x128xf32, #tpu.memory_space<hbm>>
        tpu.enqueue_indirect_dma source(%dma_start3A_204 : memref<10000x128xf32, #tpu.memory_space<hbm>>) target(%arg11 : memref<64x128xf32, #tpu.memory_space<vmem>>) offsets(%dma_start3A_201 : memref<64xi32, #tpu.memory_space<vmem>>) semaphore(%arg15 : memref<!tpu.dma_semaphore, #tpu.memory_space<semaphore_mem>>)
      } else {
      }
      %add3A_182 = arith.constant 3 : i32
      %add3A_183 = arith.addi %add3A_78, %add3A_182 : i32
      %dma_wait3A_184 = arith.constant 0 : i32
      %dma_wait3A_185 = tpu.memref_slice %arg8[%add3A_183, %dma_wait3A_184] : memref<80x64xi32, #tpu.memory_space<vmem>> -> memref<1x64xi32, #tpu.memory_space<vmem>>
      %dma_wait3A_186 = tpu.memref_squeeze %dma_wait3A_185 : memref<1x64xi32, #tpu.memory_space<vmem>> -> memref<64xi32, #tpu.memory_space<vmem>>
      %dma_wait3A_187 = arith.constant 0 : i32
      %dma_wait3A_188 = arith.constant 0 : i32
      %dma_wait3A_189 = tpu.memref_slice %arg21[%dma_wait3A_187, %dma_wait3A_188] : memref<10240x128xf32, #tpu.memory_space<vmem_shared>> -> memref<10240x128xf32, #tpu.memory_space<vmem_shared>>
      tpu.wait_indirect_dma semaphore(%arg20 : memref<!tpu.dma_semaphore, #tpu.memory_space<semaphore_mem>>) src(%arg12 : memref<64x128xf32, #tpu.memory_space<vmem>>) dst(%dma_wait3A_189 : memref<10240x128xf32, #tpu.memory_space<vmem_shared>>)
      %add3A_190 = arith.constant 3 : i32
      %add3A_191 = arith.addi %add3A_78, %add3A_190 : i32
      %add3A_192 = arith.constant 4 : i32
      %add3A_193 = arith.addi %add3A_191, %add3A_192 : i32
      %lt3A_194 = arith.constant 80 : i32
      %lt3A_195 = arith.cmpi slt, %add3A_193, %lt3A_194 : i32
      %convert_element_type3A_196 = arith.extui %lt3A_195 : i1 to i32
      %cond3A_197 = arith.constant 0 : i32
      %cond3A_198 = arith.cmpi ne, %convert_element_type3A_196, %cond3A_197 : i32
      scf.if %cond3A_198 {
        %dma_start3A_199 = arith.constant 0 : i32
        %dma_start3A_200 = tpu.memref_slice %arg7[%add3A_193, %dma_start3A_199] : memref<80x64xi32, #tpu.memory_space<vmem>> -> memref<1x64xi32, #tpu.memory_space<vmem>>
        %dma_start3A_201 = tpu.memref_squeeze %dma_start3A_200 : memref<1x64xi32, #tpu.memory_space<vmem>> -> memref<64xi32, #tpu.memory_space<vmem>>
        %dma_start3A_202 = arith.constant 0 : i32
        %dma_start3A_203 = arith.constant 0 : i32
        %dma_start3A_204 = tpu.memref_slice %arg2[%dma_start3A_202, %dma_start3A_203] : memref<10000x128xf32, #tpu.memory_space<hbm>> -> memref<10000x128xf32, #tpu.memory_space<hbm>>
        tpu.enqueue_indirect_dma source(%dma_start3A_204 : memref<10000x128xf32, #tpu.memory_space<hbm>>) target(%arg12 : memref<64x128xf32, #tpu.memory_space<vmem>>) offsets(%dma_start3A_201 : memref<64xi32, #tpu.memory_space<vmem>>) semaphore(%arg16 : memref<!tpu.dma_semaphore, #tpu.memory_space<semaphore_mem>>)
      } else {
      }
    }
    %scan3A_35 = arith.constant 20 : i32
    "tpu.region"() ({
      %run_scoped3A = tpu.sem_alloc : memref<!tpu.dma_semaphore, #tpu.memory_space<semaphore_mem>>
      %dma_start3A_74 = arith.constant 80 : i32
      %dma_start3A_75 = arith.constant 0 : i32
      %dma_start3A_76 = tpu.memref_slice %arg3[%add3A, %dma_start3A_74, %dma_start3A_75] : memref<32x160x64xi32, #tpu.memory_space<hbm>> -> memref<1x80x64xi32, #tpu.memory_space<hbm>>
      %dma_start3A_77 = tpu.memref_squeeze %dma_start3A_76 : memref<1x80x64xi32, #tpu.memory_space<hbm>> -> memref<80x64xi32, #tpu.memory_space<hbm>>
      %dma_start3A_78 = arith.constant 80 : i32
      %dma_start3A_79 = arith.constant 0 : i32
      %dma_start3A_80 = tpu.memref_slice %arg3[%add3A, %dma_start3A_78, %dma_start3A_79] : memref<32x160x64xi32, #tpu.memory_space<hbm>> -> memref<1x80x64xi32, #tpu.memory_space<hbm>>
      %dma_start3A_81 = tpu.memref_squeeze %dma_start3A_80 : memref<1x80x64xi32, #tpu.memory_space<hbm>> -> memref<80x64xi32, #tpu.memory_space<hbm>>
      tpu.enqueue_dma source(%dma_start3A_81 : memref<80x64xi32, #tpu.memory_space<hbm>>) target(%arg7 : memref<80x64xi32, #tpu.memory_space<vmem>>) target_semaphore(%run_scoped3A : memref<!tpu.dma_semaphore, #tpu.memory_space<semaphore_mem>>)
      %dma_wait3A = arith.constant 80 : i32
      %dma_wait3A_82 = arith.constant 0 : i32
      %dma_wait3A_83 = tpu.memref_slice %arg3[%add3A, %dma_wait3A, %dma_wait3A_82] : memref<32x160x64xi32, #tpu.memory_space<hbm>> -> memref<1x80x64xi32, #tpu.memory_space<hbm>>
      %dma_wait3A_84 = tpu.memref_squeeze %dma_wait3A_83 : memref<1x80x64xi32, #tpu.memory_space<hbm>> -> memref<80x64xi32, #tpu.memory_space<hbm>>
      %dma_wait3A_85 = arith.constant 80 : i32
      %dma_wait3A_86 = arith.constant 0 : i32
      %dma_wait3A_87 = tpu.memref_slice %arg3[%add3A, %dma_wait3A_85, %dma_wait3A_86] : memref<32x160x64xi32, #tpu.memory_space<hbm>> -> memref<1x80x64xi32, #tpu.memory_space<hbm>>
      %dma_wait3A_88 = tpu.memref_squeeze %dma_wait3A_87 : memref<1x80x64xi32, #tpu.memory_space<hbm>> -> memref<80x64xi32, #tpu.memory_space<hbm>>
      tpu.wait_dma2 semaphore(%run_scoped3A : memref<!tpu.dma_semaphore, #tpu.memory_space<semaphore_mem>>) src(%dma_wait3A_88 : memref<80x64xi32, #tpu.memory_space<hbm>>) dst(%arg7 : memref<80x64xi32, #tpu.memory_space<vmem>>)
      tpu.yield
    }) : () -> ()
    "tpu.region"() ({
      %run_scoped3A = tpu.sem_alloc : memref<!tpu.dma_semaphore, #tpu.memory_space<semaphore_mem>>
      %dma_start3A_74 = arith.constant 80 : i32
      %dma_start3A_75 = arith.constant 0 : i32
      %dma_start3A_76 = tpu.memref_slice %arg4[%add3A, %dma_start3A_74, %dma_start3A_75] : memref<32x160x64xi32, #tpu.memory_space<hbm>> -> memref<1x80x64xi32, #tpu.memory_space<hbm>>
      %dma_start3A_77 = tpu.memref_squeeze %dma_start3A_76 : memref<1x80x64xi32, #tpu.memory_space<hbm>> -> memref<80x64xi32, #tpu.memory_space<hbm>>
      %dma_start3A_78 = arith.constant 80 : i32
      %dma_start3A_79 = arith.constant 0 : i32
      %dma_start3A_80 = tpu.memref_slice %arg4[%add3A, %dma_start3A_78, %dma_start3A_79] : memref<32x160x64xi32, #tpu.memory_space<hbm>> -> memref<1x80x64xi32, #tpu.memory_space<hbm>>
      %dma_start3A_81 = tpu.memref_squeeze %dma_start3A_80 : memref<1x80x64xi32, #tpu.memory_space<hbm>> -> memref<80x64xi32, #tpu.memory_space<hbm>>
      tpu.enqueue_dma source(%dma_start3A_81 : memref<80x64xi32, #tpu.memory_space<hbm>>) target(%arg8 : memref<80x64xi32, #tpu.memory_space<vmem>>) target_semaphore(%run_scoped3A : memref<!tpu.dma_semaphore, #tpu.memory_space<semaphore_mem>>)
      %dma_wait3A = arith.constant 80 : i32
      %dma_wait3A_82 = arith.constant 0 : i32
      %dma_wait3A_83 = tpu.memref_slice %arg4[%add3A, %dma_wait3A, %dma_wait3A_82] : memref<32x160x64xi32, #tpu.memory_space<hbm>> -> memref<1x80x64xi32, #tpu.memory_space<hbm>>
      %dma_wait3A_84 = tpu.memref_squeeze %dma_wait3A_83 : memref<1x80x64xi32, #tpu.memory_space<hbm>> -> memref<80x64xi32, #tpu.memory_space<hbm>>
      %dma_wait3A_85 = arith.constant 80 : i32
      %dma_wait3A_86 = arith.constant 0 : i32
      %dma_wait3A_87 = tpu.memref_slice %arg4[%add3A, %dma_wait3A_85, %dma_wait3A_86] : memref<32x160x64xi32, #tpu.memory_space<hbm>> -> memref<1x80x64xi32, #tpu.memory_space<hbm>>
      %dma_wait3A_88 = tpu.memref_squeeze %dma_wait3A_87 : memref<1x80x64xi32, #tpu.memory_space<hbm>> -> memref<80x64xi32, #tpu.memory_space<hbm>>
      tpu.wait_dma2 semaphore(%run_scoped3A : memref<!tpu.dma_semaphore, #tpu.memory_space<semaphore_mem>>) src(%dma_wait3A_88 : memref<80x64xi32, #tpu.memory_space<hbm>>) dst(%arg8 : memref<80x64xi32, #tpu.memory_space<vmem>>)
      tpu.yield
    }) : () -> ()
    %dma_start3A_36 = arith.constant 0 : i32
    %dma_start3A_37 = arith.constant 0 : i32
    %dma_start3A_38 = tpu.memref_slice %arg7[%dma_start3A_36, %dma_start3A_37] : memref<80x64xi32, #tpu.memory_space<vmem>> -> memref<1x64xi32, #tpu.memory_space<vmem>>
    %dma_start3A_39 = tpu.memref_squeeze %dma_start3A_38 : memref<1x64xi32, #tpu.memory_space<vmem>> -> memref<64xi32, #tpu.memory_space<vmem>>
    %dma_start3A_40 = arith.constant 0 : i32
    %dma_start3A_41 = arith.constant 0 : i32
    %dma_start3A_42 = tpu.memref_slice %arg2[%dma_start3A_40, %dma_start3A_41] : memref<10000x128xf32, #tpu.memory_space<hbm>> -> memref<10000x128xf32, #tpu.memory_space<hbm>>
    tpu.enqueue_indirect_dma source(%dma_start3A_42 : memref<10000x128xf32, #tpu.memory_space<hbm>>) target(%arg9 : memref<64x128xf32, #tpu.memory_space<vmem>>) offsets(%dma_start3A_39 : memref<64xi32, #tpu.memory_space<vmem>>) semaphore(%arg13 : memref<!tpu.dma_semaphore, #tpu.memory_space<semaphore_mem>>)
    %dma_start3A_43 = arith.constant 1 : i32
    %dma_start3A_44 = arith.constant 0 : i32
    %dma_start3A_45 = tpu.memref_slice %arg7[%dma_start3A_43, %dma_start3A_44] : memref<80x64xi32, #tpu.memory_space<vmem>> -> memref<1x64xi32, #tpu.memory_space<vmem>>
    %dma_start3A_46 = tpu.memref_squeeze %dma_start3A_45 : memref<1x64xi32, #tpu.memory_space<vmem>> -> memref<64xi32, #tpu.memory_space<vmem>>
    %dma_start3A_47 = arith.constant 0 : i32
    %dma_start3A_48 = arith.constant 0 : i32
    %dma_start3A_49 = tpu.memref_slice %arg2[%dma_start3A_47, %dma_start3A_48] : memref<10000x128xf32, #tpu.memory_space<hbm>> -> memref<10000x128xf32, #tpu.memory_space<hbm>>
    tpu.enqueue_indirect_dma source(%dma_start3A_49 : memref<10000x128xf32, #tpu.memory_space<hbm>>) target(%arg10 : memref<64x128xf32, #tpu.memory_space<vmem>>) offsets(%dma_start3A_46 : memref<64xi32, #tpu.memory_space<vmem>>) semaphore(%arg14 : memref<!tpu.dma_semaphore, #tpu.memory_space<semaphore_mem>>)
    %dma_start3A_50 = arith.constant 2 : i32
    %dma_start3A_51 = arith.constant 0 : i32
    %dma_start3A_52 = tpu.memref_slice %arg7[%dma_start3A_50, %dma_start3A_51] : memref<80x64xi32, #tpu.memory_space<vmem>> -> memref<1x64xi32, #tpu.memory_space<vmem>>
    %dma_start3A_53 = tpu.memref_squeeze %dma_start3A_52 : memref<1x64xi32, #tpu.memory_space<vmem>> -> memref<64xi32, #tpu.memory_space<vmem>>
    %dma_start3A_54 = arith.constant 0 : i32
    %dma_start3A_55 = arith.constant 0 : i32
    %dma_start3A_56 = tpu.memref_slice %arg2[%dma_start3A_54, %dma_start3A_55] : memref<10000x128xf32, #tpu.memory_space<hbm>> -> memref<10000x128xf32, #tpu.memory_space<hbm>>
    tpu.enqueue_indirect_dma source(%dma_start3A_56 : memref<10000x128xf32, #tpu.memory_space<hbm>>) target(%arg11 : memref<64x128xf32, #tpu.memory_space<vmem>>) offsets(%dma_start3A_53 : memref<64xi32, #tpu.memory_space<vmem>>) semaphore(%arg15 : memref<!tpu.dma_semaphore, #tpu.memory_space<semaphore_mem>>)
    %dma_start3A_57 = arith.constant 3 : i32
    %dma_start3A_58 = arith.constant 0 : i32
    %dma_start3A_59 = tpu.memref_slice %arg7[%dma_start3A_57, %dma_start3A_58] : memref<80x64xi32, #tpu.memory_space<vmem>> -> memref<1x64xi32, #tpu.memory_space<vmem>>
    %dma_start3A_60 = tpu.memref_squeeze %dma_start3A_59 : memref<1x64xi32, #tpu.memory_space<vmem>> -> memref<64xi32, #tpu.memory_space<vmem>>
    %dma_start3A_61 = arith.constant 0 : i32
    %dma_start3A_62 = arith.constant 0 : i32
    %dma_start3A_63 = tpu.memref_slice %arg2[%dma_start3A_61, %dma_start3A_62] : memref<10000x128xf32, #tpu.memory_space<hbm>> -> memref<10000x128xf32, #tpu.memory_space<hbm>>
    tpu.enqueue_indirect_dma source(%dma_start3A_63 : memref<10000x128xf32, #tpu.memory_space<hbm>>) target(%arg12 : memref<64x128xf32, #tpu.memory_space<vmem>>) offsets(%dma_start3A_60 : memref<64xi32, #tpu.memory_space<vmem>>) semaphore(%arg16 : memref<!tpu.dma_semaphore, #tpu.memory_space<semaphore_mem>>)
    %scan3A_64 = arith.constant 0 : i32
    %scan3A_65 = arith.constant 20 : i32
    %scan3A_66 = arith.addi %scan3A_64, %scan3A_65 : i32
    %scan3A_67 = arith.constant 1 : i32
    scf.for %scan3A_74 = %scan3A_64 to %scan3A_66 step %scan3A_67  : i32 {
      %mul3A_75 = arith.constant 4 : i32
      %mul3A_76 = arith.muli %scan3A_74, %mul3A_75 : i32
      %add3A_77 = arith.constant 0 : i32
      %add3A_78 = arith.addi %add3A_77, %mul3A_76 : i32
      %add3A_79 = arith.constant 0 : i32
      %add3A_80 = arith.addi %add3A_78, %add3A_79 : i32
      %dma_wait3A = arith.constant 0 : i32
      %dma_wait3A_81 = tpu.memref_slice %arg7[%add3A_80, %dma_wait3A] : memref<80x64xi32, #tpu.memory_space<vmem>> -> memref<1x64xi32, #tpu.memory_space<vmem>>
      %dma_wait3A_82 = tpu.memref_squeeze %dma_wait3A_81 : memref<1x64xi32, #tpu.memory_space<vmem>> -> memref<64xi32, #tpu.memory_space<vmem>>
      %dma_wait3A_83 = arith.constant 0 : i32
      %dma_wait3A_84 = arith.constant 0 : i32
      %dma_wait3A_85 = tpu.memref_slice %arg2[%dma_wait3A_83, %dma_wait3A_84] : memref<10000x128xf32, #tpu.memory_space<hbm>> -> memref<10000x128xf32, #tpu.memory_space<hbm>>
      tpu.wait_indirect_dma semaphore(%arg13 : memref<!tpu.dma_semaphore, #tpu.memory_space<semaphore_mem>>) src(%dma_wait3A_85 : memref<10000x128xf32, #tpu.memory_space<hbm>>) dst(%arg9 : memref<64x128xf32, #tpu.memory_space<vmem>>)
      %dma_start3A_86 = arith.constant 0 : i32
      %dma_start3A_87 = tpu.memref_slice %arg8[%add3A_80, %dma_start3A_86] : memref<80x64xi32, #tpu.memory_space<vmem>> -> memref<1x64xi32, #tpu.memory_space<vmem>>
      %dma_start3A_88 = tpu.memref_squeeze %dma_start3A_87 : memref<1x64xi32, #tpu.memory_space<vmem>> -> memref<64xi32, #tpu.memory_space<vmem>>
      %dma_start3A_89 = arith.constant 0 : i32
      %dma_start3A_90 = arith.constant 0 : i32
      %dma_start3A_91 = tpu.memref_slice %arg21[%dma_start3A_89, %dma_start3A_90] : memref<10240x128xf32, #tpu.memory_space<vmem_shared>> -> memref<10240x128xf32, #tpu.memory_space<vmem_shared>>
      tpu.enqueue_indirect_dma source(%arg9 : memref<64x128xf32, #tpu.memory_space<vmem>>) target(%dma_start3A_91 : memref<10240x128xf32, #tpu.memory_space<vmem_shared>>) offsets(%dma_start3A_88 : memref<64xi32, #tpu.memory_space<vmem>>) semaphore(%arg17 : memref<!tpu.dma_semaphore, #tpu.memory_space<semaphore_mem>>) {add = true}
      %add3A_92 = arith.constant 1 : i32
      %add3A_93 = arith.addi %add3A_78, %add3A_92 : i32
      %dma_wait3A_94 = arith.constant 0 : i32
      %dma_wait3A_95 = tpu.memref_slice %arg7[%add3A_93, %dma_wait3A_94] : memref<80x64xi32, #tpu.memory_space<vmem>> -> memref<1x64xi32, #tpu.memory_space<vmem>>
      %dma_wait3A_96 = tpu.memref_squeeze %dma_wait3A_95 : memref<1x64xi32, #tpu.memory_space<vmem>> -> memref<64xi32, #tpu.memory_space<vmem>>
      %dma_wait3A_97 = arith.constant 0 : i32
      %dma_wait3A_98 = arith.constant 0 : i32
      %dma_wait3A_99 = tpu.memref_slice %arg2[%dma_wait3A_97, %dma_wait3A_98] : memref<10000x128xf32, #tpu.memory_space<hbm>> -> memref<10000x128xf32, #tpu.memory_space<hbm>>
      tpu.wait_indirect_dma semaphore(%arg14 : memref<!tpu.dma_semaphore, #tpu.memory_space<semaphore_mem>>) src(%dma_wait3A_99 : memref<10000x128xf32, #tpu.memory_space<hbm>>) dst(%arg10 : memref<64x128xf32, #tpu.memory_space<vmem>>)
      %dma_start3A_100 = arith.constant 0 : i32
      %dma_start3A_101 = tpu.memref_slice %arg8[%add3A_93, %dma_start3A_100] : memref<80x64xi32, #tpu.memory_space<vmem>> -> memref<1x64xi32, #tpu.memory_space<vmem>>
      %dma_start3A_102 = tpu.memref_squeeze %dma_start3A_101 : memref<1x64xi32, #tpu.memory_space<vmem>> -> memref<64xi32, #tpu.memory_space<vmem>>
      %dma_start3A_103 = arith.constant 0 : i32
      %dma_start3A_104 = arith.constant 0 : i32
      %dma_start3A_105 = tpu.memref_slice %arg21[%dma_start3A_103, %dma_start3A_104] : memref<10240x128xf32, #tpu.memory_space<vmem_shared>> -> memref<10240x128xf32, #tpu.memory_space<vmem_shared>>
      tpu.enqueue_indirect_dma source(%arg10 : memref<64x128xf32, #tpu.memory_space<vmem>>) target(%dma_start3A_105 : memref<10240x128xf32, #tpu.memory_space<vmem_shared>>) offsets(%dma_start3A_102 : memref<64xi32, #tpu.memory_space<vmem>>) semaphore(%arg18 : memref<!tpu.dma_semaphore, #tpu.memory_space<semaphore_mem>>) {add = true}
      %add3A_106 = arith.constant 2 : i32
      %add3A_107 = arith.addi %add3A_78, %add3A_106 : i32
      %dma_wait3A_108 = arith.constant 0 : i32
      %dma_wait3A_109 = tpu.memref_slice %arg7[%add3A_107, %dma_wait3A_108] : memref<80x64xi32, #tpu.memory_space<vmem>> -> memref<1x64xi32, #tpu.memory_space<vmem>>
      %dma_wait3A_110 = tpu.memref_squeeze %dma_wait3A_109 : memref<1x64xi32, #tpu.memory_space<vmem>> -> memref<64xi32, #tpu.memory_space<vmem>>
      %dma_wait3A_111 = arith.constant 0 : i32
      %dma_wait3A_112 = arith.constant 0 : i32
      %dma_wait3A_113 = tpu.memref_slice %arg2[%dma_wait3A_111, %dma_wait3A_112] : memref<10000x128xf32, #tpu.memory_space<hbm>> -> memref<10000x128xf32, #tpu.memory_space<hbm>>
      tpu.wait_indirect_dma semaphore(%arg15 : memref<!tpu.dma_semaphore, #tpu.memory_space<semaphore_mem>>) src(%dma_wait3A_113 : memref<10000x128xf32, #tpu.memory_space<hbm>>) dst(%arg11 : memref<64x128xf32, #tpu.memory_space<vmem>>)
      %dma_start3A_114 = arith.constant 0 : i32
      %dma_start3A_115 = tpu.memref_slice %arg8[%add3A_107, %dma_start3A_114] : memref<80x64xi32, #tpu.memory_space<vmem>> -> memref<1x64xi32, #tpu.memory_space<vmem>>
      %dma_start3A_116 = tpu.memref_squeeze %dma_start3A_115 : memref<1x64xi32, #tpu.memory_space<vmem>> -> memref<64xi32, #tpu.memory_space<vmem>>
      %dma_start3A_117 = arith.constant 0 : i32
      %dma_start3A_118 = arith.constant 0 : i32
      %dma_start3A_119 = tpu.memref_slice %arg21[%dma_start3A_117, %dma_start3A_118] : memref<10240x128xf32, #tpu.memory_space<vmem_shared>> -> memref<10240x128xf32, #tpu.memory_space<vmem_shared>>
      tpu.enqueue_indirect_dma source(%arg11 : memref<64x128xf32, #tpu.memory_space<vmem>>) target(%dma_start3A_119 : memref<10240x128xf32, #tpu.memory_space<vmem_shared>>) offsets(%dma_start3A_116 : memref<64xi32, #tpu.memory_space<vmem>>) semaphore(%arg19 : memref<!tpu.dma_semaphore, #tpu.memory_space<semaphore_mem>>) {add = true}
      %add3A_120 = arith.constant 3 : i32
      %add3A_121 = arith.addi %add3A_78, %add3A_120 : i32
      %dma_wait3A_122 = arith.constant 0 : i32
      %dma_wait3A_123 = tpu.memref_slice %arg7[%add3A_121, %dma_wait3A_122] : memref<80x64xi32, #tpu.memory_space<vmem>> -> memref<1x64xi32, #tpu.memory_space<vmem>>
      %dma_wait3A_124 = tpu.memref_squeeze %dma_wait3A_123 : memref<1x64xi32, #tpu.memory_space<vmem>> -> memref<64xi32, #tpu.memory_space<vmem>>
      %dma_wait3A_125 = arith.constant 0 : i32
      %dma_wait3A_126 = arith.constant 0 : i32
      %dma_wait3A_127 = tpu.memref_slice %arg2[%dma_wait3A_125, %dma_wait3A_126] : memref<10000x128xf32, #tpu.memory_space<hbm>> -> memref<10000x128xf32, #tpu.memory_space<hbm>>
      tpu.wait_indirect_dma semaphore(%arg16 : memref<!tpu.dma_semaphore, #tpu.memory_space<semaphore_mem>>) src(%dma_wait3A_127 : memref<10000x128xf32, #tpu.memory_space<hbm>>) dst(%arg12 : memref<64x128xf32, #tpu.memory_space<vmem>>)
      %dma_start3A_128 = arith.constant 0 : i32
      %dma_start3A_129 = tpu.memref_slice %arg8[%add3A_121, %dma_start3A_128] : memref<80x64xi32, #tpu.memory_space<vmem>> -> memref<1x64xi32, #tpu.memory_space<vmem>>
      %dma_start3A_130 = tpu.memref_squeeze %dma_start3A_129 : memref<1x64xi32, #tpu.memory_space<vmem>> -> memref<64xi32, #tpu.memory_space<vmem>>
      %dma_start3A_131 = arith.constant 0 : i32
      %dma_start3A_132 = arith.constant 0 : i32
      %dma_start3A_133 = tpu.memref_slice %arg21[%dma_start3A_131, %dma_start3A_132] : memref<10240x128xf32, #tpu.memory_space<vmem_shared>> -> memref<10240x128xf32, #tpu.memory_space<vmem_shared>>
      tpu.enqueue_indirect_dma source(%arg12 : memref<64x128xf32, #tpu.memory_space<vmem>>) target(%dma_start3A_133 : memref<10240x128xf32, #tpu.memory_space<vmem_shared>>) offsets(%dma_start3A_130 : memref<64xi32, #tpu.memory_space<vmem>>) semaphore(%arg20 : memref<!tpu.dma_semaphore, #tpu.memory_space<semaphore_mem>>) {add = true}
      %add3A_134 = arith.constant 0 : i32
      %add3A_135 = arith.addi %add3A_78, %add3A_134 : i32
      %dma_wait3A_136 = arith.constant 0 : i32
      %dma_wait3A_137 = tpu.memref_slice %arg8[%add3A_135, %dma_wait3A_136] : memref<80x64xi32, #tpu.memory_space<vmem>> -> memref<1x64xi32, #tpu.memory_space<vmem>>
      %dma_wait3A_138 = tpu.memref_squeeze %dma_wait3A_137 : memref<1x64xi32, #tpu.memory_space<vmem>> -> memref<64xi32, #tpu.memory_space<vmem>>
      %dma_wait3A_139 = arith.constant 0 : i32
      %dma_wait3A_140 = arith.constant 0 : i32
      %dma_wait3A_141 = tpu.memref_slice %arg21[%dma_wait3A_139, %dma_wait3A_140] : memref<10240x128xf32, #tpu.memory_space<vmem_shared>> -> memref<10240x128xf32, #tpu.memory_space<vmem_shared>>
      tpu.wait_indirect_dma semaphore(%arg17 : memref<!tpu.dma_semaphore, #tpu.memory_space<semaphore_mem>>) src(%arg9 : memref<64x128xf32, #tpu.memory_space<vmem>>) dst(%dma_wait3A_141 : memref<10240x128xf32, #tpu.memory_space<vmem_shared>>)
      %add3A_142 = arith.constant 0 : i32
      %add3A_143 = arith.addi %add3A_78, %add3A_142 : i32
      %add3A_144 = arith.constant 4 : i32
      %add3A_145 = arith.addi %add3A_143, %add3A_144 : i32
      %lt3A = arith.constant 80 : i32
      %lt3A_146 = arith.cmpi slt, %add3A_145, %lt3A : i32
      %convert_element_type3A = arith.extui %lt3A_146 : i1 to i32
      %cond3A = arith.constant 0 : i32
      %cond3A_147 = arith.cmpi ne, %convert_element_type3A, %cond3A : i32
      scf.if %cond3A_147 {
        %dma_start3A_199 = arith.constant 0 : i32
        %dma_start3A_200 = tpu.memref_slice %arg7[%add3A_145, %dma_start3A_199] : memref<80x64xi32, #tpu.memory_space<vmem>> -> memref<1x64xi32, #tpu.memory_space<vmem>>
        %dma_start3A_201 = tpu.memref_squeeze %dma_start3A_200 : memref<1x64xi32, #tpu.memory_space<vmem>> -> memref<64xi32, #tpu.memory_space<vmem>>
        %dma_start3A_202 = arith.constant 0 : i32
        %dma_start3A_203 = arith.constant 0 : i32
        %dma_start3A_204 = tpu.memref_slice %arg2[%dma_start3A_202, %dma_start3A_203] : memref<10000x128xf32, #tpu.memory_space<hbm>> -> memref<10000x128xf32, #tpu.memory_space<hbm>>
        tpu.enqueue_indirect_dma source(%dma_start3A_204 : memref<10000x128xf32, #tpu.memory_space<hbm>>) target(%arg9 : memref<64x128xf32, #tpu.memory_space<vmem>>) offsets(%dma_start3A_201 : memref<64xi32, #tpu.memory_space<vmem>>) semaphore(%arg13 : memref<!tpu.dma_semaphore, #tpu.memory_space<semaphore_mem>>)
      } else {
      }
      %add3A_148 = arith.constant 1 : i32
      %add3A_149 = arith.addi %add3A_78, %add3A_148 : i32
      %dma_wait3A_150 = arith.constant 0 : i32
      %dma_wait3A_151 = tpu.memref_slice %arg8[%add3A_149, %dma_wait3A_150] : memref<80x64xi32, #tpu.memory_space<vmem>> -> memref<1x64xi32, #tpu.memory_space<vmem>>
      %dma_wait3A_152 = tpu.memref_squeeze %dma_wait3A_151 : memref<1x64xi32, #tpu.memory_space<vmem>> -> memref<64xi32, #tpu.memory_space<vmem>>
      %dma_wait3A_153 = arith.constant 0 : i32
      %dma_wait3A_154 = arith.constant 0 : i32
      %dma_wait3A_155 = tpu.memref_slice %arg21[%dma_wait3A_153, %dma_wait3A_154] : memref<10240x128xf32, #tpu.memory_space<vmem_shared>> -> memref<10240x128xf32, #tpu.memory_space<vmem_shared>>
      tpu.wait_indirect_dma semaphore(%arg18 : memref<!tpu.dma_semaphore, #tpu.memory_space<semaphore_mem>>) src(%arg10 : memref<64x128xf32, #tpu.memory_space<vmem>>) dst(%dma_wait3A_155 : memref<10240x128xf32, #tpu.memory_space<vmem_shared>>)
      %add3A_156 = arith.constant 1 : i32
      %add3A_157 = arith.addi %add3A_78, %add3A_156 : i32
      %add3A_158 = arith.constant 4 : i32
      %add3A_159 = arith.addi %add3A_157, %add3A_158 : i32
      %lt3A_160 = arith.constant 80 : i32
      %lt3A_161 = arith.cmpi slt, %add3A_159, %lt3A_160 : i32
      %convert_element_type3A_162 = arith.extui %lt3A_161 : i1 to i32
      %cond3A_163 = arith.constant 0 : i32
      %cond3A_164 = arith.cmpi ne, %convert_element_type3A_162, %cond3A_163 : i32
      scf.if %cond3A_164 {
        %dma_start3A_199 = arith.constant 0 : i32
        %dma_start3A_200 = tpu.memref_slice %arg7[%add3A_159, %dma_start3A_199] : memref<80x64xi32, #tpu.memory_space<vmem>> -> memref<1x64xi32, #tpu.memory_space<vmem>>
        %dma_start3A_201 = tpu.memref_squeeze %dma_start3A_200 : memref<1x64xi32, #tpu.memory_space<vmem>> -> memref<64xi32, #tpu.memory_space<vmem>>
        %dma_start3A_202 = arith.constant 0 : i32
        %dma_start3A_203 = arith.constant 0 : i32
        %dma_start3A_204 = tpu.memref_slice %arg2[%dma_start3A_202, %dma_start3A_203] : memref<10000x128xf32, #tpu.memory_space<hbm>> -> memref<10000x128xf32, #tpu.memory_space<hbm>>
        tpu.enqueue_indirect_dma source(%dma_start3A_204 : memref<10000x128xf32, #tpu.memory_space<hbm>>) target(%arg10 : memref<64x128xf32, #tpu.memory_space<vmem>>) offsets(%dma_start3A_201 : memref<64xi32, #tpu.memory_space<vmem>>) semaphore(%arg14 : memref<!tpu.dma_semaphore, #tpu.memory_space<semaphore_mem>>)
      } else {
      }
      %add3A_165 = arith.constant 2 : i32
      %add3A_166 = arith.addi %add3A_78, %add3A_165 : i32
      %dma_wait3A_167 = arith.constant 0 : i32
      %dma_wait3A_168 = tpu.memref_slice %arg8[%add3A_166, %dma_wait3A_167] : memref<80x64xi32, #tpu.memory_space<vmem>> -> memref<1x64xi32, #tpu.memory_space<vmem>>
      %dma_wait3A_169 = tpu.memref_squeeze %dma_wait3A_168 : memref<1x64xi32, #tpu.memory_space<vmem>> -> memref<64xi32, #tpu.memory_space<vmem>>
      %dma_wait3A_170 = arith.constant 0 : i32
      %dma_wait3A_171 = arith.constant 0 : i32
      %dma_wait3A_172 = tpu.memref_slice %arg21[%dma_wait3A_170, %dma_wait3A_171] : memref<10240x128xf32, #tpu.memory_space<vmem_shared>> -> memref<10240x128xf32, #tpu.memory_space<vmem_shared>>
      tpu.wait_indirect_dma semaphore(%arg19 : memref<!tpu.dma_semaphore, #tpu.memory_space<semaphore_mem>>) src(%arg11 : memref<64x128xf32, #tpu.memory_space<vmem>>) dst(%dma_wait3A_172 : memref<10240x128xf32, #tpu.memory_space<vmem_shared>>)
      %add3A_173 = arith.constant 2 : i32
      %add3A_174 = arith.addi %add3A_78, %add3A_173 : i32
      %add3A_175 = arith.constant 4 : i32
      %add3A_176 = arith.addi %add3A_174, %add3A_175 : i32
      %lt3A_177 = arith.constant 80 : i32
      %lt3A_178 = arith.cmpi slt, %add3A_176, %lt3A_177 : i32
      %convert_element_type3A_179 = arith.extui %lt3A_178 : i1 to i32
      %cond3A_180 = arith.constant 0 : i32
      %cond3A_181 = arith.cmpi ne, %convert_element_type3A_179, %cond3A_180 : i32
      scf.if %cond3A_181 {
        %dma_start3A_199 = arith.constant 0 : i32
        %dma_start3A_200 = tpu.memref_slice %arg7[%add3A_176, %dma_start3A_199] : memref<80x64xi32, #tpu.memory_space<vmem>> -> memref<1x64xi32, #tpu.memory_space<vmem>>
        %dma_start3A_201 = tpu.memref_squeeze %dma_start3A_200 : memref<1x64xi32, #tpu.memory_space<vmem>> -> memref<64xi32, #tpu.memory_space<vmem>>
        %dma_start3A_202 = arith.constant 0 : i32
        %dma_start3A_203 = arith.constant 0 : i32
        %dma_start3A_204 = tpu.memref_slice %arg2[%dma_start3A_202, %dma_start3A_203] : memref<10000x128xf32, #tpu.memory_space<hbm>> -> memref<10000x128xf32, #tpu.memory_space<hbm>>
        tpu.enqueue_indirect_dma source(%dma_start3A_204 : memref<10000x128xf32, #tpu.memory_space<hbm>>) target(%arg11 : memref<64x128xf32, #tpu.memory_space<vmem>>) offsets(%dma_start3A_201 : memref<64xi32, #tpu.memory_space<vmem>>) semaphore(%arg15 : memref<!tpu.dma_semaphore, #tpu.memory_space<semaphore_mem>>)
      } else {
      }
      %add3A_182 = arith.constant 3 : i32
      %add3A_183 = arith.addi %add3A_78, %add3A_182 : i32
      %dma_wait3A_184 = arith.constant 0 : i32
      %dma_wait3A_185 = tpu.memref_slice %arg8[%add3A_183, %dma_wait3A_184] : memref<80x64xi32, #tpu.memory_space<vmem>> -> memref<1x64xi32, #tpu.memory_space<vmem>>
      %dma_wait3A_186 = tpu.memref_squeeze %dma_wait3A_185 : memref<1x64xi32, #tpu.memory_space<vmem>> -> memref<64xi32, #tpu.memory_space<vmem>>
      %dma_wait3A_187 = arith.constant 0 : i32
      %dma_wait3A_188 = arith.constant 0 : i32
      %dma_wait3A_189 = tpu.memref_slice %arg21[%dma_wait3A_187, %dma_wait3A_188] : memref<10240x128xf32, #tpu.memory_space<vmem_shared>> -> memref<10240x128xf32, #tpu.memory_space<vmem_shared>>
      tpu.wait_indirect_dma semaphore(%arg20 : memref<!tpu.dma_semaphore, #tpu.memory_space<semaphore_mem>>) src(%arg12 : memref<64x128xf32, #tpu.memory_space<vmem>>) dst(%dma_wait3A_189 : memref<10240x128xf32, #tpu.memory_space<vmem_shared>>)
      %add3A_190 = arith.constant 3 : i32
      %add3A_191 = arith.addi %add3A_78, %add3A_190 : i32
      %add3A_192 = arith.constant 4 : i32
      %add3A_193 = arith.addi %add3A_191, %add3A_192 : i32
      %lt3A_194 = arith.constant 80 : i32
      %lt3A_195 = arith.cmpi slt, %add3A_193, %lt3A_194 : i32
      %convert_element_type3A_196 = arith.extui %lt3A_195 : i1 to i32
      %cond3A_197 = arith.constant 0 : i32
      %cond3A_198 = arith.cmpi ne, %convert_element_type3A_196, %cond3A_197 : i32
      scf.if %cond3A_198 {
        %dma_start3A_199 = arith.constant 0 : i32
        %dma_start3A_200 = tpu.memref_slice %arg7[%add3A_193, %dma_start3A_199] : memref<80x64xi32, #tpu.memory_space<vmem>> -> memref<1x64xi32, #tpu.memory_space<vmem>>
        %dma_start3A_201 = tpu.memref_squeeze %dma_start3A_200 : memref<1x64xi32, #tpu.memory_space<vmem>> -> memref<64xi32, #tpu.memory_space<vmem>>
        %dma_start3A_202 = arith.constant 0 : i32
        %dma_start3A_203 = arith.constant 0 : i32
        %dma_start3A_204 = tpu.memref_slice %arg2[%dma_start3A_202, %dma_start3A_203] : memref<10000x128xf32, #tpu.memory_space<hbm>> -> memref<10000x128xf32, #tpu.memory_space<hbm>>
        tpu.enqueue_indirect_dma source(%dma_start3A_204 : memref<10000x128xf32, #tpu.memory_space<hbm>>) target(%arg12 : memref<64x128xf32, #tpu.memory_space<vmem>>) offsets(%dma_start3A_201 : memref<64xi32, #tpu.memory_space<vmem>>) semaphore(%arg16 : memref<!tpu.dma_semaphore, #tpu.memory_space<semaphore_mem>>)
      } else {
      }
    }
    %scan3A_68 = arith.constant 20 : i32
    %barrier3A_69 = arith.constant 0 : index
    tpu.barrier barrier_id(%barrier3A_69)
    %mul3A_70 = arith.constant 640 : i32
    %mul3A_71 = arith.muli %arg1, %mul3A_70 : i32
    %mul3A_72 = arith.constant 640 : i32
    %mul3A_73 = arith.muli %arg1, %mul3A_72 : i32
    "tpu.region"() ({
      %run_scoped3A = tpu.sem_alloc : memref<!tpu.dma_semaphore, #tpu.memory_space<semaphore_mem>>
      %dma_start3A_74 = arith.constant 0 : i32
      %dma_start3A_75 = tpu.memref_slice %arg6[%arg0, %mul3A_73, %dma_start3A_74] : memref<2x10240x128xf32, #tpu.memory_space<hbm>> -> memref<1x640x128xf32, #tpu.memory_space<hbm>>
      %dma_start3A_76 = tpu.memref_squeeze %dma_start3A_75 : memref<1x640x128xf32, #tpu.memory_space<hbm>> -> memref<640x128xf32, #tpu.memory_space<hbm>>
      %dma_start3A_77 = arith.constant 0 : i32
      %dma_start3A_78 = tpu.memref_slice %arg21[%mul3A_71, %dma_start3A_77] : memref<10240x128xf32, #tpu.memory_space<vmem_shared>> -> memref<640x128xf32, #tpu.memory_space<vmem_shared>>
      tpu.enqueue_dma source(%dma_start3A_78 : memref<640x128xf32, #tpu.memory_space<vmem_shared>>) target(%dma_start3A_76 : memref<640x128xf32, #tpu.memory_space<hbm>>) target_semaphore(%run_scoped3A : memref<!tpu.dma_semaphore, #tpu.memory_space<semaphore_mem>>)
      %dma_wait3A = arith.constant 0 : i32
      %dma_wait3A_79 = tpu.memref_slice %arg6[%arg0, %mul3A_73, %dma_wait3A] : memref<2x10240x128xf32, #tpu.memory_space<hbm>> -> memref<1x640x128xf32, #tpu.memory_space<hbm>>
      %dma_wait3A_80 = tpu.memref_squeeze %dma_wait3A_79 : memref<1x640x128xf32, #tpu.memory_space<hbm>> -> memref<640x128xf32, #tpu.memory_space<hbm>>
      %dma_wait3A_81 = arith.constant 0 : i32
      %dma_wait3A_82 = tpu.memref_slice %arg21[%mul3A_71, %dma_wait3A_81] : memref<10240x128xf32, #tpu.memory_space<vmem_shared>> -> memref<640x128xf32, #tpu.memory_space<vmem_shared>>
      tpu.wait_dma2 semaphore(%run_scoped3A : memref<!tpu.dma_semaphore, #tpu.memory_space<semaphore_mem>>) src(%dma_wait3A_82 : memref<640x128xf32, #tpu.memory_space<vmem_shared>>) dst(%dma_wait3A_80 : memref<640x128xf32, #tpu.memory_space<hbm>>)
      tpu.yield
    }) : () -> ()
    return
  }
}

#map = affine_map<(d0, d1) -> (0, 0)>
#map1 = affine_map<(d0, d1) -> (0, 0, 0)>
module attributes {stable_mosaic.version = 14 : i64} {
  func.func @_seg_kernel(%arg0: i32, %arg1: i32, %arg2: memref<10000x128xf32, #tpu.memory_space<hbm>>, %arg3: memref<32x160x64xi32, #tpu.memory_space<hbm>>, %arg4: memref<32x160x64xi32, #tpu.memory_space<hbm>>, %arg5: memref<10240x128xf32, #tpu.memory_space<hbm>>, %arg6: memref<2x10240x128xf32, #tpu.memory_space<hbm>>, %arg7: memref<80x64xi32, #tpu.memory_space<vmem>>, %arg8: memref<80x64xi32, #tpu.memory_space<vmem>>, %arg9: memref<64x128xf32, #tpu.memory_space<vmem>>, %arg10: memref<64x128xf32, #tpu.memory_space<vmem>>, %arg11: memref<64x128xf32, #tpu.memory_space<vmem>>, %arg12: memref<64x128xf32, #tpu.memory_space<vmem>>, %arg13: memref<!tpu.dma_semaphore, #tpu.memory_space<semaphore_mem>>, %arg14: memref<!tpu.dma_semaphore, #tpu.memory_space<semaphore_mem>>, %arg15: memref<!tpu.dma_semaphore, #tpu.memory_space<semaphore_mem>>, %arg16: memref<!tpu.dma_semaphore, #tpu.memory_space<semaphore_mem>>, %arg17: memref<!tpu.dma_semaphore, #tpu.memory_space<semaphore_mem>>, %arg18: memref<!tpu.dma_semaphore, #tpu.memory_space<semaphore_mem>>, %arg19: memref<!tpu.dma_semaphore, #tpu.memory_space<semaphore_mem>>, %arg20: memref<!tpu.dma_semaphore, #tpu.memory_space<semaphore_mem>>, %arg21: memref<10240x128xf32, #tpu.memory_space<vmem_shared>>) attributes {dimension_semantics = [#tpu.dimension_semantics<core_parallel>, #tpu.dimension_semantics<subcore_parallel>], iteration_bounds = array<i64: 2, 16>, scalar_prefetch = 0 : i64, scratch_operands = 15 : i64, tpu.core_type = #tpu.core_type<sc_vector_subcore>, window_params = [{transform_indices = #map}, {transform_indices = #map1}, {transform_indices = #map1}, {transform_indices = #map}, {transform_indices = #map1}]} {
    %mul3A = arith.constant 2 : i32
    %mul3A_0 = arith.muli %arg1, %mul3A : i32
    %add3A = arith.addi %mul3A_0, %arg0 : i32
    %mul3A_1 = arith.constant 640 : i32
    %mul3A_2 = arith.muli %arg1, %mul3A_1 : i32
    %mul3A_3 = arith.constant 640 : i32
    %mul3A_4 = arith.muli %arg1, %mul3A_3 : i32
    "tpu.region"() ({
      %run_scoped3A = tpu.sem_alloc : memref<!tpu.dma_semaphore, #tpu.memory_space<semaphore_mem>>
      %dma_start3A_74 = arith.constant 0 : i32
      %dma_start3A_75 = tpu.memref_slice %arg21[%mul3A_4, %dma_start3A_74] : memref<10240x128xf32, #tpu.memory_space<vmem_shared>> -> memref<640x128xf32, #tpu.memory_space<vmem_shared>>
      %dma_start3A_76 = arith.constant 0 : i32
      %dma_start3A_77 = tpu.memref_slice %arg5[%mul3A_2, %dma_start3A_76] : memref<10240x128xf32, #tpu.memory_space<hbm>> -> memref<640x128xf32, #tpu.memory_space<hbm>>
      tpu.enqueue_dma source(%dma_start3A_77 : memref<640x128xf32, #tpu.memory_space<hbm>>) target(%dma_start3A_75 : memref<640x128xf32, #tpu.memory_space<vmem_shared>>) target_semaphore(%run_scoped3A : memref<!tpu.dma_semaphore, #tpu.memory_space<semaphore_mem>>)
      %dma_wait3A = arith.constant 0 : i32
      %dma_wait3A_78 = tpu.memref_slice %arg21[%mul3A_4, %dma_wait3A] : memref<10240x128xf32, #tpu.memory_space<vmem_shared>> -> memref<640x128xf32, #tpu.memory_space<vmem_shared>>
      %dma_wait3A_79 = arith.constant 0 : i32
      %dma_wait3A_80 = tpu.memref_slice %arg5[%mul3A_2, %dma_wait3A_79] : memref<10240x128xf32, #tpu.memory_space<hbm>> -> memref<640x128xf32, #tpu.memory_space<hbm>>
      tpu.wait_dma2 semaphore(%run_scoped3A : memref<!tpu.dma_semaphore, #tpu.memory_space<semaphore_mem>>) src(%dma_wait3A_80 : memref<640x128xf32, #tpu.memory_space<hbm>>) dst(%dma_wait3A_78 : memref<640x128xf32, #tpu.memory_space<vmem_shared>>)
      tpu.yield
    }) : () -> ()
    %barrier3A = arith.constant 0 : index
    tpu.barrier barrier_id(%barrier3A)
    "tpu.region"() ({
      %run_scoped3A = tpu.sem_alloc : memref<!tpu.dma_semaphore, #tpu.memory_space<semaphore_mem>>
      %dma_start3A_74 = arith.constant 0 : i32
      %dma_start3A_75 = arith.constant 0 : i32
      %dma_start3A_76 = tpu.memref_slice %arg3[%add3A, %dma_start3A_74, %dma_start3A_75] : memref<32x160x64xi32, #tpu.memory_space<hbm>> -> memref<1x80x64xi32, #tpu.memory_space<hbm>>
      %dma_start3A_77 = tpu.memref_squeeze %dma_start3A_76 : memref<1x80x64xi32, #tpu.memory_space<hbm>> -> memref<80x64xi32, #tpu.memory_space<hbm>>
      %dma_start3A_78 = arith.constant 0 : i32
      %dma_start3A_79 = arith.constant 0 : i32
      %dma_start3A_80 = tpu.memref_slice %arg3[%add3A, %dma_start3A_78, %dma_start3A_79] : memref<32x160x64xi32, #tpu.memory_space<hbm>> -> memref<1x80x64xi32, #tpu.memory_space<hbm>>
      %dma_start3A_81 = tpu.memref_squeeze %dma_start3A_80 : memref<1x80x64xi32, #tpu.memory_space<hbm>> -> memref<80x64xi32, #tpu.memory_space<hbm>>
      tpu.enqueue_dma source(%dma_start3A_81 : memref<80x64xi32, #tpu.memory_space<hbm>>) target(%arg7 : memref<80x64xi32, #tpu.memory_space<vmem>>) target_semaphore(%run_scoped3A : memref<!tpu.dma_semaphore, #tpu.memory_space<semaphore_mem>>)
      %dma_wait3A = arith.constant 0 : i32
      %dma_wait3A_82 = arith.constant 0 : i32
      %dma_wait3A_83 = tpu.memref_slice %arg3[%add3A, %dma_wait3A, %dma_wait3A_82] : memref<32x160x64xi32, #tpu.memory_space<hbm>> -> memref<1x80x64xi32, #tpu.memory_space<hbm>>
      %dma_wait3A_84 = tpu.memref_squeeze %dma_wait3A_83 : memref<1x80x64xi32, #tpu.memory_space<hbm>> -> memref<80x64xi32, #tpu.memory_space<hbm>>
      %dma_wait3A_85 = arith.constant 0 : i32
      %dma_wait3A_86 = arith.constant 0 : i32
      %dma_wait3A_87 = tpu.memref_slice %arg3[%add3A, %dma_wait3A_85, %dma_wait3A_86] : memref<32x160x64xi32, #tpu.memory_space<hbm>> -> memref<1x80x64xi32, #tpu.memory_space<hbm>>
      %dma_wait3A_88 = tpu.memref_squeeze %dma_wait3A_87 : memref<1x80x64xi32, #tpu.memory_space<hbm>> -> memref<80x64xi32, #tpu.memory_space<hbm>>
      tpu.wait_dma2 semaphore(%run_scoped3A : memref<!tpu.dma_semaphore, #tpu.memory_space<semaphore_mem>>) src(%dma_wait3A_88 : memref<80x64xi32, #tpu.memory_space<hbm>>) dst(%arg7 : memref<80x64xi32, #tpu.memory_space<vmem>>)
      tpu.yield
    }) : () -> ()
    "tpu.region"() ({
      %run_scoped3A = tpu.sem_alloc : memref<!tpu.dma_semaphore, #tpu.memory_space<semaphore_mem>>
      %dma_start3A_74 = arith.constant 0 : i32
      %dma_start3A_75 = arith.constant 0 : i32
      %dma_start3A_76 = tpu.memref_slice %arg4[%add3A, %dma_start3A_74, %dma_start3A_75] : memref<32x160x64xi32, #tpu.memory_space<hbm>> -> memref<1x80x64xi32, #tpu.memory_space<hbm>>
      %dma_start3A_77 = tpu.memref_squeeze %dma_start3A_76 : memref<1x80x64xi32, #tpu.memory_space<hbm>> -> memref<80x64xi32, #tpu.memory_space<hbm>>
      %dma_start3A_78 = arith.constant 0 : i32
      %dma_start3A_79 = arith.constant 0 : i32
      %dma_start3A_80 = tpu.memref_slice %arg4[%add3A, %dma_start3A_78, %dma_start3A_79] : memref<32x160x64xi32, #tpu.memory_space<hbm>> -> memref<1x80x64xi32, #tpu.memory_space<hbm>>
      %dma_start3A_81 = tpu.memref_squeeze %dma_start3A_80 : memref<1x80x64xi32, #tpu.memory_space<hbm>> -> memref<80x64xi32, #tpu.memory_space<hbm>>
      tpu.enqueue_dma source(%dma_start3A_81 : memref<80x64xi32, #tpu.memory_space<hbm>>) target(%arg8 : memref<80x64xi32, #tpu.memory_space<vmem>>) target_semaphore(%run_scoped3A : memref<!tpu.dma_semaphore, #tpu.memory_space<semaphore_mem>>)
      %dma_wait3A = arith.constant 0 : i32
      %dma_wait3A_82 = arith.constant 0 : i32
      %dma_wait3A_83 = tpu.memref_slice %arg4[%add3A, %dma_wait3A, %dma_wait3A_82] : memref<32x160x64xi32, #tpu.memory_space<hbm>> -> memref<1x80x64xi32, #tpu.memory_space<hbm>>
      %dma_wait3A_84 = tpu.memref_squeeze %dma_wait3A_83 : memref<1x80x64xi32, #tpu.memory_space<hbm>> -> memref<80x64xi32, #tpu.memory_space<hbm>>
      %dma_wait3A_85 = arith.constant 0 : i32
      %dma_wait3A_86 = arith.constant 0 : i32
      %dma_wait3A_87 = tpu.memref_slice %arg4[%add3A, %dma_wait3A_85, %dma_wait3A_86] : memref<32x160x64xi32, #tpu.memory_space<hbm>> -> memref<1x80x64xi32, #tpu.memory_space<hbm>>
      %dma_wait3A_88 = tpu.memref_squeeze %dma_wait3A_87 : memref<1x80x64xi32, #tpu.memory_space<hbm>> -> memref<80x64xi32, #tpu.memory_space<hbm>>
      tpu.wait_dma2 semaphore(%run_scoped3A : memref<!tpu.dma_semaphore, #tpu.memory_space<semaphore_mem>>) src(%dma_wait3A_88 : memref<80x64xi32, #tpu.memory_space<hbm>>) dst(%arg8 : memref<80x64xi32, #tpu.memory_space<vmem>>)
      tpu.yield
    }) : () -> ()
    %dma_start3A = arith.constant 0 : i32
    %dma_start3A_5 = arith.constant 0 : i32
    %dma_start3A_6 = tpu.memref_slice %arg7[%dma_start3A, %dma_start3A_5] : memref<80x64xi32, #tpu.memory_space<vmem>> -> memref<1x64xi32, #tpu.memory_space<vmem>>
    %dma_start3A_7 = tpu.memref_squeeze %dma_start3A_6 : memref<1x64xi32, #tpu.memory_space<vmem>> -> memref<64xi32, #tpu.memory_space<vmem>>
    %dma_start3A_8 = arith.constant 0 : i32
    %dma_start3A_9 = arith.constant 0 : i32
    %dma_start3A_10 = tpu.memref_slice %arg2[%dma_start3A_8, %dma_start3A_9] : memref<10000x128xf32, #tpu.memory_space<hbm>> -> memref<10000x128xf32, #tpu.memory_space<hbm>>
    tpu.enqueue_indirect_dma source(%dma_start3A_10 : memref<10000x128xf32, #tpu.memory_space<hbm>>) target(%arg9 : memref<64x128xf32, #tpu.memory_space<vmem>>) offsets(%dma_start3A_7 : memref<64xi32, #tpu.memory_space<vmem>>) semaphore(%arg13 : memref<!tpu.dma_semaphore, #tpu.memory_space<semaphore_mem>>)
    %dma_start3A_11 = arith.constant 1 : i32
    %dma_start3A_12 = arith.constant 0 : i32
    %dma_start3A_13 = tpu.memref_slice %arg7[%dma_start3A_11, %dma_start3A_12] : memref<80x64xi32, #tpu.memory_space<vmem>> -> memref<1x64xi32, #tpu.memory_space<vmem>>
    %dma_start3A_14 = tpu.memref_squeeze %dma_start3A_13 : memref<1x64xi32, #tpu.memory_space<vmem>> -> memref<64xi32, #tpu.memory_space<vmem>>
    %dma_start3A_15 = arith.constant 0 : i32
    %dma_start3A_16 = arith.constant 0 : i32
    %dma_start3A_17 = tpu.memref_slice %arg2[%dma_start3A_15, %dma_start3A_16] : memref<10000x128xf32, #tpu.memory_space<hbm>> -> memref<10000x128xf32, #tpu.memory_space<hbm>>
    tpu.enqueue_indirect_dma source(%dma_start3A_17 : memref<10000x128xf32, #tpu.memory_space<hbm>>) target(%arg10 : memref<64x128xf32, #tpu.memory_space<vmem>>) offsets(%dma_start3A_14 : memref<64xi32, #tpu.memory_space<vmem>>) semaphore(%arg14 : memref<!tpu.dma_semaphore, #tpu.memory_space<semaphore_mem>>)
    %dma_start3A_18 = arith.constant 2 : i32
    %dma_start3A_19 = arith.constant 0 : i32
    %dma_start3A_20 = tpu.memref_slice %arg7[%dma_start3A_18, %dma_start3A_19] : memref<80x64xi32, #tpu.memory_space<vmem>> -> memref<1x64xi32, #tpu.memory_space<vmem>>
    %dma_start3A_21 = tpu.memref_squeeze %dma_start3A_20 : memref<1x64xi32, #tpu.memory_space<vmem>> -> memref<64xi32, #tpu.memory_space<vmem>>
    %dma_start3A_22 = arith.constant 0 : i32
    %dma_start3A_23 = arith.constant 0 : i32
    %dma_start3A_24 = tpu.memref_slice %arg2[%dma_start3A_22, %dma_start3A_23] : memref<10000x128xf32, #tpu.memory_space<hbm>> -> memref<10000x128xf32, #tpu.memory_space<hbm>>
    tpu.enqueue_indirect_dma source(%dma_start3A_24 : memref<10000x128xf32, #tpu.memory_space<hbm>>) target(%arg11 : memref<64x128xf32, #tpu.memory_space<vmem>>) offsets(%dma_start3A_21 : memref<64xi32, #tpu.memory_space<vmem>>) semaphore(%arg15 : memref<!tpu.dma_semaphore, #tpu.memory_space<semaphore_mem>>)
    %dma_start3A_25 = arith.constant 3 : i32
    %dma_start3A_26 = arith.constant 0 : i32
    %dma_start3A_27 = tpu.memref_slice %arg7[%dma_start3A_25, %dma_start3A_26] : memref<80x64xi32, #tpu.memory_space<vmem>> -> memref<1x64xi32, #tpu.memory_space<vmem>>
    %dma_start3A_28 = tpu.memref_squeeze %dma_start3A_27 : memref<1x64xi32, #tpu.memory_space<vmem>> -> memref<64xi32, #tpu.memory_space<vmem>>
    %dma_start3A_29 = arith.constant 0 : i32
    %dma_start3A_30 = arith.constant 0 : i32
    %dma_start3A_31 = tpu.memref_slice %arg2[%dma_start3A_29, %dma_start3A_30] : memref<10000x128xf32, #tpu.memory_space<hbm>> -> memref<10000x128xf32, #tpu.memory_space<hbm>>
    tpu.enqueue_indirect_dma source(%dma_start3A_31 : memref<10000x128xf32, #tpu.memory_space<hbm>>) target(%arg12 : memref<64x128xf32, #tpu.memory_space<vmem>>) offsets(%dma_start3A_28 : memref<64xi32, #tpu.memory_space<vmem>>) semaphore(%arg16 : memref<!tpu.dma_semaphore, #tpu.memory_space<semaphore_mem>>)
    %scan3A = arith.constant 0 : i32
    %scan3A_32 = arith.constant 20 : i32
    %scan3A_33 = arith.addi %scan3A, %scan3A_32 : i32
    %scan3A_34 = arith.constant 1 : i32
    scf.for %scan3A_74 = %scan3A to %scan3A_33 step %scan3A_34  : i32 {
      %mul3A_75 = arith.constant 4 : i32
      %mul3A_76 = arith.muli %scan3A_74, %mul3A_75 : i32
      %add3A_77 = arith.constant 0 : i32
      %add3A_78 = arith.addi %add3A_77, %mul3A_76 : i32
      %add3A_79 = arith.constant 0 : i32
      %add3A_80 = arith.addi %add3A_78, %add3A_79 : i32
      %dma_wait3A = arith.constant 0 : i32
      %dma_wait3A_81 = tpu.memref_slice %arg7[%add3A_80, %dma_wait3A] : memref<80x64xi32, #tpu.memory_space<vmem>> -> memref<1x64xi32, #tpu.memory_space<vmem>>
      %dma_wait3A_82 = tpu.memref_squeeze %dma_wait3A_81 : memref<1x64xi32, #tpu.memory_space<vmem>> -> memref<64xi32, #tpu.memory_space<vmem>>
      %dma_wait3A_83 = arith.constant 0 : i32
      %dma_wait3A_84 = arith.constant 0 : i32
      %dma_wait3A_85 = tpu.memref_slice %arg2[%dma_wait3A_83, %dma_wait3A_84] : memref<10000x128xf32, #tpu.memory_space<hbm>> -> memref<10000x128xf32, #tpu.memory_space<hbm>>
      tpu.wait_indirect_dma semaphore(%arg13 : memref<!tpu.dma_semaphore, #tpu.memory_space<semaphore_mem>>) src(%dma_wait3A_85 : memref<10000x128xf32, #tpu.memory_space<hbm>>) dst(%arg9 : memref<64x128xf32, #tpu.memory_space<vmem>>)
      %dma_start3A_86 = arith.constant 0 : i32
      %dma_start3A_87 = tpu.memref_slice %arg8[%add3A_80, %dma_start3A_86] : memref<80x64xi32, #tpu.memory_space<vmem>> -> memref<1x64xi32, #tpu.memory_space<vmem>>
      %dma_start3A_88 = tpu.memref_squeeze %dma_start3A_87 : memref<1x64xi32, #tpu.memory_space<vmem>> -> memref<64xi32, #tpu.memory_space<vmem>>
      %dma_start3A_89 = arith.constant 0 : i32
      %dma_start3A_90 = arith.constant 0 : i32
      %dma_start3A_91 = tpu.memref_slice %arg21[%dma_start3A_89, %dma_start3A_90] : memref<10240x128xf32, #tpu.memory_space<vmem_shared>> -> memref<10240x128xf32, #tpu.memory_space<vmem_shared>>
      tpu.enqueue_indirect_dma source(%arg9 : memref<64x128xf32, #tpu.memory_space<vmem>>) target(%dma_start3A_91 : memref<10240x128xf32, #tpu.memory_space<vmem_shared>>) offsets(%dma_start3A_88 : memref<64xi32, #tpu.memory_space<vmem>>) semaphore(%arg17 : memref<!tpu.dma_semaphore, #tpu.memory_space<semaphore_mem>>) {add = true}
      %add3A_92 = arith.constant 1 : i32
      %add3A_93 = arith.addi %add3A_78, %add3A_92 : i32
      %dma_wait3A_94 = arith.constant 0 : i32
      %dma_wait3A_95 = tpu.memref_slice %arg7[%add3A_93, %dma_wait3A_94] : memref<80x64xi32, #tpu.memory_space<vmem>> -> memref<1x64xi32, #tpu.memory_space<vmem>>
      %dma_wait3A_96 = tpu.memref_squeeze %dma_wait3A_95 : memref<1x64xi32, #tpu.memory_space<vmem>> -> memref<64xi32, #tpu.memory_space<vmem>>
      %dma_wait3A_97 = arith.constant 0 : i32
      %dma_wait3A_98 = arith.constant 0 : i32
      %dma_wait3A_99 = tpu.memref_slice %arg2[%dma_wait3A_97, %dma_wait3A_98] : memref<10000x128xf32, #tpu.memory_space<hbm>> -> memref<10000x128xf32, #tpu.memory_space<hbm>>
      tpu.wait_indirect_dma semaphore(%arg14 : memref<!tpu.dma_semaphore, #tpu.memory_space<semaphore_mem>>) src(%dma_wait3A_99 : memref<10000x128xf32, #tpu.memory_space<hbm>>) dst(%arg10 : memref<64x128xf32, #tpu.memory_space<vmem>>)
      %dma_start3A_100 = arith.constant 0 : i32
      %dma_start3A_101 = tpu.memref_slice %arg8[%add3A_93, %dma_start3A_100] : memref<80x64xi32, #tpu.memory_space<vmem>> -> memref<1x64xi32, #tpu.memory_space<vmem>>
      %dma_start3A_102 = tpu.memref_squeeze %dma_start3A_101 : memref<1x64xi32, #tpu.memory_space<vmem>> -> memref<64xi32, #tpu.memory_space<vmem>>
      %dma_start3A_103 = arith.constant 0 : i32
      %dma_start3A_104 = arith.constant 0 : i32
      %dma_start3A_105 = tpu.memref_slice %arg21[%dma_start3A_103, %dma_start3A_104] : memref<10240x128xf32, #tpu.memory_space<vmem_shared>> -> memref<10240x128xf32, #tpu.memory_space<vmem_shared>>
      tpu.enqueue_indirect_dma source(%arg10 : memref<64x128xf32, #tpu.memory_space<vmem>>) target(%dma_start3A_105 : memref<10240x128xf32, #tpu.memory_space<vmem_shared>>) offsets(%dma_start3A_102 : memref<64xi32, #tpu.memory_space<vmem>>) semaphore(%arg18 : memref<!tpu.dma_semaphore, #tpu.memory_space<semaphore_mem>>) {add = true}
      %add3A_106 = arith.constant 2 : i32
      %add3A_107 = arith.addi %add3A_78, %add3A_106 : i32
      %dma_wait3A_108 = arith.constant 0 : i32
      %dma_wait3A_109 = tpu.memref_slice %arg7[%add3A_107, %dma_wait3A_108] : memref<80x64xi32, #tpu.memory_space<vmem>> -> memref<1x64xi32, #tpu.memory_space<vmem>>
      %dma_wait3A_110 = tpu.memref_squeeze %dma_wait3A_109 : memref<1x64xi32, #tpu.memory_space<vmem>> -> memref<64xi32, #tpu.memory_space<vmem>>
      %dma_wait3A_111 = arith.constant 0 : i32
      %dma_wait3A_112 = arith.constant 0 : i32
      %dma_wait3A_113 = tpu.memref_slice %arg2[%dma_wait3A_111, %dma_wait3A_112] : memref<10000x128xf32, #tpu.memory_space<hbm>> -> memref<10000x128xf32, #tpu.memory_space<hbm>>
      tpu.wait_indirect_dma semaphore(%arg15 : memref<!tpu.dma_semaphore, #tpu.memory_space<semaphore_mem>>) src(%dma_wait3A_113 : memref<10000x128xf32, #tpu.memory_space<hbm>>) dst(%arg11 : memref<64x128xf32, #tpu.memory_space<vmem>>)
      %dma_start3A_114 = arith.constant 0 : i32
      %dma_start3A_115 = tpu.memref_slice %arg8[%add3A_107, %dma_start3A_114] : memref<80x64xi32, #tpu.memory_space<vmem>> -> memref<1x64xi32, #tpu.memory_space<vmem>>
      %dma_start3A_116 = tpu.memref_squeeze %dma_start3A_115 : memref<1x64xi32, #tpu.memory_space<vmem>> -> memref<64xi32, #tpu.memory_space<vmem>>
      %dma_start3A_117 = arith.constant 0 : i32
      %dma_start3A_118 = arith.constant 0 : i32
      %dma_start3A_119 = tpu.memref_slice %arg21[%dma_start3A_117, %dma_start3A_118] : memref<10240x128xf32, #tpu.memory_space<vmem_shared>> -> memref<10240x128xf32, #tpu.memory_space<vmem_shared>>
      tpu.enqueue_indirect_dma source(%arg11 : memref<64x128xf32, #tpu.memory_space<vmem>>) target(%dma_start3A_119 : memref<10240x128xf32, #tpu.memory_space<vmem_shared>>) offsets(%dma_start3A_116 : memref<64xi32, #tpu.memory_space<vmem>>) semaphore(%arg19 : memref<!tpu.dma_semaphore, #tpu.memory_space<semaphore_mem>>) {add = true}
      %add3A_120 = arith.constant 3 : i32
      %add3A_121 = arith.addi %add3A_78, %add3A_120 : i32
      %dma_wait3A_122 = arith.constant 0 : i32
      %dma_wait3A_123 = tpu.memref_slice %arg7[%add3A_121, %dma_wait3A_122] : memref<80x64xi32, #tpu.memory_space<vmem>> -> memref<1x64xi32, #tpu.memory_space<vmem>>
      %dma_wait3A_124 = tpu.memref_squeeze %dma_wait3A_123 : memref<1x64xi32, #tpu.memory_space<vmem>> -> memref<64xi32, #tpu.memory_space<vmem>>
      %dma_wait3A_125 = arith.constant 0 : i32
      %dma_wait3A_126 = arith.constant 0 : i32
      %dma_wait3A_127 = tpu.memref_slice %arg2[%dma_wait3A_125, %dma_wait3A_126] : memref<10000x128xf32, #tpu.memory_space<hbm>> -> memref<10000x128xf32, #tpu.memory_space<hbm>>
      tpu.wait_indirect_dma semaphore(%arg16 : memref<!tpu.dma_semaphore, #tpu.memory_space<semaphore_mem>>) src(%dma_wait3A_127 : memref<10000x128xf32, #tpu.memory_space<hbm>>) dst(%arg12 : memref<64x128xf32, #tpu.memory_space<vmem>>)
      %dma_start3A_128 = arith.constant 0 : i32
      %dma_start3A_129 = tpu.memref_slice %arg8[%add3A_121, %dma_start3A_128] : memref<80x64xi32, #tpu.memory_space<vmem>> -> memref<1x64xi32, #tpu.memory_space<vmem>>
      %dma_start3A_130 = tpu.memref_squeeze %dma_start3A_129 : memref<1x64xi32, #tpu.memory_space<vmem>> -> memref<64xi32, #tpu.memory_space<vmem>>
      %dma_start3A_131 = arith.constant 0 : i32
      %dma_start3A_132 = arith.constant 0 : i32
      %dma_start3A_133 = tpu.memref_slice %arg21[%dma_start3A_131, %dma_start3A_132] : memref<10240x128xf32, #tpu.memory_space<vmem_shared>> -> memref<10240x128xf32, #tpu.memory_space<vmem_shared>>
      tpu.enqueue_indirect_dma source(%arg12 : memref<64x128xf32, #tpu.memory_space<vmem>>) target(%dma_start3A_133 : memref<10240x128xf32, #tpu.memory_space<vmem_shared>>) offsets(%dma_start3A_130 : memref<64xi32, #tpu.memory_space<vmem>>) semaphore(%arg20 : memref<!tpu.dma_semaphore, #tpu.memory_space<semaphore_mem>>) {add = true}
      %add3A_134 = arith.constant 0 : i32
      %add3A_135 = arith.addi %add3A_78, %add3A_134 : i32
      %dma_wait3A_136 = arith.constant 0 : i32
      %dma_wait3A_137 = tpu.memref_slice %arg8[%add3A_135, %dma_wait3A_136] : memref<80x64xi32, #tpu.memory_space<vmem>> -> memref<1x64xi32, #tpu.memory_space<vmem>>
      %dma_wait3A_138 = tpu.memref_squeeze %dma_wait3A_137 : memref<1x64xi32, #tpu.memory_space<vmem>> -> memref<64xi32, #tpu.memory_space<vmem>>
      %dma_wait3A_139 = arith.constant 0 : i32
      %dma_wait3A_140 = arith.constant 0 : i32
      %dma_wait3A_141 = tpu.memref_slice %arg21[%dma_wait3A_139, %dma_wait3A_140] : memref<10240x128xf32, #tpu.memory_space<vmem_shared>> -> memref<10240x128xf32, #tpu.memory_space<vmem_shared>>
      tpu.wait_indirect_dma semaphore(%arg17 : memref<!tpu.dma_semaphore, #tpu.memory_space<semaphore_mem>>) src(%arg9 : memref<64x128xf32, #tpu.memory_space<vmem>>) dst(%dma_wait3A_141 : memref<10240x128xf32, #tpu.memory_space<vmem_shared>>)
      %add3A_142 = arith.constant 0 : i32
      %add3A_143 = arith.addi %add3A_78, %add3A_142 : i32
      %add3A_144 = arith.constant 4 : i32
      %add3A_145 = arith.addi %add3A_143, %add3A_144 : i32
      %lt3A = arith.constant 80 : i32
      %lt3A_146 = arith.cmpi slt, %add3A_145, %lt3A : i32
      %convert_element_type3A = arith.extui %lt3A_146 : i1 to i32
      %cond3A = arith.constant 0 : i32
      %cond3A_147 = arith.cmpi ne, %convert_element_type3A, %cond3A : i32
      scf.if %cond3A_147 {
        %dma_start3A_199 = arith.constant 0 : i32
        %dma_start3A_200 = tpu.memref_slice %arg7[%add3A_145, %dma_start3A_199] : memref<80x64xi32, #tpu.memory_space<vmem>> -> memref<1x64xi32, #tpu.memory_space<vmem>>
        %dma_start3A_201 = tpu.memref_squeeze %dma_start3A_200 : memref<1x64xi32, #tpu.memory_space<vmem>> -> memref<64xi32, #tpu.memory_space<vmem>>
        %dma_start3A_202 = arith.constant 0 : i32
        %dma_start3A_203 = arith.constant 0 : i32
        %dma_start3A_204 = tpu.memref_slice %arg2[%dma_start3A_202, %dma_start3A_203] : memref<10000x128xf32, #tpu.memory_space<hbm>> -> memref<10000x128xf32, #tpu.memory_space<hbm>>
        tpu.enqueue_indirect_dma source(%dma_start3A_204 : memref<10000x128xf32, #tpu.memory_space<hbm>>) target(%arg9 : memref<64x128xf32, #tpu.memory_space<vmem>>) offsets(%dma_start3A_201 : memref<64xi32, #tpu.memory_space<vmem>>) semaphore(%arg13 : memref<!tpu.dma_semaphore, #tpu.memory_space<semaphore_mem>>)
      } else {
      }
      %add3A_148 = arith.constant 1 : i32
      %add3A_149 = arith.addi %add3A_78, %add3A_148 : i32
      %dma_wait3A_150 = arith.constant 0 : i32
      %dma_wait3A_151 = tpu.memref_slice %arg8[%add3A_149, %dma_wait3A_150] : memref<80x64xi32, #tpu.memory_space<vmem>> -> memref<1x64xi32, #tpu.memory_space<vmem>>
      %dma_wait3A_152 = tpu.memref_squeeze %dma_wait3A_151 : memref<1x64xi32, #tpu.memory_space<vmem>> -> memref<64xi32, #tpu.memory_space<vmem>>
      %dma_wait3A_153 = arith.constant 0 : i32
      %dma_wait3A_154 = arith.constant 0 : i32
      %dma_wait3A_155 = tpu.memref_slice %arg21[%dma_wait3A_153, %dma_wait3A_154] : memref<10240x128xf32, #tpu.memory_space<vmem_shared>> -> memref<10240x128xf32, #tpu.memory_space<vmem_shared>>
      tpu.wait_indirect_dma semaphore(%arg18 : memref<!tpu.dma_semaphore, #tpu.memory_space<semaphore_mem>>) src(%arg10 : memref<64x128xf32, #tpu.memory_space<vmem>>) dst(%dma_wait3A_155 : memref<10240x128xf32, #tpu.memory_space<vmem_shared>>)
      %add3A_156 = arith.constant 1 : i32
      %add3A_157 = arith.addi %add3A_78, %add3A_156 : i32
      %add3A_158 = arith.constant 4 : i32
      %add3A_159 = arith.addi %add3A_157, %add3A_158 : i32
      %lt3A_160 = arith.constant 80 : i32
      %lt3A_161 = arith.cmpi slt, %add3A_159, %lt3A_160 : i32
      %convert_element_type3A_162 = arith.extui %lt3A_161 : i1 to i32
      %cond3A_163 = arith.constant 0 : i32
      %cond3A_164 = arith.cmpi ne, %convert_element_type3A_162, %cond3A_163 : i32
      scf.if %cond3A_164 {
        %dma_start3A_199 = arith.constant 0 : i32
        %dma_start3A_200 = tpu.memref_slice %arg7[%add3A_159, %dma_start3A_199] : memref<80x64xi32, #tpu.memory_space<vmem>> -> memref<1x64xi32, #tpu.memory_space<vmem>>
        %dma_start3A_201 = tpu.memref_squeeze %dma_start3A_200 : memref<1x64xi32, #tpu.memory_space<vmem>> -> memref<64xi32, #tpu.memory_space<vmem>>
        %dma_start3A_202 = arith.constant 0 : i32
        %dma_start3A_203 = arith.constant 0 : i32
        %dma_start3A_204 = tpu.memref_slice %arg2[%dma_start3A_202, %dma_start3A_203] : memref<10000x128xf32, #tpu.memory_space<hbm>> -> memref<10000x128xf32, #tpu.memory_space<hbm>>
        tpu.enqueue_indirect_dma source(%dma_start3A_204 : memref<10000x128xf32, #tpu.memory_space<hbm>>) target(%arg10 : memref<64x128xf32, #tpu.memory_space<vmem>>) offsets(%dma_start3A_201 : memref<64xi32, #tpu.memory_space<vmem>>) semaphore(%arg14 : memref<!tpu.dma_semaphore, #tpu.memory_space<semaphore_mem>>)
      } else {
      }
      %add3A_165 = arith.constant 2 : i32
      %add3A_166 = arith.addi %add3A_78, %add3A_165 : i32
      %dma_wait3A_167 = arith.constant 0 : i32
      %dma_wait3A_168 = tpu.memref_slice %arg8[%add3A_166, %dma_wait3A_167] : memref<80x64xi32, #tpu.memory_space<vmem>> -> memref<1x64xi32, #tpu.memory_space<vmem>>
      %dma_wait3A_169 = tpu.memref_squeeze %dma_wait3A_168 : memref<1x64xi32, #tpu.memory_space<vmem>> -> memref<64xi32, #tpu.memory_space<vmem>>
      %dma_wait3A_170 = arith.constant 0 : i32
      %dma_wait3A_171 = arith.constant 0 : i32
      %dma_wait3A_172 = tpu.memref_slice %arg21[%dma_wait3A_170, %dma_wait3A_171] : memref<10240x128xf32, #tpu.memory_space<vmem_shared>> -> memref<10240x128xf32, #tpu.memory_space<vmem_shared>>
      tpu.wait_indirect_dma semaphore(%arg19 : memref<!tpu.dma_semaphore, #tpu.memory_space<semaphore_mem>>) src(%arg11 : memref<64x128xf32, #tpu.memory_space<vmem>>) dst(%dma_wait3A_172 : memref<10240x128xf32, #tpu.memory_space<vmem_shared>>)
      %add3A_173 = arith.constant 2 : i32
      %add3A_174 = arith.addi %add3A_78, %add3A_173 : i32
      %add3A_175 = arith.constant 4 : i32
      %add3A_176 = arith.addi %add3A_174, %add3A_175 : i32
      %lt3A_177 = arith.constant 80 : i32
      %lt3A_178 = arith.cmpi slt, %add3A_176, %lt3A_177 : i32
      %convert_element_type3A_179 = arith.extui %lt3A_178 : i1 to i32
      %cond3A_180 = arith.constant 0 : i32
      %cond3A_181 = arith.cmpi ne, %convert_element_type3A_179, %cond3A_180 : i32
      scf.if %cond3A_181 {
        %dma_start3A_199 = arith.constant 0 : i32
        %dma_start3A_200 = tpu.memref_slice %arg7[%add3A_176, %dma_start3A_199] : memref<80x64xi32, #tpu.memory_space<vmem>> -> memref<1x64xi32, #tpu.memory_space<vmem>>
        %dma_start3A_201 = tpu.memref_squeeze %dma_start3A_200 : memref<1x64xi32, #tpu.memory_space<vmem>> -> memref<64xi32, #tpu.memory_space<vmem>>
        %dma_start3A_202 = arith.constant 0 : i32
        %dma_start3A_203 = arith.constant 0 : i32
        %dma_start3A_204 = tpu.memref_slice %arg2[%dma_start3A_202, %dma_start3A_203] : memref<10000x128xf32, #tpu.memory_space<hbm>> -> memref<10000x128xf32, #tpu.memory_space<hbm>>
        tpu.enqueue_indirect_dma source(%dma_start3A_204 : memref<10000x128xf32, #tpu.memory_space<hbm>>) target(%arg11 : memref<64x128xf32, #tpu.memory_space<vmem>>) offsets(%dma_start3A_201 : memref<64xi32, #tpu.memory_space<vmem>>) semaphore(%arg15 : memref<!tpu.dma_semaphore, #tpu.memory_space<semaphore_mem>>)
      } else {
      }
      %add3A_182 = arith.constant 3 : i32
      %add3A_183 = arith.addi %add3A_78, %add3A_182 : i32
      %dma_wait3A_184 = arith.constant 0 : i32
      %dma_wait3A_185 = tpu.memref_slice %arg8[%add3A_183, %dma_wait3A_184] : memref<80x64xi32, #tpu.memory_space<vmem>> -> memref<1x64xi32, #tpu.memory_space<vmem>>
      %dma_wait3A_186 = tpu.memref_squeeze %dma_wait3A_185 : memref<1x64xi32, #tpu.memory_space<vmem>> -> memref<64xi32, #tpu.memory_space<vmem>>
      %dma_wait3A_187 = arith.constant 0 : i32
      %dma_wait3A_188 = arith.constant 0 : i32
      %dma_wait3A_189 = tpu.memref_slice %arg21[%dma_wait3A_187, %dma_wait3A_188] : memref<10240x128xf32, #tpu.memory_space<vmem_shared>> -> memref<10240x128xf32, #tpu.memory_space<vmem_shared>>
      tpu.wait_indirect_dma semaphore(%arg20 : memref<!tpu.dma_semaphore, #tpu.memory_space<semaphore_mem>>) src(%arg12 : memref<64x128xf32, #tpu.memory_space<vmem>>) dst(%dma_wait3A_189 : memref<10240x128xf32, #tpu.memory_space<vmem_shared>>)
      %add3A_190 = arith.constant 3 : i32
      %add3A_191 = arith.addi %add3A_78, %add3A_190 : i32
      %add3A_192 = arith.constant 4 : i32
      %add3A_193 = arith.addi %add3A_191, %add3A_192 : i32
      %lt3A_194 = arith.constant 80 : i32
      %lt3A_195 = arith.cmpi slt, %add3A_193, %lt3A_194 : i32
      %convert_element_type3A_196 = arith.extui %lt3A_195 : i1 to i32
      %cond3A_197 = arith.constant 0 : i32
      %cond3A_198 = arith.cmpi ne, %convert_element_type3A_196, %cond3A_197 : i32
      scf.if %cond3A_198 {
        %dma_start3A_199 = arith.constant 0 : i32
        %dma_start3A_200 = tpu.memref_slice %arg7[%add3A_193, %dma_start3A_199] : memref<80x64xi32, #tpu.memory_space<vmem>> -> memref<1x64xi32, #tpu.memory_space<vmem>>
        %dma_start3A_201 = tpu.memref_squeeze %dma_start3A_200 : memref<1x64xi32, #tpu.memory_space<vmem>> -> memref<64xi32, #tpu.memory_space<vmem>>
        %dma_start3A_202 = arith.constant 0 : i32
        %dma_start3A_203 = arith.constant 0 : i32
        %dma_start3A_204 = tpu.memref_slice %arg2[%dma_start3A_202, %dma_start3A_203] : memref<10000x128xf32, #tpu.memory_space<hbm>> -> memref<10000x128xf32, #tpu.memory_space<hbm>>
        tpu.enqueue_indirect_dma source(%dma_start3A_204 : memref<10000x128xf32, #tpu.memory_space<hbm>>) target(%arg12 : memref<64x128xf32, #tpu.memory_space<vmem>>) offsets(%dma_start3A_201 : memref<64xi32, #tpu.memory_space<vmem>>) semaphore(%arg16 : memref<!tpu.dma_semaphore, #tpu.memory_space<semaphore_mem>>)
      } else {
      }
    }
    %scan3A_35 = arith.constant 20 : i32
    "tpu.region"() ({
      %run_scoped3A = tpu.sem_alloc : memref<!tpu.dma_semaphore, #tpu.memory_space<semaphore_mem>>
      %dma_start3A_74 = arith.constant 80 : i32
      %dma_start3A_75 = arith.constant 0 : i32
      %dma_start3A_76 = tpu.memref_slice %arg3[%add3A, %dma_start3A_74, %dma_start3A_75] : memref<32x160x64xi32, #tpu.memory_space<hbm>> -> memref<1x80x64xi32, #tpu.memory_space<hbm>>
      %dma_start3A_77 = tpu.memref_squeeze %dma_start3A_76 : memref<1x80x64xi32, #tpu.memory_space<hbm>> -> memref<80x64xi32, #tpu.memory_space<hbm>>
      %dma_start3A_78 = arith.constant 80 : i32
      %dma_start3A_79 = arith.constant 0 : i32
      %dma_start3A_80 = tpu.memref_slice %arg3[%add3A, %dma_start3A_78, %dma_start3A_79] : memref<32x160x64xi32, #tpu.memory_space<hbm>> -> memref<1x80x64xi32, #tpu.memory_space<hbm>>
      %dma_start3A_81 = tpu.memref_squeeze %dma_start3A_80 : memref<1x80x64xi32, #tpu.memory_space<hbm>> -> memref<80x64xi32, #tpu.memory_space<hbm>>
      tpu.enqueue_dma source(%dma_start3A_81 : memref<80x64xi32, #tpu.memory_space<hbm>>) target(%arg7 : memref<80x64xi32, #tpu.memory_space<vmem>>) target_semaphore(%run_scoped3A : memref<!tpu.dma_semaphore, #tpu.memory_space<semaphore_mem>>)
      %dma_wait3A = arith.constant 80 : i32
      %dma_wait3A_82 = arith.constant 0 : i32
      %dma_wait3A_83 = tpu.memref_slice %arg3[%add3A, %dma_wait3A, %dma_wait3A_82] : memref<32x160x64xi32, #tpu.memory_space<hbm>> -> memref<1x80x64xi32, #tpu.memory_space<hbm>>
      %dma_wait3A_84 = tpu.memref_squeeze %dma_wait3A_83 : memref<1x80x64xi32, #tpu.memory_space<hbm>> -> memref<80x64xi32, #tpu.memory_space<hbm>>
      %dma_wait3A_85 = arith.constant 80 : i32
      %dma_wait3A_86 = arith.constant 0 : i32
      %dma_wait3A_87 = tpu.memref_slice %arg3[%add3A, %dma_wait3A_85, %dma_wait3A_86] : memref<32x160x64xi32, #tpu.memory_space<hbm>> -> memref<1x80x64xi32, #tpu.memory_space<hbm>>
      %dma_wait3A_88 = tpu.memref_squeeze %dma_wait3A_87 : memref<1x80x64xi32, #tpu.memory_space<hbm>> -> memref<80x64xi32, #tpu.memory_space<hbm>>
      tpu.wait_dma2 semaphore(%run_scoped3A : memref<!tpu.dma_semaphore, #tpu.memory_space<semaphore_mem>>) src(%dma_wait3A_88 : memref<80x64xi32, #tpu.memory_space<hbm>>) dst(%arg7 : memref<80x64xi32, #tpu.memory_space<vmem>>)
      tpu.yield
    }) : () -> ()
    "tpu.region"() ({
      %run_scoped3A = tpu.sem_alloc : memref<!tpu.dma_semaphore, #tpu.memory_space<semaphore_mem>>
      %dma_start3A_74 = arith.constant 80 : i32
      %dma_start3A_75 = arith.constant 0 : i32
      %dma_start3A_76 = tpu.memref_slice %arg4[%add3A, %dma_start3A_74, %dma_start3A_75] : memref<32x160x64xi32, #tpu.memory_space<hbm>> -> memref<1x80x64xi32, #tpu.memory_space<hbm>>
      %dma_start3A_77 = tpu.memref_squeeze %dma_start3A_76 : memref<1x80x64xi32, #tpu.memory_space<hbm>> -> memref<80x64xi32, #tpu.memory_space<hbm>>
      %dma_start3A_78 = arith.constant 80 : i32
      %dma_start3A_79 = arith.constant 0 : i32
      %dma_start3A_80 = tpu.memref_slice %arg4[%add3A, %dma_start3A_78, %dma_start3A_79] : memref<32x160x64xi32, #tpu.memory_space<hbm>> -> memref<1x80x64xi32, #tpu.memory_space<hbm>>
      %dma_start3A_81 = tpu.memref_squeeze %dma_start3A_80 : memref<1x80x64xi32, #tpu.memory_space<hbm>> -> memref<80x64xi32, #tpu.memory_space<hbm>>
      tpu.enqueue_dma source(%dma_start3A_81 : memref<80x64xi32, #tpu.memory_space<hbm>>) target(%arg8 : memref<80x64xi32, #tpu.memory_space<vmem>>) target_semaphore(%run_scoped3A : memref<!tpu.dma_semaphore, #tpu.memory_space<semaphore_mem>>)
      %dma_wait3A = arith.constant 80 : i32
      %dma_wait3A_82 = arith.constant 0 : i32
      %dma_wait3A_83 = tpu.memref_slice %arg4[%add3A, %dma_wait3A, %dma_wait3A_82] : memref<32x160x64xi32, #tpu.memory_space<hbm>> -> memref<1x80x64xi32, #tpu.memory_space<hbm>>
      %dma_wait3A_84 = tpu.memref_squeeze %dma_wait3A_83 : memref<1x80x64xi32, #tpu.memory_space<hbm>> -> memref<80x64xi32, #tpu.memory_space<hbm>>
      %dma_wait3A_85 = arith.constant 80 : i32
      %dma_wait3A_86 = arith.constant 0 : i32
      %dma_wait3A_87 = tpu.memref_slice %arg4[%add3A, %dma_wait3A_85, %dma_wait3A_86] : memref<32x160x64xi32, #tpu.memory_space<hbm>> -> memref<1x80x64xi32, #tpu.memory_space<hbm>>
      %dma_wait3A_88 = tpu.memref_squeeze %dma_wait3A_87 : memref<1x80x64xi32, #tpu.memory_space<hbm>> -> memref<80x64xi32, #tpu.memory_space<hbm>>
      tpu.wait_dma2 semaphore(%run_scoped3A : memref<!tpu.dma_semaphore, #tpu.memory_space<semaphore_mem>>) src(%dma_wait3A_88 : memref<80x64xi32, #tpu.memory_space<hbm>>) dst(%arg8 : memref<80x64xi32, #tpu.memory_space<vmem>>)
      tpu.yield
    }) : () -> ()
    %dma_start3A_36 = arith.constant 0 : i32
    %dma_start3A_37 = arith.constant 0 : i32
    %dma_start3A_38 = tpu.memref_slice %arg7[%dma_start3A_36, %dma_start3A_37] : memref<80x64xi32, #tpu.memory_space<vmem>> -> memref<1x64xi32, #tpu.memory_space<vmem>>
    %dma_start3A_39 = tpu.memref_squeeze %dma_start3A_38 : memref<1x64xi32, #tpu.memory_space<vmem>> -> memref<64xi32, #tpu.memory_space<vmem>>
    %dma_start3A_40 = arith.constant 0 : i32
    %dma_start3A_41 = arith.constant 0 : i32
    %dma_start3A_42 = tpu.memref_slice %arg2[%dma_start3A_40, %dma_start3A_41] : memref<10000x128xf32, #tpu.memory_space<hbm>> -> memref<10000x128xf32, #tpu.memory_space<hbm>>
    tpu.enqueue_indirect_dma source(%dma_start3A_42 : memref<10000x128xf32, #tpu.memory_space<hbm>>) target(%arg9 : memref<64x128xf32, #tpu.memory_space<vmem>>) offsets(%dma_start3A_39 : memref<64xi32, #tpu.memory_space<vmem>>) semaphore(%arg13 : memref<!tpu.dma_semaphore, #tpu.memory_space<semaphore_mem>>)
    %dma_start3A_43 = arith.constant 1 : i32
    %dma_start3A_44 = arith.constant 0 : i32
    %dma_start3A_45 = tpu.memref_slice %arg7[%dma_start3A_43, %dma_start3A_44] : memref<80x64xi32, #tpu.memory_space<vmem>> -> memref<1x64xi32, #tpu.memory_space<vmem>>
    %dma_start3A_46 = tpu.memref_squeeze %dma_start3A_45 : memref<1x64xi32, #tpu.memory_space<vmem>> -> memref<64xi32, #tpu.memory_space<vmem>>
    %dma_start3A_47 = arith.constant 0 : i32
    %dma_start3A_48 = arith.constant 0 : i32
    %dma_start3A_49 = tpu.memref_slice %arg2[%dma_start3A_47, %dma_start3A_48] : memref<10000x128xf32, #tpu.memory_space<hbm>> -> memref<10000x128xf32, #tpu.memory_space<hbm>>
    tpu.enqueue_indirect_dma source(%dma_start3A_49 : memref<10000x128xf32, #tpu.memory_space<hbm>>) target(%arg10 : memref<64x128xf32, #tpu.memory_space<vmem>>) offsets(%dma_start3A_46 : memref<64xi32, #tpu.memory_space<vmem>>) semaphore(%arg14 : memref<!tpu.dma_semaphore, #tpu.memory_space<semaphore_mem>>)
    %dma_start3A_50 = arith.constant 2 : i32
    %dma_start3A_51 = arith.constant 0 : i32
    %dma_start3A_52 = tpu.memref_slice %arg7[%dma_start3A_50, %dma_start3A_51] : memref<80x64xi32, #tpu.memory_space<vmem>> -> memref<1x64xi32, #tpu.memory_space<vmem>>
    %dma_start3A_53 = tpu.memref_squeeze %dma_start3A_52 : memref<1x64xi32, #tpu.memory_space<vmem>> -> memref<64xi32, #tpu.memory_space<vmem>>
    %dma_start3A_54 = arith.constant 0 : i32
    %dma_start3A_55 = arith.constant 0 : i32
    %dma_start3A_56 = tpu.memref_slice %arg2[%dma_start3A_54, %dma_start3A_55] : memref<10000x128xf32, #tpu.memory_space<hbm>> -> memref<10000x128xf32, #tpu.memory_space<hbm>>
    tpu.enqueue_indirect_dma source(%dma_start3A_56 : memref<10000x128xf32, #tpu.memory_space<hbm>>) target(%arg11 : memref<64x128xf32, #tpu.memory_space<vmem>>) offsets(%dma_start3A_53 : memref<64xi32, #tpu.memory_space<vmem>>) semaphore(%arg15 : memref<!tpu.dma_semaphore, #tpu.memory_space<semaphore_mem>>)
    %dma_start3A_57 = arith.constant 3 : i32
    %dma_start3A_58 = arith.constant 0 : i32
    %dma_start3A_59 = tpu.memref_slice %arg7[%dma_start3A_57, %dma_start3A_58] : memref<80x64xi32, #tpu.memory_space<vmem>> -> memref<1x64xi32, #tpu.memory_space<vmem>>
    %dma_start3A_60 = tpu.memref_squeeze %dma_start3A_59 : memref<1x64xi32, #tpu.memory_space<vmem>> -> memref<64xi32, #tpu.memory_space<vmem>>
    %dma_start3A_61 = arith.constant 0 : i32
    %dma_start3A_62 = arith.constant 0 : i32
    %dma_start3A_63 = tpu.memref_slice %arg2[%dma_start3A_61, %dma_start3A_62] : memref<10000x128xf32, #tpu.memory_space<hbm>> -> memref<10000x128xf32, #tpu.memory_space<hbm>>
    tpu.enqueue_indirect_dma source(%dma_start3A_63 : memref<10000x128xf32, #tpu.memory_space<hbm>>) target(%arg12 : memref<64x128xf32, #tpu.memory_space<vmem>>) offsets(%dma_start3A_60 : memref<64xi32, #tpu.memory_space<vmem>>) semaphore(%arg16 : memref<!tpu.dma_semaphore, #tpu.memory_space<semaphore_mem>>)
    %scan3A_64 = arith.constant 0 : i32
    %scan3A_65 = arith.constant 20 : i32
    %scan3A_66 = arith.addi %scan3A_64, %scan3A_65 : i32
    %scan3A_67 = arith.constant 1 : i32
    scf.for %scan3A_74 = %scan3A_64 to %scan3A_66 step %scan3A_67  : i32 {
      %mul3A_75 = arith.constant 4 : i32
      %mul3A_76 = arith.muli %scan3A_74, %mul3A_75 : i32
      %add3A_77 = arith.constant 0 : i32
      %add3A_78 = arith.addi %add3A_77, %mul3A_76 : i32
      %add3A_79 = arith.constant 0 : i32
      %add3A_80 = arith.addi %add3A_78, %add3A_79 : i32
      %dma_wait3A = arith.constant 0 : i32
      %dma_wait3A_81 = tpu.memref_slice %arg7[%add3A_80, %dma_wait3A] : memref<80x64xi32, #tpu.memory_space<vmem>> -> memref<1x64xi32, #tpu.memory_space<vmem>>
      %dma_wait3A_82 = tpu.memref_squeeze %dma_wait3A_81 : memref<1x64xi32, #tpu.memory_space<vmem>> -> memref<64xi32, #tpu.memory_space<vmem>>
      %dma_wait3A_83 = arith.constant 0 : i32
      %dma_wait3A_84 = arith.constant 0 : i32
      %dma_wait3A_85 = tpu.memref_slice %arg2[%dma_wait3A_83, %dma_wait3A_84] : memref<10000x128xf32, #tpu.memory_space<hbm>> -> memref<10000x128xf32, #tpu.memory_space<hbm>>
      tpu.wait_indirect_dma semaphore(%arg13 : memref<!tpu.dma_semaphore, #tpu.memory_space<semaphore_mem>>) src(%dma_wait3A_85 : memref<10000x128xf32, #tpu.memory_space<hbm>>) dst(%arg9 : memref<64x128xf32, #tpu.memory_space<vmem>>)
      %dma_start3A_86 = arith.constant 0 : i32
      %dma_start3A_87 = tpu.memref_slice %arg8[%add3A_80, %dma_start3A_86] : memref<80x64xi32, #tpu.memory_space<vmem>> -> memref<1x64xi32, #tpu.memory_space<vmem>>
      %dma_start3A_88 = tpu.memref_squeeze %dma_start3A_87 : memref<1x64xi32, #tpu.memory_space<vmem>> -> memref<64xi32, #tpu.memory_space<vmem>>
      %dma_start3A_89 = arith.constant 0 : i32
      %dma_start3A_90 = arith.constant 0 : i32
      %dma_start3A_91 = tpu.memref_slice %arg21[%dma_start3A_89, %dma_start3A_90] : memref<10240x128xf32, #tpu.memory_space<vmem_shared>> -> memref<10240x128xf32, #tpu.memory_space<vmem_shared>>
      tpu.enqueue_indirect_dma source(%arg9 : memref<64x128xf32, #tpu.memory_space<vmem>>) target(%dma_start3A_91 : memref<10240x128xf32, #tpu.memory_space<vmem_shared>>) offsets(%dma_start3A_88 : memref<64xi32, #tpu.memory_space<vmem>>) semaphore(%arg17 : memref<!tpu.dma_semaphore, #tpu.memory_space<semaphore_mem>>) {add = true}
      %add3A_92 = arith.constant 1 : i32
      %add3A_93 = arith.addi %add3A_78, %add3A_92 : i32
      %dma_wait3A_94 = arith.constant 0 : i32
      %dma_wait3A_95 = tpu.memref_slice %arg7[%add3A_93, %dma_wait3A_94] : memref<80x64xi32, #tpu.memory_space<vmem>> -> memref<1x64xi32, #tpu.memory_space<vmem>>
      %dma_wait3A_96 = tpu.memref_squeeze %dma_wait3A_95 : memref<1x64xi32, #tpu.memory_space<vmem>> -> memref<64xi32, #tpu.memory_space<vmem>>
      %dma_wait3A_97 = arith.constant 0 : i32
      %dma_wait3A_98 = arith.constant 0 : i32
      %dma_wait3A_99 = tpu.memref_slice %arg2[%dma_wait3A_97, %dma_wait3A_98] : memref<10000x128xf32, #tpu.memory_space<hbm>> -> memref<10000x128xf32, #tpu.memory_space<hbm>>
      tpu.wait_indirect_dma semaphore(%arg14 : memref<!tpu.dma_semaphore, #tpu.memory_space<semaphore_mem>>) src(%dma_wait3A_99 : memref<10000x128xf32, #tpu.memory_space<hbm>>) dst(%arg10 : memref<64x128xf32, #tpu.memory_space<vmem>>)
      %dma_start3A_100 = arith.constant 0 : i32
      %dma_start3A_101 = tpu.memref_slice %arg8[%add3A_93, %dma_start3A_100] : memref<80x64xi32, #tpu.memory_space<vmem>> -> memref<1x64xi32, #tpu.memory_space<vmem>>
      %dma_start3A_102 = tpu.memref_squeeze %dma_start3A_101 : memref<1x64xi32, #tpu.memory_space<vmem>> -> memref<64xi32, #tpu.memory_space<vmem>>
      %dma_start3A_103 = arith.constant 0 : i32
      %dma_start3A_104 = arith.constant 0 : i32
      %dma_start3A_105 = tpu.memref_slice %arg21[%dma_start3A_103, %dma_start3A_104] : memref<10240x128xf32, #tpu.memory_space<vmem_shared>> -> memref<10240x128xf32, #tpu.memory_space<vmem_shared>>
      tpu.enqueue_indirect_dma source(%arg10 : memref<64x128xf32, #tpu.memory_space<vmem>>) target(%dma_start3A_105 : memref<10240x128xf32, #tpu.memory_space<vmem_shared>>) offsets(%dma_start3A_102 : memref<64xi32, #tpu.memory_space<vmem>>) semaphore(%arg18 : memref<!tpu.dma_semaphore, #tpu.memory_space<semaphore_mem>>) {add = true}
      %add3A_106 = arith.constant 2 : i32
      %add3A_107 = arith.addi %add3A_78, %add3A_106 : i32
      %dma_wait3A_108 = arith.constant 0 : i32
      %dma_wait3A_109 = tpu.memref_slice %arg7[%add3A_107, %dma_wait3A_108] : memref<80x64xi32, #tpu.memory_space<vmem>> -> memref<1x64xi32, #tpu.memory_space<vmem>>
      %dma_wait3A_110 = tpu.memref_squeeze %dma_wait3A_109 : memref<1x64xi32, #tpu.memory_space<vmem>> -> memref<64xi32, #tpu.memory_space<vmem>>
      %dma_wait3A_111 = arith.constant 0 : i32
      %dma_wait3A_112 = arith.constant 0 : i32
      %dma_wait3A_113 = tpu.memref_slice %arg2[%dma_wait3A_111, %dma_wait3A_112] : memref<10000x128xf32, #tpu.memory_space<hbm>> -> memref<10000x128xf32, #tpu.memory_space<hbm>>
      tpu.wait_indirect_dma semaphore(%arg15 : memref<!tpu.dma_semaphore, #tpu.memory_space<semaphore_mem>>) src(%dma_wait3A_113 : memref<10000x128xf32, #tpu.memory_space<hbm>>) dst(%arg11 : memref<64x128xf32, #tpu.memory_space<vmem>>)
      %dma_start3A_114 = arith.constant 0 : i32
      %dma_start3A_115 = tpu.memref_slice %arg8[%add3A_107, %dma_start3A_114] : memref<80x64xi32, #tpu.memory_space<vmem>> -> memref<1x64xi32, #tpu.memory_space<vmem>>
      %dma_start3A_116 = tpu.memref_squeeze %dma_start3A_115 : memref<1x64xi32, #tpu.memory_space<vmem>> -> memref<64xi32, #tpu.memory_space<vmem>>
      %dma_start3A_117 = arith.constant 0 : i32
      %dma_start3A_118 = arith.constant 0 : i32
      %dma_start3A_119 = tpu.memref_slice %arg21[%dma_start3A_117, %dma_start3A_118] : memref<10240x128xf32, #tpu.memory_space<vmem_shared>> -> memref<10240x128xf32, #tpu.memory_space<vmem_shared>>
      tpu.enqueue_indirect_dma source(%arg11 : memref<64x128xf32, #tpu.memory_space<vmem>>) target(%dma_start3A_119 : memref<10240x128xf32, #tpu.memory_space<vmem_shared>>) offsets(%dma_start3A_116 : memref<64xi32, #tpu.memory_space<vmem>>) semaphore(%arg19 : memref<!tpu.dma_semaphore, #tpu.memory_space<semaphore_mem>>) {add = true}
      %add3A_120 = arith.constant 3 : i32
      %add3A_121 = arith.addi %add3A_78, %add3A_120 : i32
      %dma_wait3A_122 = arith.constant 0 : i32
      %dma_wait3A_123 = tpu.memref_slice %arg7[%add3A_121, %dma_wait3A_122] : memref<80x64xi32, #tpu.memory_space<vmem>> -> memref<1x64xi32, #tpu.memory_space<vmem>>
      %dma_wait3A_124 = tpu.memref_squeeze %dma_wait3A_123 : memref<1x64xi32, #tpu.memory_space<vmem>> -> memref<64xi32, #tpu.memory_space<vmem>>
      %dma_wait3A_125 = arith.constant 0 : i32
      %dma_wait3A_126 = arith.constant 0 : i32
      %dma_wait3A_127 = tpu.memref_slice %arg2[%dma_wait3A_125, %dma_wait3A_126] : memref<10000x128xf32, #tpu.memory_space<hbm>> -> memref<10000x128xf32, #tpu.memory_space<hbm>>
      tpu.wait_indirect_dma semaphore(%arg16 : memref<!tpu.dma_semaphore, #tpu.memory_space<semaphore_mem>>) src(%dma_wait3A_127 : memref<10000x128xf32, #tpu.memory_space<hbm>>) dst(%arg12 : memref<64x128xf32, #tpu.memory_space<vmem>>)
      %dma_start3A_128 = arith.constant 0 : i32
      %dma_start3A_129 = tpu.memref_slice %arg8[%add3A_121, %dma_start3A_128] : memref<80x64xi32, #tpu.memory_space<vmem>> -> memref<1x64xi32, #tpu.memory_space<vmem>>
      %dma_start3A_130 = tpu.memref_squeeze %dma_start3A_129 : memref<1x64xi32, #tpu.memory_space<vmem>> -> memref<64xi32, #tpu.memory_space<vmem>>
      %dma_start3A_131 = arith.constant 0 : i32
      %dma_start3A_132 = arith.constant 0 : i32
      %dma_start3A_133 = tpu.memref_slice %arg21[%dma_start3A_131, %dma_start3A_132] : memref<10240x128xf32, #tpu.memory_space<vmem_shared>> -> memref<10240x128xf32, #tpu.memory_space<vmem_shared>>
      tpu.enqueue_indirect_dma source(%arg12 : memref<64x128xf32, #tpu.memory_space<vmem>>) target(%dma_start3A_133 : memref<10240x128xf32, #tpu.memory_space<vmem_shared>>) offsets(%dma_start3A_130 : memref<64xi32, #tpu.memory_space<vmem>>) semaphore(%arg20 : memref<!tpu.dma_semaphore, #tpu.memory_space<semaphore_mem>>) {add = true}
      %add3A_134 = arith.constant 0 : i32
      %add3A_135 = arith.addi %add3A_78, %add3A_134 : i32
      %dma_wait3A_136 = arith.constant 0 : i32
      %dma_wait3A_137 = tpu.memref_slice %arg8[%add3A_135, %dma_wait3A_136] : memref<80x64xi32, #tpu.memory_space<vmem>> -> memref<1x64xi32, #tpu.memory_space<vmem>>
      %dma_wait3A_138 = tpu.memref_squeeze %dma_wait3A_137 : memref<1x64xi32, #tpu.memory_space<vmem>> -> memref<64xi32, #tpu.memory_space<vmem>>
      %dma_wait3A_139 = arith.constant 0 : i32
      %dma_wait3A_140 = arith.constant 0 : i32
      %dma_wait3A_141 = tpu.memref_slice %arg21[%dma_wait3A_139, %dma_wait3A_140] : memref<10240x128xf32, #tpu.memory_space<vmem_shared>> -> memref<10240x128xf32, #tpu.memory_space<vmem_shared>>
      tpu.wait_indirect_dma semaphore(%arg17 : memref<!tpu.dma_semaphore, #tpu.memory_space<semaphore_mem>>) src(%arg9 : memref<64x128xf32, #tpu.memory_space<vmem>>) dst(%dma_wait3A_141 : memref<10240x128xf32, #tpu.memory_space<vmem_shared>>)
      %add3A_142 = arith.constant 0 : i32
      %add3A_143 = arith.addi %add3A_78, %add3A_142 : i32
      %add3A_144 = arith.constant 4 : i32
      %add3A_145 = arith.addi %add3A_143, %add3A_144 : i32
      %lt3A = arith.constant 80 : i32
      %lt3A_146 = arith.cmpi slt, %add3A_145, %lt3A : i32
      %convert_element_type3A = arith.extui %lt3A_146 : i1 to i32
      %cond3A = arith.constant 0 : i32
      %cond3A_147 = arith.cmpi ne, %convert_element_type3A, %cond3A : i32
      scf.if %cond3A_147 {
        %dma_start3A_199 = arith.constant 0 : i32
        %dma_start3A_200 = tpu.memref_slice %arg7[%add3A_145, %dma_start3A_199] : memref<80x64xi32, #tpu.memory_space<vmem>> -> memref<1x64xi32, #tpu.memory_space<vmem>>
        %dma_start3A_201 = tpu.memref_squeeze %dma_start3A_200 : memref<1x64xi32, #tpu.memory_space<vmem>> -> memref<64xi32, #tpu.memory_space<vmem>>
        %dma_start3A_202 = arith.constant 0 : i32
        %dma_start3A_203 = arith.constant 0 : i32
        %dma_start3A_204 = tpu.memref_slice %arg2[%dma_start3A_202, %dma_start3A_203] : memref<10000x128xf32, #tpu.memory_space<hbm>> -> memref<10000x128xf32, #tpu.memory_space<hbm>>
        tpu.enqueue_indirect_dma source(%dma_start3A_204 : memref<10000x128xf32, #tpu.memory_space<hbm>>) target(%arg9 : memref<64x128xf32, #tpu.memory_space<vmem>>) offsets(%dma_start3A_201 : memref<64xi32, #tpu.memory_space<vmem>>) semaphore(%arg13 : memref<!tpu.dma_semaphore, #tpu.memory_space<semaphore_mem>>)
      } else {
      }
      %add3A_148 = arith.constant 1 : i32
      %add3A_149 = arith.addi %add3A_78, %add3A_148 : i32
      %dma_wait3A_150 = arith.constant 0 : i32
      %dma_wait3A_151 = tpu.memref_slice %arg8[%add3A_149, %dma_wait3A_150] : memref<80x64xi32, #tpu.memory_space<vmem>> -> memref<1x64xi32, #tpu.memory_space<vmem>>
      %dma_wait3A_152 = tpu.memref_squeeze %dma_wait3A_151 : memref<1x64xi32, #tpu.memory_space<vmem>> -> memref<64xi32, #tpu.memory_space<vmem>>
      %dma_wait3A_153 = arith.constant 0 : i32
      %dma_wait3A_154 = arith.constant 0 : i32
      %dma_wait3A_155 = tpu.memref_slice %arg21[%dma_wait3A_153, %dma_wait3A_154] : memref<10240x128xf32, #tpu.memory_space<vmem_shared>> -> memref<10240x128xf32, #tpu.memory_space<vmem_shared>>
      tpu.wait_indirect_dma semaphore(%arg18 : memref<!tpu.dma_semaphore, #tpu.memory_space<semaphore_mem>>) src(%arg10 : memref<64x128xf32, #tpu.memory_space<vmem>>) dst(%dma_wait3A_155 : memref<10240x128xf32, #tpu.memory_space<vmem_shared>>)
      %add3A_156 = arith.constant 1 : i32
      %add3A_157 = arith.addi %add3A_78, %add3A_156 : i32
      %add3A_158 = arith.constant 4 : i32
      %add3A_159 = arith.addi %add3A_157, %add3A_158 : i32
      %lt3A_160 = arith.constant 80 : i32
      %lt3A_161 = arith.cmpi slt, %add3A_159, %lt3A_160 : i32
      %convert_element_type3A_162 = arith.extui %lt3A_161 : i1 to i32
      %cond3A_163 = arith.constant 0 : i32
      %cond3A_164 = arith.cmpi ne, %convert_element_type3A_162, %cond3A_163 : i32
      scf.if %cond3A_164 {
        %dma_start3A_199 = arith.constant 0 : i32
        %dma_start3A_200 = tpu.memref_slice %arg7[%add3A_159, %dma_start3A_199] : memref<80x64xi32, #tpu.memory_space<vmem>> -> memref<1x64xi32, #tpu.memory_space<vmem>>
        %dma_start3A_201 = tpu.memref_squeeze %dma_start3A_200 : memref<1x64xi32, #tpu.memory_space<vmem>> -> memref<64xi32, #tpu.memory_space<vmem>>
        %dma_start3A_202 = arith.constant 0 : i32
        %dma_start3A_203 = arith.constant 0 : i32
        %dma_start3A_204 = tpu.memref_slice %arg2[%dma_start3A_202, %dma_start3A_203] : memref<10000x128xf32, #tpu.memory_space<hbm>> -> memref<10000x128xf32, #tpu.memory_space<hbm>>
        tpu.enqueue_indirect_dma source(%dma_start3A_204 : memref<10000x128xf32, #tpu.memory_space<hbm>>) target(%arg10 : memref<64x128xf32, #tpu.memory_space<vmem>>) offsets(%dma_start3A_201 : memref<64xi32, #tpu.memory_space<vmem>>) semaphore(%arg14 : memref<!tpu.dma_semaphore, #tpu.memory_space<semaphore_mem>>)
      } else {
      }
      %add3A_165 = arith.constant 2 : i32
      %add3A_166 = arith.addi %add3A_78, %add3A_165 : i32
      %dma_wait3A_167 = arith.constant 0 : i32
      %dma_wait3A_168 = tpu.memref_slice %arg8[%add3A_166, %dma_wait3A_167] : memref<80x64xi32, #tpu.memory_space<vmem>> -> memref<1x64xi32, #tpu.memory_space<vmem>>
      %dma_wait3A_169 = tpu.memref_squeeze %dma_wait3A_168 : memref<1x64xi32, #tpu.memory_space<vmem>> -> memref<64xi32, #tpu.memory_space<vmem>>
      %dma_wait3A_170 = arith.constant 0 : i32
      %dma_wait3A_171 = arith.constant 0 : i32
      %dma_wait3A_172 = tpu.memref_slice %arg21[%dma_wait3A_170, %dma_wait3A_171] : memref<10240x128xf32, #tpu.memory_space<vmem_shared>> -> memref<10240x128xf32, #tpu.memory_space<vmem_shared>>
      tpu.wait_indirect_dma semaphore(%arg19 : memref<!tpu.dma_semaphore, #tpu.memory_space<semaphore_mem>>) src(%arg11 : memref<64x128xf32, #tpu.memory_space<vmem>>) dst(%dma_wait3A_172 : memref<10240x128xf32, #tpu.memory_space<vmem_shared>>)
      %add3A_173 = arith.constant 2 : i32
      %add3A_174 = arith.addi %add3A_78, %add3A_173 : i32
      %add3A_175 = arith.constant 4 : i32
      %add3A_176 = arith.addi %add3A_174, %add3A_175 : i32
      %lt3A_177 = arith.constant 80 : i32
      %lt3A_178 = arith.cmpi slt, %add3A_176, %lt3A_177 : i32
      %convert_element_type3A_179 = arith.extui %lt3A_178 : i1 to i32
      %cond3A_180 = arith.constant 0 : i32
      %cond3A_181 = arith.cmpi ne, %convert_element_type3A_179, %cond3A_180 : i32
      scf.if %cond3A_181 {
        %dma_start3A_199 = arith.constant 0 : i32
        %dma_start3A_200 = tpu.memref_slice %arg7[%add3A_176, %dma_start3A_199] : memref<80x64xi32, #tpu.memory_space<vmem>> -> memref<1x64xi32, #tpu.memory_space<vmem>>
        %dma_start3A_201 = tpu.memref_squeeze %dma_start3A_200 : memref<1x64xi32, #tpu.memory_space<vmem>> -> memref<64xi32, #tpu.memory_space<vmem>>
        %dma_start3A_202 = arith.constant 0 : i32
        %dma_start3A_203 = arith.constant 0 : i32
        %dma_start3A_204 = tpu.memref_slice %arg2[%dma_start3A_202, %dma_start3A_203] : memref<10000x128xf32, #tpu.memory_space<hbm>> -> memref<10000x128xf32, #tpu.memory_space<hbm>>
        tpu.enqueue_indirect_dma source(%dma_start3A_204 : memref<10000x128xf32, #tpu.memory_space<hbm>>) target(%arg11 : memref<64x128xf32, #tpu.memory_space<vmem>>) offsets(%dma_start3A_201 : memref<64xi32, #tpu.memory_space<vmem>>) semaphore(%arg15 : memref<!tpu.dma_semaphore, #tpu.memory_space<semaphore_mem>>)
      } else {
      }
      %add3A_182 = arith.constant 3 : i32
      %add3A_183 = arith.addi %add3A_78, %add3A_182 : i32
      %dma_wait3A_184 = arith.constant 0 : i32
      %dma_wait3A_185 = tpu.memref_slice %arg8[%add3A_183, %dma_wait3A_184] : memref<80x64xi32, #tpu.memory_space<vmem>> -> memref<1x64xi32, #tpu.memory_space<vmem>>
      %dma_wait3A_186 = tpu.memref_squeeze %dma_wait3A_185 : memref<1x64xi32, #tpu.memory_space<vmem>> -> memref<64xi32, #tpu.memory_space<vmem>>
      %dma_wait3A_187 = arith.constant 0 : i32
      %dma_wait3A_188 = arith.constant 0 : i32
      %dma_wait3A_189 = tpu.memref_slice %arg21[%dma_wait3A_187, %dma_wait3A_188] : memref<10240x128xf32, #tpu.memory_space<vmem_shared>> -> memref<10240x128xf32, #tpu.memory_space<vmem_shared>>
      tpu.wait_indirect_dma semaphore(%arg20 : memref<!tpu.dma_semaphore, #tpu.memory_space<semaphore_mem>>) src(%arg12 : memref<64x128xf32, #tpu.memory_space<vmem>>) dst(%dma_wait3A_189 : memref<10240x128xf32, #tpu.memory_space<vmem_shared>>)
      %add3A_190 = arith.constant 3 : i32
      %add3A_191 = arith.addi %add3A_78, %add3A_190 : i32
      %add3A_192 = arith.constant 4 : i32
      %add3A_193 = arith.addi %add3A_191, %add3A_192 : i32
      %lt3A_194 = arith.constant 80 : i32
      %lt3A_195 = arith.cmpi slt, %add3A_193, %lt3A_194 : i32
      %convert_element_type3A_196 = arith.extui %lt3A_195 : i1 to i32
      %cond3A_197 = arith.constant 0 : i32
      %cond3A_198 = arith.cmpi ne, %convert_element_type3A_196, %cond3A_197 : i32
      scf.if %cond3A_198 {
        %dma_start3A_199 = arith.constant 0 : i32
        %dma_start3A_200 = tpu.memref_slice %arg7[%add3A_193, %dma_start3A_199] : memref<80x64xi32, #tpu.memory_space<vmem>> -> memref<1x64xi32, #tpu.memory_space<vmem>>
        %dma_start3A_201 = tpu.memref_squeeze %dma_start3A_200 : memref<1x64xi32, #tpu.memory_space<vmem>> -> memref<64xi32, #tpu.memory_space<vmem>>
        %dma_start3A_202 = arith.constant 0 : i32
        %dma_start3A_203 = arith.constant 0 : i32
        %dma_start3A_204 = tpu.memref_slice %arg2[%dma_start3A_202, %dma_start3A_203] : memref<10000x128xf32, #tpu.memory_space<hbm>> -> memref<10000x128xf32, #tpu.memory_space<hbm>>
        tpu.enqueue_indirect_dma source(%dma_start3A_204 : memref<10000x128xf32, #tpu.memory_space<hbm>>) target(%arg12 : memref<64x128xf32, #tpu.memory_space<vmem>>) offsets(%dma_start3A_201 : memref<64xi32, #tpu.memory_space<vmem>>) semaphore(%arg16 : memref<!tpu.dma_semaphore, #tpu.memory_space<semaphore_mem>>)
      } else {
      }
    }
    %scan3A_68 = arith.constant 20 : i32
    %barrier3A_69 = arith.constant 0 : index
    tpu.barrier barrier_id(%barrier3A_69)
    %mul3A_70 = arith.constant 640 : i32
    %mul3A_71 = arith.muli %arg1, %mul3A_70 : i32
    %mul3A_72 = arith.constant 640 : i32
    %mul3A_73 = arith.muli %arg1, %mul3A_72 : i32
    "tpu.region"() ({
      %run_scoped3A = tpu.sem_alloc : memref<!tpu.dma_semaphore, #tpu.memory_space<semaphore_mem>>
      %dma_start3A_74 = arith.constant 0 : i32
      %dma_start3A_75 = tpu.memref_slice %arg6[%arg0, %mul3A_73, %dma_start3A_74] : memref<2x10240x128xf32, #tpu.memory_space<hbm>> -> memref<1x640x128xf32, #tpu.memory_space<hbm>>
      %dma_start3A_76 = tpu.memref_squeeze %dma_start3A_75 : memref<1x640x128xf32, #tpu.memory_space<hbm>> -> memref<640x128xf32, #tpu.memory_space<hbm>>
      %dma_start3A_77 = arith.constant 0 : i32
      %dma_start3A_78 = tpu.memref_slice %arg21[%mul3A_71, %dma_start3A_77] : memref<10240x128xf32, #tpu.memory_space<vmem_shared>> -> memref<640x128xf32, #tpu.memory_space<vmem_shared>>
      tpu.enqueue_dma source(%dma_start3A_78 : memref<640x128xf32, #tpu.memory_space<vmem_shared>>) target(%dma_start3A_76 : memref<640x128xf32, #tpu.memory_space<hbm>>) target_semaphore(%run_scoped3A : memref<!tpu.dma_semaphore, #tpu.memory_space<semaphore_mem>>)
      %dma_wait3A = arith.constant 0 : i32
      %dma_wait3A_79 = tpu.memref_slice %arg6[%arg0, %mul3A_73, %dma_wait3A] : memref<2x10240x128xf32, #tpu.memory_space<hbm>> -> memref<1x640x128xf32, #tpu.memory_space<hbm>>
      %dma_wait3A_80 = tpu.memref_squeeze %dma_wait3A_79 : memref<1x640x128xf32, #tpu.memory_space<hbm>> -> memref<640x128xf32, #tpu.memory_space<hbm>>
      %dma_wait3A_81 = arith.constant 0 : i32
      %dma_wait3A_82 = tpu.memref_slice %arg21[%mul3A_71, %dma_wait3A_81] : memref<10240x128xf32, #tpu.memory_space<vmem_shared>> -> memref<640x128xf32, #tpu.memory_space<vmem_shared>>
      tpu.wait_dma2 semaphore(%run_scoped3A : memref<!tpu.dma_semaphore, #tpu.memory_space<semaphore_mem>>) src(%dma_wait3A_82 : memref<640x128xf32, #tpu.memory_space<vmem_shared>>) dst(%dma_wait3A_80 : memref<640x128xf32, #tpu.memory_space<hbm>>)
      tpu.yield
    }) : () -> ()
    return
  }
}

module attributes {stable_mosaic.version = 14 : i64} {
  func.func @_tc_dense_body(%arg0: memref<10000x128xf32, #tpu.memory_space<vmem>>, %arg1: memref<128x128xf32, #tpu.memory_space<vmem>>, %arg2: memref<1x128xf32, #tpu.memory_space<vmem>>, %arg3: memref<10000x2xf32, #tpu.memory_space<vmem>>, %arg4: memref<128x128xf32, #tpu.memory_space<vmem>>, %arg5: memref<384x128xf32, #tpu.memory_space<vmem>>, %arg6: memref<384x128xf32, #tpu.memory_space<vmem>>, %arg7: memref<1x384xf32, #tpu.memory_space<vmem>>, %arg8: memref<1x384xf32, #tpu.memory_space<vmem>>, %arg9: memref<128x128xf32, #tpu.memory_space<vmem>>, %arg10: memref<384x128xf32, #tpu.memory_space<vmem>>, %arg11: memref<384x128xf32, #tpu.memory_space<vmem>>, %arg12: memref<1x384xf32, #tpu.memory_space<vmem>>, %arg13: memref<1x384xf32, #tpu.memory_space<vmem>>, %arg14: memref<10000x128xf32, #tpu.memory_space<vmem>>, %arg15: memref<10000x1xf32, #tpu.memory_space<vmem>>, %arg16: memref<128x128xf32, #tpu.memory_space<vmem>>) attributes {dimension_semantics = [], scalar_prefetch = 0 : i64, scratch_operands = 0 : i64, tpu.core_type = #tpu.core_type<tc>} {
    %get3A = arith.constant 0 : index
    %get3A_0 = arith.constant 0 : index
    %get3A_1 = vector.load %arg3[%get3A, %get3A_0] : memref<10000x2xf32, #tpu.memory_space<vmem>>, vector<10000x1xf32>
    %get3A_2 = arith.constant 0 : index
    %get3A_3 = arith.constant 1 : index
    %get3A_4 = vector.load %arg3[%get3A_2, %get3A_3] : memref<10000x2xf32, #tpu.memory_space<vmem>>, vector<10000x1xf32>
    %add3A = arith.addf %get3A_1, %get3A_4 : vector<10000x1xf32>
    %gt3A = arith.constant 0.000000e+00 : f32
    %gt3A_5 = vector.broadcast %gt3A : f32 to vector<10000x1xf32>
    %gt3A_6 = arith.cmpf ogt, %add3A, %gt3A_5 : vector<10000x1xf32>
    %gt3A_7 = arith.constant 0.000000e+00 : f32
    %gt3A_8 = vector.broadcast %gt3A_7 : f32 to vector<10000x1xf32>
    %gt3A_9 = arith.cmpf ogt, %add3A, %gt3A_8 : vector<10000x1xf32>
    %jit3A = arith.constant 1.000000e+00 : f32
    %broadcast_in_dim3A = vector.broadcast %jit3A : f32 to vector<10000x1xf32>
    %select_n3A = arith.select %gt3A_9, %add3A, %broadcast_in_dim3A : vector<10000x1xi1>, vector<10000x1xf32>
    %rsqrt3A = math.rsqrt %select_n3A : vector<10000x1xf32>
    %jit3A_10 = arith.constant 0.000000e+00 : f32
    %broadcast_in_dim3A_11 = vector.broadcast %jit3A_10 : f32 to vector<10000x1xf32>
    %select_n3A_12 = arith.select %gt3A_6, %rsqrt3A, %broadcast_in_dim3A_11 : vector<10000x1xi1>, vector<10000x1xf32>
    %swap3A = arith.constant 0 : index
    %swap3A_13 = arith.constant 0 : index
    %swap3A_14 = vector.load %arg15[%swap3A, %swap3A_13] : memref<10000x1xf32, #tpu.memory_space<vmem>>, vector<10000x1xf32>
    tpu.vector_store %arg15[%swap3A, %swap3A_13], %select_n3A_12 {strides = array<i32>} : memref<10000x1xf32, #tpu.memory_space<vmem>>, vector<10000x1xf32>,
    %get3A_15 = arith.constant 0 : index
    %get3A_16 = arith.constant 0 : index
    %get3A_17 = vector.load %arg0[%get3A_15, %get3A_16] : memref<10000x128xf32, #tpu.memory_space<vmem>>, vector<10000x128xf32>
    %get3A_18 = arith.constant 0 : index
    %get3A_19 = arith.constant 0 : index
    %get3A_20 = vector.load %arg1[%get3A_18, %get3A_19] : memref<128x128xf32, #tpu.memory_space<vmem>>, vector<128x128xf32>
    %dot_general3A = arith.constant dense<0.000000e+00> : vector<10000x128xf32>
    %dot_general3A_21 = tpu.matmul %get3A_17, %get3A_20, %dot_general3A {dimension_numbers = #tpu.dot_dimension_numbers<[1], [1], [0], [0], [0, 0, 1, 0], [], []>, transpose_lhs_hint = false} : vector<10000x128xf32>, vector<128x128xf32>, vector<10000x128xf32> -> vector<10000x128xf32>
    %get3A_22 = arith.constant 0 : index
    %get3A_23 = arith.constant 0 : index
    %get3A_24 = vector.load %arg2[%get3A_22, %get3A_23] : memref<1x128xf32, #tpu.memory_space<vmem>>, vector<1x128xf32>
    %add3A_25 = vector.broadcast %get3A_24 : vector<1x128xf32> to vector<10000x128xf32>
    %add3A_26 = arith.addf %dot_general3A_21, %add3A_25 : vector<10000x128xf32>
    %get3A_27 = arith.constant 0 : index
    %get3A_28 = arith.constant 0 : index
    %get3A_29 = vector.load %arg4[%get3A_27, %get3A_28] : memref<128x128xf32, #tpu.memory_space<vmem>>, vector<128x128xf32>
    %get3A_30 = arith.constant 0 : index
    %get3A_31 = arith.constant 0 : index
    %get3A_32 = vector.load %arg5[%get3A_30, %get3A_31] : memref<384x128xf32, #tpu.memory_space<vmem>>, vector<384x128xf32>
    %get3A_33 = arith.constant 0 : index
    %get3A_34 = arith.constant 0 : index
    %get3A_35 = vector.load %arg6[%get3A_33, %get3A_34] : memref<384x128xf32, #tpu.memory_space<vmem>>, vector<384x128xf32>
    %get3A_36 = arith.constant 0 : index
    %get3A_37 = arith.constant 0 : index
    %get3A_38 = vector.load %arg7[%get3A_36, %get3A_37] : memref<1x384xf32, #tpu.memory_space<vmem>>, vector<1x384xf32>
    %get3A_39 = arith.constant 0 : index
    %get3A_40 = arith.constant 0 : index
    %get3A_41 = vector.load %arg8[%get3A_39, %get3A_40] : memref<1x384xf32, #tpu.memory_space<vmem>>, vector<1x384xf32>
    %dot_general3A_42 = arith.constant dense<0.000000e+00> : vector<128x384xf32>
    %dot_general3A_43 = tpu.matmul %get3A_29, %get3A_32, %dot_general3A_42 {dimension_numbers = #tpu.dot_dimension_numbers<[1], [1], [0], [0], [0, 0, 1, 0], [], []>, transpose_lhs_hint = false} : vector<128x128xf32>, vector<384x128xf32>, vector<128x384xf32> -> vector<128x384xf32>
    %add3A_44 = vector.broadcast %get3A_38 : vector<1x384xf32> to vector<128x384xf32>
    %add3A_45 = arith.addf %dot_general3A_43, %add3A_44 : vector<128x384xf32>
    %dot_general3A_46 = arith.constant dense<0.000000e+00> : vector<128x384xf32>
    %dot_general3A_47 = tpu.matmul %get3A_29, %get3A_35, %dot_general3A_46 {dimension_numbers = #tpu.dot_dimension_numbers<[1], [1], [0], [0], [0, 0, 1, 0], [], []>, transpose_lhs_hint = false} : vector<128x128xf32>, vector<384x128xf32>, vector<128x384xf32> -> vector<128x384xf32>
    %add3A_48 = vector.broadcast %get3A_41 : vector<1x384xf32> to vector<128x384xf32>
    %add3A_49 = arith.addf %dot_general3A_47, %add3A_48 : vector<128x384xf32>
    %slice3A = vector.extract_strided_slice %add3A_45 {offsets = [0, 0], sizes = [128, 128], strides = [1, 1]} : vector<128x384xf32> to vector<128x128xf32>
    %slice3A_50 = vector.extract_strided_slice %add3A_45 {offsets = [0, 128], sizes = [128, 128], strides = [1, 1]} : vector<128x384xf32> to vector<128x128xf32>
    %slice3A_51 = vector.extract_strided_slice %add3A_45 {offsets = [0, 256], sizes = [128, 128], strides = [1, 1]} : vector<128x384xf32> to vector<128x128xf32>
    %slice3A_52 = vector.extract_strided_slice %add3A_49 {offsets = [0, 0], sizes = [128, 128], strides = [1, 1]} : vector<128x384xf32> to vector<128x128xf32>
    %slice3A_53 = vector.extract_strided_slice %add3A_49 {offsets = [0, 128], sizes = [128, 128], strides = [1, 1]} : vector<128x384xf32> to vector<128x128xf32>
    %slice3A_54 = vector.extract_strided_slice %add3A_49 {offsets = [0, 256], sizes = [128, 128], strides = [1, 1]} : vector<128x384xf32> to vector<128x128xf32>
    %add3A_55 = arith.addf %slice3A, %slice3A_52 : vector<128x128xf32>
    %logistic3A = arith.negf %add3A_55 : vector<128x128xf32>
    %logistic3A_56 = math.exp %logistic3A : vector<128x128xf32>
    %logistic3A_57 = arith.constant 1.000000e+00 : f32
    %logistic3A_58 = vector.broadcast %logistic3A_57 : f32 to vector<128x128xf32>
    %logistic3A_59 = arith.addf %logistic3A_58, %logistic3A_56 : vector<128x128xf32>
    %logistic3A_60 = arith.divf %logistic3A_58, %logistic3A_59 : vector<128x128xf32>
    %add3A_61 = arith.addf %slice3A_50, %slice3A_53 : vector<128x128xf32>
    %logistic3A_62 = arith.negf %add3A_61 : vector<128x128xf32>
    %logistic3A_63 = math.exp %logistic3A_62 : vector<128x128xf32>
    %logistic3A_64 = arith.constant 1.000000e+00 : f32
    %logistic3A_65 = vector.broadcast %logistic3A_64 : f32 to vector<128x128xf32>
    %logistic3A_66 = arith.addf %logistic3A_65, %logistic3A_63 : vector<128x128xf32>
    %logistic3A_67 = arith.divf %logistic3A_65, %logistic3A_66 : vector<128x128xf32>
    %mul3A = arith.mulf %logistic3A_60, %slice3A_54 : vector<128x128xf32>
    %add3A_68 = arith.addf %slice3A_51, %mul3A : vector<128x128xf32>
    %tanh3A = math.tanh %add3A_68 : vector<128x128xf32>
    %sub3A = arith.constant 1.000000e+00 : f32
    %sub3A_69 = vector.broadcast %sub3A : f32 to vector<128x128xf32>
    %sub3A_70 = arith.subf %sub3A_69, %logistic3A_67 : vector<128x128xf32>
    %mul3A_71 = arith.mulf %sub3A_70, %tanh3A : vector<128x128xf32>
    %mul3A_72 = arith.mulf %logistic3A_67, %get3A_29 : vector<128x128xf32>
    %add3A_73 = arith.addf %mul3A_71, %mul3A_72 : vector<128x128xf32>
    %get3A_74 = arith.constant 0 : index
    %get3A_75 = arith.constant 0 : index
    %get3A_76 = vector.load %arg9[%get3A_74, %get3A_75] : memref<128x128xf32, #tpu.memory_space<vmem>>, vector<128x128xf32>
    %get3A_77 = arith.constant 0 : index
    %get3A_78 = arith.constant 0 : index
    %get3A_79 = vector.load %arg10[%get3A_77, %get3A_78] : memref<384x128xf32, #tpu.memory_space<vmem>>, vector<384x128xf32>
    %get3A_80 = arith.constant 0 : index
    %get3A_81 = arith.constant 0 : index
    %get3A_82 = vector.load %arg11[%get3A_80, %get3A_81] : memref<384x128xf32, #tpu.memory_space<vmem>>, vector<384x128xf32>
    %get3A_83 = arith.constant 0 : index
    %get3A_84 = arith.constant 0 : index
    %get3A_85 = vector.load %arg12[%get3A_83, %get3A_84] : memref<1x384xf32, #tpu.memory_space<vmem>>, vector<1x384xf32>
    %get3A_86 = arith.constant 0 : index
    %get3A_87 = arith.constant 0 : index
    %get3A_88 = vector.load %arg13[%get3A_86, %get3A_87] : memref<1x384xf32, #tpu.memory_space<vmem>>, vector<1x384xf32>
    %dot_general3A_89 = arith.constant dense<0.000000e+00> : vector<128x384xf32>
    %dot_general3A_90 = tpu.matmul %get3A_76, %get3A_79, %dot_general3A_89 {dimension_numbers = #tpu.dot_dimension_numbers<[1], [1], [0], [0], [0, 0, 1, 0], [], []>, transpose_lhs_hint = false} : vector<128x128xf32>, vector<384x128xf32>, vector<128x384xf32> -> vector<128x384xf32>
    %add3A_91 = vector.broadcast %get3A_85 : vector<1x384xf32> to vector<128x384xf32>
    %add3A_92 = arith.addf %dot_general3A_90, %add3A_91 : vector<128x384xf32>
    %dot_general3A_93 = arith.constant dense<0.000000e+00> : vector<128x384xf32>
    %dot_general3A_94 = tpu.matmul %get3A_76, %get3A_82, %dot_general3A_93 {dimension_numbers = #tpu.dot_dimension_numbers<[1], [1], [0], [0], [0, 0, 1, 0], [], []>, transpose_lhs_hint = false} : vector<128x128xf32>, vector<384x128xf32>, vector<128x384xf32> -> vector<128x384xf32>
    %add3A_95 = vector.broadcast %get3A_88 : vector<1x384xf32> to vector<128x384xf32>
    %add3A_96 = arith.addf %dot_general3A_94, %add3A_95 : vector<128x384xf32>
    %slice3A_97 = vector.extract_strided_slice %add3A_92 {offsets = [0, 0], sizes = [128, 128], strides = [1, 1]} : vector<128x384xf32> to vector<128x128xf32>
    %slice3A_98 = vector.extract_strided_slice %add3A_92 {offsets = [0, 128], sizes = [128, 128], strides = [1, 1]} : vector<128x384xf32> to vector<128x128xf32>
    %slice3A_99 = vector.extract_strided_slice %add3A_92 {offsets = [0, 256], sizes = [128, 128], strides = [1, 1]} : vector<128x384xf32> to vector<128x128xf32>
    %slice3A_100 = vector.extract_strided_slice %add3A_96 {offsets = [0, 0], sizes = [128, 128], strides = [1, 1]} : vector<128x384xf32> to vector<128x128xf32>
    %slice3A_101 = vector.extract_strided_slice %add3A_96 {offsets = [0, 128], sizes = [128, 128], strides = [1, 1]} : vector<128x384xf32> to vector<128x128xf32>
    %slice3A_102 = vector.extract_strided_slice %add3A_96 {offsets = [0, 256], sizes = [128, 128], strides = [1, 1]} : vector<128x384xf32> to vector<128x128xf32>
    %add3A_103 = arith.addf %slice3A_97, %slice3A_100 : vector<128x128xf32>
    %logistic3A_104 = arith.negf %add3A_103 : vector<128x128xf32>
    %logistic3A_105 = math.exp %logistic3A_104 : vector<128x128xf32>
    %logistic3A_106 = arith.constant 1.000000e+00 : f32
    %logistic3A_107 = vector.broadcast %logistic3A_106 : f32 to vector<128x128xf32>
    %logistic3A_108 = arith.addf %logistic3A_107, %logistic3A_105 : vector<128x128xf32>
    %logistic3A_109 = arith.divf %logistic3A_107, %logistic3A_108 : vector<128x128xf32>
    %add3A_110 = arith.addf %slice3A_98, %slice3A_101 : vector<128x128xf32>
    %logistic3A_111 = arith.negf %add3A_110 : vector<128x128xf32>
    %logistic3A_112 = math.exp %logistic3A_111 : vector<128x128xf32>
    %logistic3A_113 = arith.constant 1.000000e+00 : f32
    %logistic3A_114 = vector.broadcast %logistic3A_113 : f32 to vector<128x128xf32>
    %logistic3A_115 = arith.addf %logistic3A_114, %logistic3A_112 : vector<128x128xf32>
    %logistic3A_116 = arith.divf %logistic3A_114, %logistic3A_115 : vector<128x128xf32>
    %mul3A_117 = arith.mulf %logistic3A_109, %slice3A_102 : vector<128x128xf32>
    %add3A_118 = arith.addf %slice3A_99, %mul3A_117 : vector<128x128xf32>
    %tanh3A_119 = math.tanh %add3A_118 : vector<128x128xf32>
    %sub3A_120 = arith.constant 1.000000e+00 : f32
    %sub3A_121 = vector.broadcast %sub3A_120 : f32 to vector<128x128xf32>
    %sub3A_122 = arith.subf %sub3A_121, %logistic3A_116 : vector<128x128xf32>
    %mul3A_123 = arith.mulf %sub3A_122, %tanh3A_119 : vector<128x128xf32>
    %mul3A_124 = arith.mulf %logistic3A_116, %get3A_76 : vector<128x128xf32>
    %add3A_125 = arith.addf %mul3A_123, %mul3A_124 : vector<128x128xf32>
    %swap3A_126 = arith.constant 0 : index
    %swap3A_127 = arith.constant 0 : index
    %swap3A_128 = vector.load %arg16[%swap3A_126, %swap3A_127] : memref<128x128xf32, #tpu.memory_space<vmem>>, vector<128x128xf32>
    tpu.vector_store %arg16[%swap3A_126, %swap3A_127], %add3A_125 {strides = array<i32>} : memref<128x128xf32, #tpu.memory_space<vmem>>, vector<128x128xf32>,
    %dot_general3A_129 = arith.constant dense<0.000000e+00> : vector<10000x128xf32>
    %dot_general3A_130 = tpu.matmul %add3A_26, %add3A_73, %dot_general3A_129 {dimension_numbers = #tpu.dot_dimension_numbers<[1], [0], [0], [1], [0, 0, 1, 1], [], []>, transpose_lhs_hint = false} : vector<10000x128xf32>, vector<128x128xf32>, vector<10000x128xf32> -> vector<10000x128xf32>
    %mul3A_131 = vector.broadcast %select_n3A_12 : vector<10000x1xf32> to vector<10000x128xf32>
    %mul3A_132 = arith.mulf %mul3A_131, %dot_general3A_130 : vector<10000x128xf32>
    %swap3A_133 = arith.constant 0 : index
    %swap3A_134 = arith.constant 0 : index
    %swap3A_135 = vector.load %arg14[%swap3A_133, %swap3A_134] : memref<10000x128xf32, #tpu.memory_space<vmem>>, vector<10000x128xf32>
    tpu.vector_store %arg14[%swap3A_133, %swap3A_134], %mul3A_132 {strides = array<i32>} : memref<10000x128xf32, #tpu.memory_space<vmem>>, vector<10000x128xf32>,
    return
  }
}

module attributes {stable_mosaic.version = 14 : i64} {
  func.func @_tc_out_body(%arg0: memref<2x10240x128xf32, #tpu.memory_space<vmem>>, %arg1: memref<10000x1xf32, #tpu.memory_space<vmem>>, %arg2: memref<10000x128xf32, #tpu.memory_space<vmem>>) attributes {dimension_semantics = [], scalar_prefetch = 0 : i64, scratch_operands = 0 : i64, tpu.core_type = #tpu.core_type<tc>} {
    %get3A = arith.constant 0 : index
    %get3A_0 = arith.constant 0 : index
    %get3A_1 = vector.load %arg1[%get3A, %get3A_0] : memref<10000x1xf32, #tpu.memory_space<vmem>>, vector<10000x1xf32>
    %get3A_2 = arith.constant 0 : index
    %get3A_3 = arith.constant 0 : index
    %get3A_4 = arith.constant 0 : index
    %get3A_5 = vector.load %arg0[%get3A_2, %get3A_3, %get3A_4] : memref<2x10240x128xf32, #tpu.memory_space<vmem>>, vector<1x10000x128xf32>
    %get3A_6 = vector.shape_cast %get3A_5 : vector<1x10000x128xf32> to vector<10000x128xf32>
    %get3A_7 = arith.constant 1 : index
    %get3A_8 = arith.constant 0 : index
    %get3A_9 = arith.constant 0 : index
    %get3A_10 = vector.load %arg0[%get3A_7, %get3A_8, %get3A_9] : memref<2x10240x128xf32, #tpu.memory_space<vmem>>, vector<1x10000x128xf32>
    %get3A_11 = vector.shape_cast %get3A_10 : vector<1x10000x128xf32> to vector<10000x128xf32>
    %add3A = arith.addf %get3A_6, %get3A_11 : vector<10000x128xf32>
    %mul3A = vector.broadcast %get3A_1 : vector<10000x1xf32> to vector<10000x128xf32>
    %mul3A_12 = arith.mulf %mul3A, %add3A : vector<10000x128xf32>
    %swap3A = arith.constant 0 : index
    %swap3A_13 = arith.constant 0 : index
    %swap3A_14 = vector.load %arg2[%swap3A, %swap3A_13] : memref<10000x128xf32, #tpu.memory_space<vmem>>, vector<10000x128xf32>
    tpu.vector_store %arg2[%swap3A, %swap3A_13], %mul3A_12 {strides = array<i32>} : memref<10000x128xf32, #tpu.memory_space<vmem>>, vector<10000x128xf32>,
    return
  }
}

module attributes {stable_mosaic.version = 14 : i64} {
  func.func @_tc_mid_body(%arg0: memref<2x10240x128xf32, #tpu.memory_space<vmem>>, %arg1: memref<10000x1xf32, #tpu.memory_space<vmem>>, %arg2: memref<128x128xf32, #tpu.memory_space<vmem>>, %arg3: memref<10000x128xf32, #tpu.memory_space<vmem>>) attributes {dimension_semantics = [], scalar_prefetch = 0 : i64, scratch_operands = 0 : i64, tpu.core_type = #tpu.core_type<tc>} {
    %get3A = arith.constant 0 : index
    %get3A_0 = arith.constant 0 : index
    %get3A_1 = vector.load %arg1[%get3A, %get3A_0] : memref<10000x1xf32, #tpu.memory_space<vmem>>, vector<10000x1xf32>
    %get3A_2 = arith.constant 0 : index
    %get3A_3 = arith.constant 0 : index
    %get3A_4 = arith.constant 0 : index
    %get3A_5 = vector.load %arg0[%get3A_2, %get3A_3, %get3A_4] : memref<2x10240x128xf32, #tpu.memory_space<vmem>>, vector<1x10000x128xf32>
    %get3A_6 = vector.shape_cast %get3A_5 : vector<1x10000x128xf32> to vector<10000x128xf32>
    %get3A_7 = arith.constant 1 : index
    %get3A_8 = arith.constant 0 : index
    %get3A_9 = arith.constant 0 : index
    %get3A_10 = vector.load %arg0[%get3A_7, %get3A_8, %get3A_9] : memref<2x10240x128xf32, #tpu.memory_space<vmem>>, vector<1x10000x128xf32>
    %get3A_11 = vector.shape_cast %get3A_10 : vector<1x10000x128xf32> to vector<10000x128xf32>
    %add3A = arith.addf %get3A_6, %get3A_11 : vector<10000x128xf32>
    %mul3A = vector.broadcast %get3A_1 : vector<10000x1xf32> to vector<10000x128xf32>
    %mul3A_12 = arith.mulf %mul3A, %add3A : vector<10000x128xf32>
    %get3A_13 = arith.constant 0 : index
    %get3A_14 = arith.constant 0 : index
    %get3A_15 = vector.load %arg2[%get3A_13, %get3A_14] : memref<128x128xf32, #tpu.memory_space<vmem>>, vector<128x128xf32>
    %dot_general3A = arith.constant dense<0.000000e+00> : vector<10000x128xf32>
    %dot_general3A_16 = tpu.matmul %mul3A_12, %get3A_15, %dot_general3A {dimension_numbers = #tpu.dot_dimension_numbers<[1], [0], [0], [1], [0, 0, 1, 1], [], []>, transpose_lhs_hint = false} : vector<10000x128xf32>, vector<128x128xf32>, vector<10000x128xf32> -> vector<10000x128xf32>
    %mul3A_17 = vector.broadcast %get3A_1 : vector<10000x1xf32> to vector<10000x128xf32>
    %mul3A_18 = arith.mulf %mul3A_17, %dot_general3A_16 : vector<10000x128xf32>
    %swap3A = arith.constant 0 : index
    %swap3A_19 = arith.constant 0 : index
    %swap3A_20 = vector.load %arg3[%swap3A, %swap3A_19] : memref<10000x128xf32, #tpu.memory_space<vmem>>, vector<10000x128xf32>
    tpu.vector_store %arg3[%swap3A, %swap3A_19], %mul3A_18 {strides = array<i32>} : memref<10000x128xf32, #tpu.memory_space<vmem>>, vector<10000x128xf32>,
    return
  }
}

</mosaic_0001>

<sc_bundles>
// kernel: kernel.11.cloned.1.call-start
scs
__scs_entry_jumppad:
0x0: {  	(pc) =	sbr.rel $0x88, $3  }
0x1: {  	(tag) =	ssettag $0x0;
	lr =	simm.s32 $0x1  }
0x2: {  	[smem:$0x3F93] =	sst lr;
	_ =	strace $0xD0000000  }
0x3: {  	_ = 	snop  }
0x4: {  	_ = 	snop  }
0x5: {  	_ = 	snop  }
0x6: {  	_ = 	snop  }
0x7: {  	_ = 	snop  }
__scs_overlays_trampoline_lowered:
0x8: {  	[smem:$0x3FA2] =	sst s0  }
0x9: {  	[smem:$0x3FA3] =	sst s1  }
0xa: {  	[smem:$0x3FA4] =	sst s2  }
0xb: {  	[smem:$0x3FA5] =	sst s3  }
0xc: {  	[smem:$0x3FA6] =	sst s4  }
0xd: {  	[smem:$0x3FA7] =	sst s5  }
0xe: {  	[smem:$0x3FA8] =	sst s6  }
0xf: {  	[smem:$0x3FA9] =	sst s7  }
0x10: {  	[smem:$0x3FAA] =	sst s8  }
0x11: {  	[smem:$0x3FAB] =	sst s9;
	s0 =	simm.s32 @!p0 $0x0  }
0x12: {  	s1 =	sld [smem:$0x3F91];
	s0 =	simm.s32 @p0 $0x1  }
0x13: {  	[smem:$0x3FAC] =	sst s0;
	s0 =	simm.s32 @!p1 $0x0  }
0x14: {  	s2 =	sld [smem:$0x3F90];
	s0 =	simm.s32 @p1 $0x1  }
0x15: {  	[smem:$0x3FAD] =	sst s0;
	s0 =	simm.s32 @!p2 $0x0  }
0x16: {  	s3 =	sld [smem:$0x3FDB];
	s0 =	simm.s32 @p2 $0x1  }
0x17: {  	s4 =	simm.s32 $0x1BF5;
	[smem:$0x3FAF] =	sst s0  }
0x18: {  	s0 =	sld [smem:$0x3F92];
	_ =	swait.ge [sflag:s4], $0x0  }
0x19: {  	s7 =	sld [smem:$0x3F93]  }
0x1a: {  	s8 =	sadd.s32 $0xFFFFE003, lr  }
0x1b: {  	s9 =	sadd.s32 $0xFFFFFEF7, lr;
	s5 =	simm.s32 $0xFFFFFFFF;
	p2 =	slt.u32 s8, $0xFFFFF086  }
0x1c: {  	p1 =	slt.u32 s9, $0xF7A;
	s5 =	simm.s32 @!p2 $0x0  }
0x1d: {  	s5 =	simm.s32 @p1 $0x1;
	p0 =	seq.s32 s7, s2  }
0x1e: {  	s7 =	smul.u32 @!p0 $0xF7A, s2;
	p2 =	seq.s32 @!p0 s5, $0x0  }
0x1f: {  	s9 =	smul.u32 $0xF7A, s1;
	s8 =	simm.s32 @!p0 $0x1BF5;
	p2 =	por !p2, p0  }
0x20: {  	[sflag:s8] =	ssyncset.s32 @!p0 $0xFFFFF086;
	s6 =	sadd.s32 @!p0 s3, s7;
	s7 =	simm.s32 @!p0 $0x108  }
0x21: {  	s3 =	sadd.s32 s3, s9;
	s6 =	sadd.s32 @!p0 $0x88, s6;
	s7 =	simm.s32 @p2 $0x1082  }
0x22: {  	[simem:s7], [sflag:s8] =	dma.local @!p0 [hbm:s6], $0xF7A  }
0x23: {  	s9 =	sor.u32 $0xD0000000, s2;
	s6 =	simm.s32 $0x108;
	_ =	swait.ge @!p0 [sflag:s8], $0x0  }
0x24: {  	s3 =	sadd.s32 $0x88, s3;
	s6 =	simm.s32 @!p1 $0x1082;
	[sflag:s4] =	ssyncset.s32 $0xFFFFF086  }
0x25: {  	[simem:s6], [sflag:s4] =	dma.local [hbm:s3], $0xF7A  }
0x26: {  	[smem:$0x3F93] =	sst s1;
	(tag) =	ssettag s2;
	_ =	strace s9  }
0x27: {  	s1 =	sld [smem:$0x3FA3]  }
0x28: {  	s2 =	sld [smem:$0x3FA4]  }
0x29: {  	s4 =	sld [smem:$0x3FA6]  }
0x2a: {  	p0 =	seq.s32 s5, $0x0;
	s5 =	sld [smem:$0x3FA7]  }
0x2b: {  	s6 =	sld [smem:$0x3FA8]  }
0x2c: {  	s7 =	sld [smem:$0x3FA9]  }
0x2d: {  	s3 =	simm.s32 $0x108;
	s8 =	sld [smem:$0x3FAA]  }
0x2e: {  	s3 =	simm.s32 @!p0 $0x1082;
	s9 =	sld [smem:$0x3FAB]  }
0x2f: {  	lr =	sadd.s32 s0, s3;
	s0 =	sld [smem:$0x3FA2]  }
0x30: {  	s3 =	sld [smem:$0x3FA5]  }
0x31: {  	[smem:$0x3FAE] =	sst s10  }
0x32: {  	s10 =	sld [smem:$0x3FAC];
	_ =	sdelay $0x3  }
0x33: {  	p0 =	seq.s32 s10, $0x1;
	s10 =	sld [smem:$0x3FAE];
	_ =	sdelay $0x3  }
0x34: {  	[smem:$0x3FAE] =	sst s10  }
0x35: {  	s10 =	sld [smem:$0x3FAD];
	_ =	sdelay $0x3  }
0x36: {  	p1 =	seq.s32 s10, $0x1;
	s10 =	sld [smem:$0x3FAE];
	_ =	sdelay $0x3  }
0x37: {  	[smem:$0x3FAE] =	sst s10  }
0x38: {  	s10 =	sld [smem:$0x3FAF]  }
0x39: {  	_ = 	snop;
	(pc) =	sbr.ind lr, $3  }
0x3a: {  	_ = 	snop  }
0x3b: {  	_ = 	snop  }
0x3c: {  	p2 =	seq.s32 s10, $0x1;
	s10 =	sld [smem:$0x3FAE]  }
0x3d: {  	_ =	shalt  }
0x3e: {  	_ =	shalt  }
0x3f: {  	_ =	shalt  }
0x40: {  	_ =	shalt  }
0x41: {  	_ =	shalt  }
0x42: {  	_ =	shalt  }
0x43: {  	_ =	shalt  }
0x44: {  	_ =	shalt  }
0x45: {  	_ =	shalt  }
0x46: {  	_ =	shalt  }
0x47: {  	_ =	shalt  }
0x48: {  	_ =	shalt  }
0x49: {  	_ =	shalt  }
0x4a: {  	_ =	shalt  }
0x4b: {  	_ =	shalt  }
0x4c: {  	_ =	shalt  }
0x4d: {  	_ =	shalt  }
0x4e: {  	_ =	shalt  }
0x4f: {  	_ =	shalt  }
0x50: {  	_ =	shalt  }
0x51: {  	_ =	shalt  }
0x52: {  	_ =	shalt  }
0x53: {  	_ =	shalt  }
0x54: {  	_ =	shalt  }
0x55: {  	_ =	shalt  }
0x56: {  	_ =	shalt  }
0x57: {  	_ =	shalt  }
0x58: {  	_ =	shalt  }
0x59: {  	_ =	shalt  }
0x5a: {  	_ =	shalt  }
0x5b: {  	_ =	shalt  }
0x5c: {  	_ =	shalt  }
0x5d: {  	_ =	shalt  }
0x5e: {  	_ =	shalt  }
0x5f: {  	_ =	shalt  }
0x60: {  	_ =	shalt  }
0x61: {  	_ =	shalt  }
0x62: {  	_ =	shalt  }
0x63: {  	_ =	shalt  }
0x64: {  	_ =	shalt  }
0x65: {  	_ =	shalt  }
0x66: {  	_ =	shalt  }
0x67: {  	_ =	shalt  }
0x68: {  	_ =	shalt  }
0x69: {  	_ =	shalt  }
0x6a: {  	_ =	shalt  }
0x6b: {  	_ =	shalt  }
0x6c: {  	_ =	shalt  }
0x6d: {  	_ =	shalt  }
0x6e: {  	_ =	shalt  }
0x6f: {  	_ =	shalt  }
0x70: {  	_ =	shalt  }
0x71: {  	_ =	shalt  }
0x72: {  	_ =	shalt  }
0x73: {  	_ =	shalt  }
0x74: {  	_ =	shalt  }
0x75: {  	_ =	shalt  }
0x76: {  	_ =	shalt  }
0x77: {  	_ =	shalt  }
0x78: {  	_ =	shalt  }
0x79: {  	_ =	shalt  }
0x7a: {  	_ =	shalt  }
0x7b: {  	_ =	shalt  }
0x7c: {  	_ =	shalt  }
0x7d: {  	_ =	shalt  }
0x7e: {  	_ =	shalt  }
0x7f: {  	_ =	shalt  }
0x80: {  	_ =	shalt  }
0x81: {  	_ =	shalt  }
0x82: {  	_ =	shalt  }
0x83: {  	_ =	shalt  }
0x84: {  	_ =	shalt  }
0x85: {  	_ =	shalt  }
0x86: {  	_ =	shalt  }
0x87: {  	_ =	shalt  }
.Lfunc_end0:
.L_simem_size_0:
called_computation.1_lowered:
.L_overlay_start_0:
0x88: {  	s2 =	sld [smem:$0x3FD9]  }
0x89: {  	s3 =	sld [smem:$0x3FFE];
	_ =	sdelay $0x1  }
0x8a: {  	s1 =	srdreg.scid  }
0x8b: {  	s0 =	sand.u32 $0x1, s1  }
0x8c: {  	s17 =	sshll.u32 s0, $0xA;
	s2 =	sadd.s32 s3, s2  }
0x8d: {  	s2 =	sadd.s32 s2, s17  }
0x8e: {  	[smem:$0x3FBA] =	sst s2  }
0x8f: {  	_ = 	snop  }
0x90: {  	s2 =	sld [smem:$0x3FD0];
	(tm) =	ssettm $0x1  }
0x91: {  	s18 =	sld [smem:$0x3FFB];
	_ =	sdelay $0x3  }
0x92: {  	_ =	strace s18  }
0x93: {  	s3 =	sld [smem:$0x3FFC];
	_ =	sdelay $0x3  }
0x94: {  	_ =	strace s3  }
0x95: {  	s3 =	sld [smem:$0x3FFD];
	_ =	sdelay $0x3  }
0x96: {  	_ =	strace s3  }
0x97: {  	_ =	strace $0x8FFFFFFF  }
0x98: {  	s19 =	sld [smem:$0x3FDB];
	_ =	sdelay $0x1  }
0x99: {  	s4 =	simm.s32 $_scs_section_size  }
0x9a: {  	s5 =	simm.s32 $_size__tile_overlayer_lowered;
	s6 =	simm.s32 $_tile_overlayer_lowered  }
0x9b: {  	s22 =	simm.s32 $0x1BFF;
	s21 =	sshll.u32 s6, $0x1;
	s3 =	sadd.s32 s4, s19  }
0x9c: {  	s7 =	simm.s32 $0x0;
	s20 =	sshll.u32 s5, $0x1;
	s5 =	sadd.s32 s21, s3  }
0x9d: {  	[timem:s7], [sflag:s22] =	dma.local [hbm:s5], s20  }
0x9e: {  	_ =	swait.ge [sflag:s22], s20  }
0x9f: {  	s4 =	ssub.s32 $0x0, s20;
	[sflag:s22] =	ssyncset.done $0x0  }
0xa0: {  	[sflag:s22] =	ssyncadd.s32 s4;
	_ =	sdelay $0x1  }
0xa1: {  	s23 =	simm.s32 $0x1B8B  }
0xa2: {  	_ =	swait.ge [sflag:s23], $0x1  }
0xa3: {  	[sflag:s23] =	ssyncset.done $0x0  }
0xa4: {  	s25 =	simm.s32 $0x1B8E;
	s24 =	sld [smem:$0x3FFE];
	[sflag:s23] =	ssyncadd.s32 $0xFFFFFFFF  }
0xa5: {  	s26 =	simm.s32 $execute0_lowered;
	[smem:$0x3FD2] =	sst s25  }
0xa6: {  	s5 =	sshll.u32 s26, $0x1;
	_ =	strace $0x80000049;
	[dreg:$0x1] =	wrdreg $0xFFFFFFFF  }
0xa7: {  	s28 =	simm.s32 $_size_execute0_lowered;
	s3 =	sadd.s32 s3, s5;
	[dreg:$0x0] =	wrdreg $0x0  }
0xa8: {  	s5 =	sshll.u32 s28, $0x1;
	[dreg:$0x2] =	wrdreg s3  }
0xa9: {  	[dreg:$0x3] =	wrdreg s5  }
0xaa: {  	[dreg:$0x4] =	wrdreg $0xC0  }
0xab: {  	_ =	task [dreg:s7], $0x5FFFF  }
0xac: {  	[dreg:$0x1] =	wrdreg $0xFFFFFFFF  }
0xad: {  	[dreg:$0x0] =	wrdreg $0x60  }
0xae: {  	[dreg:$0x2] =	wrdreg s2  }
0xaf: {  	[dreg:$0x3] =	wrdreg s24  }
0xb0: {  	[dreg:$0x4] =	wrdreg $0xA8000  }
0xb1: {  	[dreg:$0x5] =	wrdreg $0x9  }
0xb2: {  	_ =	task.clear_ibuf [dreg:s7], $0x6FFFF;
	_ =	strace $0x90000049  }
0xb3: {  	s29 =	simm.s32 $0x9;
	_ =	strace $0x8000004B  }
0xb4: {  	_ =	swait.ge [sflag:s29], $0x1  }
0xb5: {  	[sflag:s29] =	ssyncadd.s32 $0xFFFFFFFF  }
0xb6: {  	_ =	strace $0x9000004B  }
0xb7: {  	_ =	sfence  }
0xb8: {  	s30 =	sld [smem:$0x0];
	_ =	sdelay $0x2  }
0xb9: {  	s31 =	sshll.u32 s1, $0xD;
	s1 =	sshrl.u32 s1, $0x2  }
0xba: {  	s3 =	sand.u32 $0x4000, s31;
	s1 =	sadd.s32 s1, s30  }
0xbb: {  	s0 =	sor.u32 s3, s0;
	s1 =	sshll.u32 s1, $0x11  }
0xbc: {  	s0 =	sor.u32 s1, s0  }
0xbd: {  	s0 =	sadd.s32 $0x8F2B, s0  }
0xbe: {  	[sflag:s0] =	ssyncadd.remote.s32 $0x1  }
0xbf: {  	_ =	sfence.sel $0xFFFF  }
0xc0: {  	[dreg:$0x0] =	wrdreg $0xFFFFFFFF;
	(pc) =	sbr.abs _section_cstart, $3  }
0xc1: {  	[dreg:$0x1] =	wrdreg $0xFFFFFFFF  }
0xc2: {  	_ =	task.clear_ibuf [dreg:s7], $0x2FFFF;
	_ =	strace $0x9FFFFFFF  }
0xc3: {  	(tm) =	ssettm $0x7FFFFFFF  }
tec
execute0_lowered:
.L_overlay_start_1:
0x0: {  	(tag) =	ssettag $0x1  }
0x1: {  	s1 =	rddreg [dreg:$0x0]  }
0x2: {  	s0 =	rddreg [dreg:$0x1]  }
0x3: {  	s3 =	rddreg [dreg:$0x2]  }
0x4: {  	s4 =	simm.s32 $0x0;
	s13 =	stileid.u32;
	s2 =	srdreg.scid  }
0x5: {  	s14 =	simm.s32 $0x9;
	s16 =	simm.s32 $0x40;
	s17 =	simm.s32 $0x2800  }
0x6: {  	s18 =	simm.s32 $0x4800;
	s19 =	simm.s32 $0x80;
	s20 =	simm.s32 $0x6800  }
0x7: {  	s21 =	simm.s32 $0xC0;
	s22 =	simm.s32 $0x8800;
	s28 =	simm.s32 $0x5  }
0x8: {  	s29 =	simm.s32 $0x6;
	s30 =	simm.s32 $0x7;
	s31 =	simm.s32 $0x8  }
0x9: {  	[smem:$0x7FF] =	sst s4;
	s5 =	smul.u32 $0x14000, s13;
	s2 =	sand.u32 $0x1, s2  }
0xa: {  	s7 =	sadd.s32 $0x3E00, s0;
	s8 =	sadd.s32 $0xDE00, s0;
	s10 =	sshll.u32 s13, $0x1  }
0xb: {  	s24 =	sshll.u32 s13, $0x6;
	_ =	strace $0x8000004A;
	s6 =	smul.u32 $0x140000, s2  }
0xc: {  	s11 =	ssub.s32 $0x2, s2;
	s2 =	sor.u32 s2, s10;
	s9 =	sshrl.u32 s5, $0x3  }
0xd: {  	s23 =	sshrl.u32 s11, $0x1;
	s2 =	smul.u32 $0x2800, s2;
	s9 =	sadd.s32 s9, s0  }
0xe: {  	s6 =	sadd.s32 s5, s6;
	s12 =	ssub.s32 s11, s23;
	s5 =	sadd.s32 s5, s3  }
0xf: {  	s23 =	simm.s32 $0x1;
	s6 =	sshrl.u32 s6, $0x3;
	s9 =	sadd.s32 $0x17E00, s9  }
0x10: {  	s2 =	sshrl.u32 s2, $0x3;
	s12 =	smax.u32 s12, $0x1;
	s13 =	sshrl.u32 s5, $0x3  }
0x11: {  	s5 =	simm.s32 $0x2780;
	s0 =	sadd.s32 s6, s0;
	[dreg:$0x4] =	wrdreg s9  }
0x12: {  	s6 =	sor.u32 $0x1C09, s24;
	s25 =	sadd.s32 s7, s2;
	s26 =	sadd.s32 s8, s2  }
0x13: {  	s2 =	sadd.s32 $0x280, s2;
	s24 =	simm.s32 $0x2;
	[dreg:$0x5] =	wrdreg s25  }
0x14: {  	[dreg:$0x6] =	wrdreg s26;
	s7 =	sadd.s32 s7, s2;
	s2 =	sadd.s32 s8, s2  }
0x15: {  	s11 =	sadd.s32 $0x3FE00, s0;
	s25 =	simm.s32 $0x3;
	s26 =	simm.s32 $0x4  }
0x16: {  	s0 =	simm.s32 $0x2700;
	s8 =	simm.s32 $0x0;
	[dreg:$0x7] =	wrdreg s7  }
0x17: {  	[dreg:$0x8] =	wrdreg s2;
	s2 =	simm.s32 $0x2740;
	s7 =	simm.s32 $0x27C0  }
.LBB2_1:
0x18: {  	s9 =	rddreg [dreg:$0x4]  }
0x19: {  	[spmem:s13], [sflag:s6] =	dma.local [hbm:s9], $0x2800  }
0x1a: {  	_ =	swait.ge [sflag:s14], $0x2800  }
0x1b: {  	[sflag:s14] =	ssyncset.done $0x0  }
0x1c: {  	[sflag:s14] =	ssyncadd.s32 $0xFFFFD800  }
0x1d: {  	[bflag:$0x0] =	sbarrier.arrive $0xFFFF  }
0x1e: {  	s10 =	rddreg [dreg:$0x5]  }
0x1f: {  	[tilespmem:s4], [sflag:$0x9] =	stream.linear.gather [hbm4b:s10+s4], $0x1400, $0x38;
	[tilespmem:$0x1E800] =	vst v63  }
0x20: {  	_ =	swait.ge [sflag:s14], $0x1400  }
0x21: {  	[sflag:s14] =	ssyncset.done $0x0  }
0x22: {  	s10 =	simm.s32 $0x1400;
	s15 =	rddreg [dreg:$0x6];
	[sflag:s14] =	ssyncadd.s32 $0xFFFFEC00  }
0x23: {  	[tilespmem:s10], [sflag:$0x9] =	stream.linear.gather [hbm4b:s15+s4], $0x1400, $0x38;
	[tilespmem:$0x1E800] =	vst v63  }
0x24: {  	_ =	swait.ge [sflag:s14], $0x1400  }
0x25: {  	[sflag:s14] =	ssyncset.done $0x0  }
0x26: {  	[sflag:s14] =	ssyncadd.s32 $0xFFFFEC00  }
0x27: {  	[tilespmem:s17], [sflag:$0x1] =	stream.indirect.gather [hbm4b:s1+s16], $0x80, s4, s16, $0xb8;
	[tilespmem:$0x1E800] =	vst v63  }
0x28: {  	_ = 	snop  }
0x29: {  	[tilespmem:s18], [sflag:$0x2] =	stream.indirect.gather [hbm4b:s1+s16], $0x80, s16, s16, $0xb8;
	[tilespmem:$0x1E800] =	vst v63  }
0x2a: {  	_ = 	snop  }
0x2b: {  	[tilespmem:s20], [sflag:$0x3] =	stream.indirect.gather [hbm4b:s1+s16], $0x80, s19, s16, $0xb8;
	[tilespmem:$0x1E800] =	vst v63  }
0x2c: {  	_ = 	snop  }
0x2d: {  	[tilespmem:s22], [sflag:$0x4] =	stream.indirect.gather [hbm4b:s1+s16], $0x80, s21, s16, $0xb8;
	[tilespmem:$0x1E800] =	vst v63  }
0x2e: {  	_ =	swait.ge [sflag:s23], $0x2000  }
0x2f: {  	[sflag:s23] =	ssyncset.done $0x0  }
0x30: {  	s15 =	simm.s32 $0x1400;
	[sflag:s23] =	ssyncadd.s32 $0xFFFFE000  }
0x31: {  	[spmem:s3] =	stream.indirect.scatter.add.f32 [tilespmem:s17], [sflag:$0x5], $0x80, s15, s16, $0xb8;
	[tilespmem:$0x1E800] =	vst v63  }
0x32: {  	_ =	swait.ge [sflag:s24], $0x2000  }
0x33: {  	[sflag:s24] =	ssyncset.done $0x0  }
0x34: {  	s10 =	simm.s32 $0x1440;
	[sflag:s24] =	ssyncadd.s32 $0xFFFFE000  }
0x35: {  	[spmem:s3] =	stream.indirect.scatter.add.f32 [tilespmem:s18], [sflag:$0x6], $0x80, s10, s16, $0xb8;
	[tilespmem:$0x1E800] =	vst v63  }
0x36: {  	_ =	swait.ge [sflag:s25], $0x2000  }
0x37: {  	[sflag:s25] =	ssyncset.done $0x0  }
0x38: {  	s15 =	simm.s32 $0x1480;
	[sflag:s25] =	ssyncadd.s32 $0xFFFFE000  }
0x39: {  	[spmem:s3] =	stream.indirect.scatter.add.f32 [tilespmem:s20], [sflag:$0x7], $0x80, s15, s16, $0xb8;
	[tilespmem:$0x1E800] =	vst v63  }
0x3a: {  	_ =	swait.ge [sflag:s26], $0x2000  }
0x3b: {  	[sflag:s26] =	ssyncset.done $0x0  }
0x3c: {  	s10 =	simm.s32 $0x14C0;
	[sflag:s26] =	ssyncadd.s32 $0xFFFFE000  }
0x3d: {  	[spmem:s3] =	stream.indirect.scatter.add.f32 [tilespmem:s22], [sflag:$0x8], $0x80, s10, s16, $0xb8;
	[tilespmem:$0x1E800] =	vst v63  }
0x3e: {  	_ =	swait.ge [sflag:s28], $0x2000  }
0x3f: {  	[sflag:s28] =	ssyncset.done $0x0  }
0x40: {  	s15 =	simm.s32 $0x100;
	[sflag:s28] =	ssyncadd.s32 $0xFFFFE000  }
0x41: {  	[tilespmem:s17], [sflag:$0x1] =	stream.indirect.gather [hbm4b:s1+s16], $0x80, s15, s16, $0xb8;
	[tilespmem:$0x1E800] =	vst v63  }
0x42: {  	_ =	swait.ge [sflag:s29], $0x2000  }
0x43: {  	[sflag:s29] =	ssyncset.done $0x0  }
0x44: {  	s10 =	simm.s32 $0x140;
	[sflag:s29] =	ssyncadd.s32 $0xFFFFE000  }
0x45: {  	[tilespmem:s18], [sflag:$0x2] =	stream.indirect.gather [hbm4b:s1+s16], $0x80, s10, s16, $0xb8;
	[tilespmem:$0x1E800] =	vst v63  }
0x46: {  	_ =	swait.ge [sflag:s30], $0x2000  }
0x47: {  	[sflag:s30] =	ssyncset.done $0x0  }
0x48: {  	s15 =	simm.s32 $0x180;
	[sflag:s30] =	ssyncadd.s32 $0xFFFFE000  }
0x49: {  	[tilespmem:s20], [sflag:$0x3] =	stream.indirect.gather [hbm4b:s1+s16], $0x80, s15, s16, $0xb8;
	[tilespmem:$0x1E800] =	vst v63  }
0x4a: {  	_ =	swait.ge [sflag:s31], $0x2000  }
0x4b: {  	[sflag:s31] =	ssyncset.done $0x0  }
0x4c: {  	s9 =	simm.s32 $0x400;
	s15 =	simm.s32 $0x1C0;
	[sflag:s31] =	ssyncadd.s32 $0xFFFFE000  }
.LBB2_2:
0x4d: {  	[tilespmem:s22], [sflag:$0x4] =	stream.indirect.gather [hbm4b:s1+s16], $0x80, s15, s16, $0xb8;
	[tilespmem:$0x1E800] =	vst v63  }
0x4e: {  	s15 =	smov.u32 s9  }
0x4f: {  	p0 =	sne.s32 s9, $0x4800;
	s9 =	sadd.s32 $0x400, s9;
	_ =	swait.ge [sflag:s23], $0x2000  }
0x50: {  	s15 =	sshra.s32 s15, $0x2;
	[sflag:s23] =	ssyncset.done $0x0  }
0x51: {  	s10 =	sadd.s32 $0x1400, s15;
	[sflag:s23] =	ssyncadd.s32 $0xFFFFE000  }
0x52: {  	[spmem:s3] =	stream.indirect.scatter.add.f32 [tilespmem:s17], [sflag:$0x5], $0x80, s10, s16, $0xb8;
	[tilespmem:$0x1E800] =	vst v63  }
0x53: {  	_ =	swait.ge [sflag:s24], $0x2000  }
0x54: {  	[sflag:s24] =	ssyncset.done $0x0  }
0x55: {  	s10 =	sadd.s32 $0x1440, s15;
	[sflag:s24] =	ssyncadd.s32 $0xFFFFE000  }
0x56: {  	[spmem:s3] =	stream.indirect.scatter.add.f32 [tilespmem:s18], [sflag:$0x6], $0x80, s10, s16, $0xb8;
	[tilespmem:$0x1E800] =	vst v63  }
0x57: {  	_ =	swait.ge [sflag:s25], $0x2000  }
0x58: {  	[sflag:s25] =	ssyncset.done $0x0  }
0x59: {  	s10 =	sadd.s32 $0x1480, s15;
	[sflag:s25] =	ssyncadd.s32 $0xFFFFE000  }
0x5a: {  	[spmem:s3] =	stream.indirect.scatter.add.f32 [tilespmem:s20], [sflag:$0x7], $0x80, s10, s16, $0xb8;
	[tilespmem:$0x1E800] =	vst v63  }
0x5b: {  	_ =	swait.ge [sflag:s26], $0x2000  }
0x5c: {  	[sflag:s26] =	ssyncset.done $0x0  }
0x5d: {  	s10 =	sadd.s32 $0x14C0, s15;
	[sflag:s26] =	ssyncadd.s32 $0xFFFFE000  }
0x5e: {  	[spmem:s3] =	stream.indirect.scatter.add.f32 [tilespmem:s22], [sflag:$0x8], $0x80, s10, s16, $0xb8;
	[tilespmem:$0x1E800] =	vst v63  }
0x5f: {  	_ =	swait.ge [sflag:s28], $0x2000  }
0x60: {  	[sflag:s28] =	ssyncset.done $0x0  }
0x61: {  	s10 =	sadd.s32 $0x100, s15;
	[sflag:s28] =	ssyncadd.s32 $0xFFFFE000  }
0x62: {  	[tilespmem:s17], [sflag:$0x1] =	stream.indirect.gather [hbm4b:s1+s16], $0x80, s10, s16, $0xb8;
	[tilespmem:$0x1E800] =	vst v63  }
0x63: {  	_ =	swait.ge [sflag:s29], $0x2000  }
0x64: {  	[sflag:s29] =	ssyncset.done $0x0  }
0x65: {  	s10 =	sadd.s32 $0x140, s15;
	[sflag:s29] =	ssyncadd.s32 $0xFFFFE000  }
0x66: {  	[tilespmem:s18], [sflag:$0x2] =	stream.indirect.gather [hbm4b:s1+s16], $0x80, s10, s16, $0xb8;
	[tilespmem:$0x1E800] =	vst v63  }
0x67: {  	_ =	swait.ge [sflag:s30], $0x2000  }
0x68: {  	[sflag:s30] =	ssyncset.done $0x0  }
.Ltmp0:
0x69: {  	s10 =	sadd.s32 $0x180, s15;
	[sflag:s30] =	ssyncadd.s32 $0xFFFFE000;
	(pc) =	sbr.rel @p0 .LBB2_2-.Ltmp0, $4  }
0x6a: {  	[tilespmem:s20], [sflag:$0x3] =	stream.indirect.gather [hbm4b:s1+s16], $0x80, s10, s16, $0xb8;
	[tilespmem:$0x1E800] =	vst v63  }
0x6b: {  	_ =	swait.ge [sflag:s31], $0x2000  }
0x6c: {  	[sflag:s31] =	ssyncset.done $0x0  }
0x6d: {  	s15 =	sadd.s32 $0x1C0, s15;
	[sflag:s31] =	ssyncadd.s32 $0xFFFFE000  }
0x6e: {  	[tilespmem:s22], [sflag:$0x4] =	stream.indirect.gather [hbm4b:s1+s16], $0x80, s15, s16, $0xb8;
	[tilespmem:$0x1E800] =	vst v63  }
0x6f: {  	_ =	swait.ge [sflag:s23], $0x2000  }
0x70: {  	[sflag:s23] =	ssyncset.done $0x0  }
0x71: {  	[sflag:s23] =	ssyncadd.s32 $0xFFFFE000  }
0x72: {  	[spmem:s3] =	stream.indirect.scatter.add.f32 [tilespmem:s17], [sflag:$0x5], $0x80, s0, s16, $0xb8;
	[tilespmem:$0x1E800] =	vst v63  }
0x73: {  	_ =	swait.ge [sflag:s24], $0x2000  }
0x74: {  	[sflag:s24] =	ssyncset.done $0x0  }
0x75: {  	[sflag:s24] =	ssyncadd.s32 $0xFFFFE000  }
0x76: {  	[spmem:s3] =	stream.indirect.scatter.add.f32 [tilespmem:s18], [sflag:$0x6], $0x80, s2, s16, $0xb8;
	[tilespmem:$0x1E800] =	vst v63  }
0x77: {  	_ =	swait.ge [sflag:s25], $0x2000  }
0x78: {  	[sflag:s25] =	ssyncset.done $0x0  }
0x79: {  	[sflag:s25] =	ssyncadd.s32 $0xFFFFE000  }
0x7a: {  	[spmem:s3] =	stream.indirect.scatter.add.f32 [tilespmem:s20], [sflag:$0x7], $0x80, s5, s16, $0xb8;
	[tilespmem:$0x1E800] =	vst v63  }
0x7b: {  	_ =	swait.ge [sflag:s26], $0x2000  }
0x7c: {  	[sflag:s26] =	ssyncset.done $0x0  }
0x7d: {  	[sflag:s26] =	ssyncadd.s32 $0xFFFFE000  }
0x7e: {  	[spmem:s3] =	stream.indirect.scatter.add.f32 [tilespmem:s22], [sflag:$0x8], $0x80, s7, s16, $0xb8;
	[tilespmem:$0x1E800] =	vst v63  }
0x7f: {  	_ =	swait.ge [sflag:s28], $0x2000  }
0x80: {  	[sflag:s28] =	ssyncset.done $0x0  }
0x81: {  	[sflag:s28] =	ssyncadd.s32 $0xFFFFE000  }
0x82: {  	_ =	swait.ge [sflag:s29], $0x2000  }
0x83: {  	[sflag:s29] =	ssyncset.done $0x0  }
0x84: {  	[sflag:s29] =	ssyncadd.s32 $0xFFFFE000  }
0x85: {  	_ =	swait.ge [sflag:s30], $0x2000  }
0x86: {  	[sflag:s30] =	ssyncset.done $0x0  }
0x87: {  	[sflag:s30] =	ssyncadd.s32 $0xFFFFE000  }
0x88: {  	_ =	swait.ge [sflag:s31], $0x2000  }
0x89: {  	[sflag:s31] =	ssyncset.done $0x0  }
0x8a: {  	s9 =	simm.s32 $0x0;
	s10 =	rddreg [dreg:$0x7];
	[sflag:s31] =	ssyncadd.s32 $0xFFFFE000  }
0x8b: {  	[tilespmem:s9], [sflag:$0x9] =	stream.linear.gather [hbm4b:s10+s9], $0x1400, $0x38;
	[tilespmem:$0x1E800] =	vst v63  }
0x8c: {  	_ =	swait.ge [sflag:s14], $0x1400  }
0x8d: {  	[sflag:s14] =	ssyncset.done $0x0  }
0x8e: {  	s15 =	simm.s32 $0x1400;
	s10 =	rddreg [dreg:$0x8];
	[sflag:s14] =	ssyncadd.s32 $0xFFFFEC00  }
0x8f: {  	[tilespmem:s15], [sflag:$0x9] =	stream.linear.gather [hbm4b:s10+s9], $0x1400, $0x38;
	[tilespmem:$0x1E800] =	vst v63  }
0x90: {  	_ =	swait.ge [sflag:s14], $0x1400  }
0x91: {  	[sflag:s14] =	ssyncset.done $0x0  }
0x92: {  	[sflag:s14] =	ssyncadd.s32 $0xFFFFEC00  }
0x93: {  	[tilespmem:s17], [sflag:$0x1] =	stream.indirect.gather [hbm4b:s1+s16], $0x80, s9, s16, $0xb8;
	[tilespmem:$0x1E800] =	vst v63  }
0x94: {  	_ = 	snop  }
0x95: {  	[tilespmem:s18], [sflag:$0x2] =	stream.indirect.gather [hbm4b:s1+s16], $0x80, s16, s16, $0xb8;
	[tilespmem:$0x1E800] =	vst v63  }
0x96: {  	_ = 	snop  }
0x97: {  	[tilespmem:s20], [sflag:$0x3] =	stream.indirect.gather [hbm4b:s1+s16], $0x80, s19, s16, $0xb8;
	[tilespmem:$0x1E800] =	vst v63  }
0x98: {  	_ = 	snop  }
0x99: {  	[tilespmem:s22], [sflag:$0x4] =	stream.indirect.gather [hbm4b:s1+s16], $0x80, s21, s16, $0xb8;
	[tilespmem:$0x1E800] =	vst v63  }
0x9a: {  	_ =	swait.ge [sflag:s23], $0x2000  }
0x9b: {  	[sflag:s23] =	ssyncset.done $0x0  }
0x9c: {  	s15 =	simm.s32 $0x1400;
	[sflag:s23] =	ssyncadd.s32 $0xFFFFE000  }
0x9d: {  	[spmem:s3] =	stream.indirect.scatter.add.f32 [tilespmem:s17], [sflag:$0x5], $0x80, s15, s16, $0xb8;
	[tilespmem:$0x1E800] =	vst v63  }
0x9e: {  	_ =	swait.ge [sflag:s24], $0x2000  }
0x9f: {  	[sflag:s24] =	ssyncset.done $0x0  }
0xa0: {  	s10 =	simm.s32 $0x1440;
	[sflag:s24] =	ssyncadd.s32 $0xFFFFE000  }
0xa1: {  	[spmem:s3] =	stream.indirect.scatter.add.f32 [tilespmem:s18], [sflag:$0x6], $0x80, s10, s16, $0xb8;
	[tilespmem:$0x1E800] =	vst v63  }
0xa2: {  	_ =	swait.ge [sflag:s25], $0x2000  }
0xa3: {  	[sflag:s25] =	ssyncset.done $0x0  }
0xa4: {  	s15 =	simm.s32 $0x1480;
	[sflag:s25] =	ssyncadd.s32 $0xFFFFE000  }
0xa5: {  	[spmem:s3] =	stream.indirect.scatter.add.f32 [tilespmem:s20], [sflag:$0x7], $0x80, s15, s16, $0xb8;
	[tilespmem:$0x1E800] =	vst v63  }
0xa6: {  	_ =	swait.ge [sflag:s26], $0x2000  }
0xa7: {  	[sflag:s26] =	ssyncset.done $0x0  }
0xa8: {  	s10 =	simm.s32 $0x14C0;
	[sflag:s26] =	ssyncadd.s32 $0xFFFFE000  }
0xa9: {  	[spmem:s3] =	stream.indirect.scatter.add.f32 [tilespmem:s22], [sflag:$0x8], $0x80, s10, s16, $0xb8;
	[tilespmem:$0x1E800] =	vst v63  }
0xaa: {  	_ =	swait.ge [sflag:s28], $0x2000  }
0xab: {  	[sflag:s28] =	ssyncset.done $0x0  }
0xac: {  	s15 =	simm.s32 $0x100;
	[sflag:s28] =	ssyncadd.s32 $0xFFFFE000  }
0xad: {  	[tilespmem:s17], [sflag:$0x1] =	stream.indirect.gather [hbm4b:s1+s16], $0x80, s15, s16, $0xb8;
	[tilespmem:$0x1E800] =	vst v63  }
0xae: {  	_ =	swait.ge [sflag:s29], $0x2000  }
0xaf: {  	[sflag:s29] =	ssyncset.done $0x0  }
0xb0: {  	s10 =	simm.s32 $0x140;
	[sflag:s29] =	ssyncadd.s32 $0xFFFFE000  }
0xb1: {  	[tilespmem:s18], [sflag:$0x2] =	stream.indirect.gather [hbm4b:s1+s16], $0x80, s10, s16, $0xb8;
	[tilespmem:$0x1E800] =	vst v63  }
0xb2: {  	_ =	swait.ge [sflag:s30], $0x2000  }
0xb3: {  	[sflag:s30] =	ssyncset.done $0x0  }
0xb4: {  	s15 =	simm.s32 $0x180;
	[sflag:s30] =	ssyncadd.s32 $0xFFFFE000  }
0xb5: {  	[tilespmem:s20], [sflag:$0x3] =	stream.indirect.gather [hbm4b:s1+s16], $0x80, s15, s16, $0xb8;
	[tilespmem:$0x1E800] =	vst v63  }
0xb6: {  	_ =	swait.ge [sflag:s31], $0x2000  }
0xb7: {  	[sflag:s31] =	ssyncset.done $0x0  }
0xb8: {  	s9 =	simm.s32 $0x400;
	s15 =	simm.s32 $0x1C0;
	[sflag:s31] =	ssyncadd.s32 $0xFFFFE000  }
.LBB2_4:
0xb9: {  	[tilespmem:s22], [sflag:$0x4] =	stream.indirect.gather [hbm4b:s1+s16], $0x80, s15, s16, $0xb8;
	[tilespmem:$0x1E800] =	vst v63  }
0xba: {  	s10 =	smov.u32 s9  }
0xbb: {  	p0 =	sne.s32 s9, $0x4800;
	s9 =	sadd.s32 $0x400, s9;
	_ =	swait.ge [sflag:s23], $0x2000  }
0xbc: {  	s15 =	sshra.s32 s10, $0x2;
	[sflag:s23] =	ssyncset.done $0x0  }
0xbd: {  	s10 =	sadd.s32 $0x1400, s15;
	[sflag:s23] =	ssyncadd.s32 $0xFFFFE000  }
0xbe: {  	[spmem:s3] =	stream.indirect.scatter.add.f32 [tilespmem:s17], [sflag:$0x5], $0x80, s10, s16, $0xb8;
	[tilespmem:$0x1E800] =	vst v63  }
0xbf: {  	_ =	swait.ge [sflag:s24], $0x2000  }
0xc0: {  	[sflag:s24] =	ssyncset.done $0x0  }
0xc1: {  	s10 =	sadd.s32 $0x1440, s15;
	[sflag:s24] =	ssyncadd.s32 $0xFFFFE000  }
0xc2: {  	[spmem:s3] =	stream.indirect.scatter.add.f32 [tilespmem:s18], [sflag:$0x6], $0x80, s10, s16, $0xb8;
	[tilespmem:$0x1E800] =	vst v63  }
0xc3: {  	_ =	swait.ge [sflag:s25], $0x2000  }
0xc4: {  	[sflag:s25] =	ssyncset.done $0x0  }
0xc5: {  	s10 =	sadd.s32 $0x1480, s15;
	[sflag:s25] =	ssyncadd.s32 $0xFFFFE000  }
0xc6: {  	[spmem:s3] =	stream.indirect.scatter.add.f32 [tilespmem:s20], [sflag:$0x7], $0x80, s10, s16, $0xb8;
	[tilespmem:$0x1E800] =	vst v63  }
0xc7: {  	_ =	swait.ge [sflag:s26], $0x2000  }
0xc8: {  	[sflag:s26] =	ssyncset.done $0x0  }
0xc9: {  	s10 =	sadd.s32 $0x14C0, s15;
	[sflag:s26] =	ssyncadd.s32 $0xFFFFE000  }
0xca: {  	[spmem:s3] =	stream.indirect.scatter.add.f32 [tilespmem:s22], [sflag:$0x8], $0x80, s10, s16, $0xb8;
	[tilespmem:$0x1E800] =	vst v63  }
0xcb: {  	_ =	swait.ge [sflag:s28], $0x2000  }
0xcc: {  	[sflag:s28] =	ssyncset.done $0x0  }
0xcd: {  	s10 =	sadd.s32 $0x100, s15;
	[sflag:s28] =	ssyncadd.s32 $0xFFFFE000  }
0xce: {  	[tilespmem:s17], [sflag:$0x1] =	stream.indirect.gather [hbm4b:s1+s16], $0x80, s10, s16, $0xb8;
	[tilespmem:$0x1E800] =	vst v63  }
0xcf: {  	_ =	swait.ge [sflag:s29], $0x2000  }
0xd0: {  	[sflag:s29] =	ssyncset.done $0x0  }
0xd1: {  	s10 =	sadd.s32 $0x140, s15;
	[sflag:s29] =	ssyncadd.s32 $0xFFFFE000  }
0xd2: {  	[tilespmem:s18], [sflag:$0x2] =	stream.indirect.gather [hbm4b:s1+s16], $0x80, s10, s16, $0xb8;
	[tilespmem:$0x1E800] =	vst v63  }
0xd3: {  	_ =	swait.ge [sflag:s30], $0x2000  }
0xd4: {  	[sflag:s30] =	ssyncset.done $0x0  }
.Ltmp1:
0xd5: {  	s10 =	sadd.s32 $0x180, s15;
	[sflag:s30] =	ssyncadd.s32 $0xFFFFE000;
	(pc) =	sbr.rel @p0 .LBB2_4-.Ltmp1, $4  }
0xd6: {  	[tilespmem:s20], [sflag:$0x3] =	stream.indirect.gather [hbm4b:s1+s16], $0x80, s10, s16, $0xb8;
	[tilespmem:$0x1E800] =	vst v63  }
0xd7: {  	_ =	swait.ge [sflag:s31], $0x2000  }
0xd8: {  	[sflag:s31] =	ssyncset.done $0x0  }
0xd9: {  	s15 =	sadd.s32 $0x1C0, s15;
	[sflag:s31] =	ssyncadd.s32 $0xFFFFE000  }
0xda: {  	[tilespmem:s22], [sflag:$0x4] =	stream.indirect.gather [hbm4b:s1+s16], $0x80, s15, s16, $0xb8;
	[tilespmem:$0x1E800] =	vst v63  }
0xdb: {  	_ =	swait.ge [sflag:s23], $0x2000  }
0xdc: {  	[sflag:s23] =	ssyncset.done $0x0  }
0xdd: {  	[sflag:s23] =	ssyncadd.s32 $0xFFFFE000  }
0xde: {  	[spmem:s3] =	stream.indirect.scatter.add.f32 [tilespmem:s17], [sflag:$0x5], $0x80, s0, s16, $0xb8;
	[tilespmem:$0x1E800] =	vst v63  }
0xdf: {  	_ =	swait.ge [sflag:s24], $0x2000  }
0xe0: {  	[sflag:s24] =	ssyncset.done $0x0  }
0xe1: {  	[sflag:s24] =	ssyncadd.s32 $0xFFFFE000  }
0xe2: {  	[spmem:s3] =	stream.indirect.scatter.add.f32 [tilespmem:s18], [sflag:$0x6], $0x80, s2, s16, $0xb8;
	[tilespmem:$0x1E800] =	vst v63  }
0xe3: {  	_ =	swait.ge [sflag:s25], $0x2000  }
0xe4: {  	[sflag:s25] =	ssyncset.done $0x0  }
0xe5: {  	[sflag:s25] =	ssyncadd.s32 $0xFFFFE000  }
0xe6: {  	[spmem:s3] =	stream.indirect.scatter.add.f32 [tilespmem:s20], [sflag:$0x7], $0x80, s5, s16, $0xb8;
	[tilespmem:$0x1E800] =	vst v63  }
0xe7: {  	_ =	swait.ge [sflag:s26], $0x2000  }
0xe8: {  	[sflag:s26] =	ssyncset.done $0x0  }
0xe9: {  	[sflag:s26] =	ssyncadd.s32 $0xFFFFE000  }
0xea: {  	[spmem:s3] =	stream.indirect.scatter.add.f32 [tilespmem:s22], [sflag:$0x8], $0x80, s7, s16, $0xb8;
	[tilespmem:$0x1E800] =	vst v63  }
0xeb: {  	_ =	swait.ge [sflag:s28], $0x2000  }
0xec: {  	[sflag:s28] =	ssyncset.done $0x0  }
0xed: {  	[sflag:s28] =	ssyncadd.s32 $0xFFFFE000  }
0xee: {  	_ =	swait.ge [sflag:s29], $0x2000  }
0xef: {  	[sflag:s29] =	ssyncset.done $0x0  }
0xf0: {  	[sflag:s29] =	ssyncadd.s32 $0xFFFFE000  }
0xf1: {  	_ =	swait.ge [sflag:s30], $0x2000  }
0xf2: {  	[sflag:s30] =	ssyncset.done $0x0  }
0xf3: {  	[sflag:s30] =	ssyncadd.s32 $0xFFFFE000  }
0xf4: {  	_ =	swait.ge [sflag:s31], $0x2000  }
0xf5: {  	s8 =	sadd.s32 $0x1, s8;
	[sflag:s31] =	ssyncset.done $0x0  }
0xf6: {  	p0 =	sne.s32 s8, s12;
	[sflag:s31] =	ssyncadd.s32 $0xFFFFE000  }
.Ltmp2:
0xf7: {  	[bflag:$0x0] =	sbarrier.arrive $0xFFFF;
	(pc) =	sbr.rel @p0 .LBB2_1-.Ltmp2, $4  }
0xf8: {  	[hbm:s11], [sflag:s6] =	dma.local [spmem:s13], $0x2800  }
0xf9: {  	_ =	swait.ge [sflag:s14], $0x2800  }
0xfa: {  	[sflag:s14] =	ssyncset.done $0x0  }
0xfb: {  	[sflag:s14] =	ssyncadd.s32 $0xFFFFD800  }
0xfc: {  	_ =	sfence.sel $0x180000  }
0xfd: {  	[bflag:$0x0] =	sbarrier.arrive $0xFFFF  }
0xfe: {  	_ =	strace $0x9000004A  }
0xff: {  	s0 =	stileid.u32;
	[bflag:$0x2] =	sbarrier.arrive $0xFFFF  }
0x100: {  	p0 =	sne.s32 s0, $0x0;
	s0 =	rddreg [dreg:$0x3]  }
0x101: {  	s0 =	sadd.s32 @!p0 $0x100000, s0  }
0x102: {  	[sflag:s0] =	ssyncadd.tile.s32 @!p0 $0x1;
	_ =	shalt  }
.Lfunc_end2:
_tile_overlayer_lowered:
.L_overlay_start_2:
0x103: {  	(tag) =	ssettag $0x2  }
0x104: {  	s0 =	rddreg [dreg:$0x0];
	s2 =	stileid.u32  }
0x105: {  	s1 =	rddreg [dreg:$0x1];
	p0 =	sne.s32 s2, $0x0  }
0x106: {  	s3 =	rddreg [dreg:$0x2];
	[bflag:$0x3] =	sbarrier.arrive $0xFFFF;
	s2 =	simm.s32 @!p0 $0x1C09  }
0x107: {  	[timem:s3], [sflag:s2] =	dma.local @!p0 [hbm:s0], s1  }
0x108: {  	s0 =	simm.s32 @!p0 $0x9  }
0x109: {  	_ =	swait.ge @!p0 [sflag:s0], s1  }
0x10a: {  	s1 =	ssub.s32 @!p0 $0x0, s1;
	[sflag:s0] =	ssyncset.done @!p0 $0x0  }
0x10b: {  	[sflag:s0] =	ssyncadd.s32 @!p0 s1  }
0x10c: {  	[bflag:$0x3] =	sbarrier.arrive $0xFFFF  }
0x10d: {  	_ =	shalt  }

// kernel: kernel.14.cloned.1.call-start
scs
__scs_entry_jumppad:
0x0: {  	(pc) =	sbr.rel $0x88, $3  }
0x1: {  	(tag) =	ssettag $0x0;
	lr =	simm.s32 $0x1  }
0x2: {  	[smem:$0x3F93] =	sst lr;
	_ =	strace $0xD0000000  }
0x3: {  	_ = 	snop  }
0x4: {  	_ = 	snop  }
0x5: {  	_ = 	snop  }
0x6: {  	_ = 	snop  }
0x7: {  	_ = 	snop  }
__scs_overlays_trampoline_lowered:
0x8: {  	[smem:$0x3FA2] =	sst s0  }
0x9: {  	[smem:$0x3FA3] =	sst s1  }
0xa: {  	[smem:$0x3FA4] =	sst s2  }
0xb: {  	[smem:$0x3FA5] =	sst s3  }
0xc: {  	[smem:$0x3FA6] =	sst s4  }
0xd: {  	[smem:$0x3FA7] =	sst s5  }
0xe: {  	[smem:$0x3FA8] =	sst s6  }
0xf: {  	[smem:$0x3FA9] =	sst s7  }
0x10: {  	[smem:$0x3FAA] =	sst s8  }
0x11: {  	[smem:$0x3FAB] =	sst s9;
	s0 =	simm.s32 @!p0 $0x0  }
0x12: {  	s1 =	sld [smem:$0x3F91];
	s0 =	simm.s32 @p0 $0x1  }
0x13: {  	[smem:$0x3FAC] =	sst s0;
	s0 =	simm.s32 @!p1 $0x0  }
0x14: {  	s2 =	sld [smem:$0x3F90];
	s0 =	simm.s32 @p1 $0x1  }
0x15: {  	[smem:$0x3FAD] =	sst s0;
	s0 =	simm.s32 @!p2 $0x0  }
0x16: {  	s3 =	sld [smem:$0x3FDB];
	s0 =	simm.s32 @p2 $0x1  }
0x17: {  	s4 =	simm.s32 $0x1BF5;
	[smem:$0x3FAF] =	sst s0  }
0x18: {  	s0 =	sld [smem:$0x3F92];
	_ =	swait.ge [sflag:s4], $0x0  }
0x19: {  	s7 =	sld [smem:$0x3F93]  }
0x1a: {  	s8 =	sadd.s32 $0xFFFFE003, lr  }
0x1b: {  	s9 =	sadd.s32 $0xFFFFFEF7, lr;
	s5 =	simm.s32 $0xFFFFFFFF;
	p2 =	slt.u32 s8, $0xFFFFF086  }
0x1c: {  	p1 =	slt.u32 s9, $0xF7A;
	s5 =	simm.s32 @!p2 $0x0  }
0x1d: {  	s5 =	simm.s32 @p1 $0x1;
	p0 =	seq.s32 s7, s2  }
0x1e: {  	s7 =	smul.u32 @!p0 $0xF7A, s2;
	p2 =	seq.s32 @!p0 s5, $0x0  }
0x1f: {  	s9 =	smul.u32 $0xF7A, s1;
	s8 =	simm.s32 @!p0 $0x1BF5;
	p2 =	por !p2, p0  }
0x20: {  	[sflag:s8] =	ssyncset.s32 @!p0 $0xFFFFF086;
	s6 =	sadd.s32 @!p0 s3, s7;
	s7 =	simm.s32 @!p0 $0x108  }
0x21: {  	s3 =	sadd.s32 s3, s9;
	s6 =	sadd.s32 @!p0 $0x88, s6;
	s7 =	simm.s32 @p2 $0x1082  }
0x22: {  	[simem:s7], [sflag:s8] =	dma.local @!p0 [hbm:s6], $0xF7A  }
0x23: {  	s9 =	sor.u32 $0xD0000000, s2;
	s6 =	simm.s32 $0x108;
	_ =	swait.ge @!p0 [sflag:s8], $0x0  }
0x24: {  	s3 =	sadd.s32 $0x88, s3;
	s6 =	simm.s32 @!p1 $0x1082;
	[sflag:s4] =	ssyncset.s32 $0xFFFFF086  }
0x25: {  	[simem:s6], [sflag:s4] =	dma.local [hbm:s3], $0xF7A  }
0x26: {  	[smem:$0x3F93] =	sst s1;
	(tag) =	ssettag s2;
	_ =	strace s9  }
0x27: {  	s1 =	sld [smem:$0x3FA3]  }
0x28: {  	s2 =	sld [smem:$0x3FA4]  }
0x29: {  	s4 =	sld [smem:$0x3FA6]  }
0x2a: {  	p0 =	seq.s32 s5, $0x0;
	s5 =	sld [smem:$0x3FA7]  }
0x2b: {  	s6 =	sld [smem:$0x3FA8]  }
0x2c: {  	s7 =	sld [smem:$0x3FA9]  }
0x2d: {  	s3 =	simm.s32 $0x108;
	s8 =	sld [smem:$0x3FAA]  }
0x2e: {  	s3 =	simm.s32 @!p0 $0x1082;
	s9 =	sld [smem:$0x3FAB]  }
0x2f: {  	lr =	sadd.s32 s0, s3;
	s0 =	sld [smem:$0x3FA2]  }
0x30: {  	s3 =	sld [smem:$0x3FA5]  }
0x31: {  	[smem:$0x3FAE] =	sst s10  }
0x32: {  	s10 =	sld [smem:$0x3FAC];
	_ =	sdelay $0x3  }
0x33: {  	p0 =	seq.s32 s10, $0x1;
	s10 =	sld [smem:$0x3FAE];
	_ =	sdelay $0x3  }
0x34: {  	[smem:$0x3FAE] =	sst s10  }
0x35: {  	s10 =	sld [smem:$0x3FAD];
	_ =	sdelay $0x3  }
0x36: {  	p1 =	seq.s32 s10, $0x1;
	s10 =	sld [smem:$0x3FAE];
	_ =	sdelay $0x3  }
0x37: {  	[smem:$0x3FAE] =	sst s10  }
0x38: {  	s10 =	sld [smem:$0x3FAF]  }
0x39: {  	_ = 	snop;
	(pc) =	sbr.ind lr, $3  }
0x3a: {  	_ = 	snop  }
0x3b: {  	_ = 	snop  }
0x3c: {  	p2 =	seq.s32 s10, $0x1;
	s10 =	sld [smem:$0x3FAE]  }
0x3d: {  	_ =	shalt  }
0x3e: {  	_ =	shalt  }
0x3f: {  	_ =	shalt  }
0x40: {  	_ =	shalt  }
0x41: {  	_ =	shalt  }
0x42: {  	_ =	shalt  }
0x43: {  	_ =	shalt  }
0x44: {  	_ =	shalt  }
0x45: {  	_ =	shalt  }
0x46: {  	_ =	shalt  }
0x47: {  	_ =	shalt  }
0x48: {  	_ =	shalt  }
0x49: {  	_ =	shalt  }
0x4a: {  	_ =	shalt  }
0x4b: {  	_ =	shalt  }
0x4c: {  	_ =	shalt  }
0x4d: {  	_ =	shalt  }
0x4e: {  	_ =	shalt  }
0x4f: {  	_ =	shalt  }
0x50: {  	_ =	shalt  }
0x51: {  	_ =	shalt  }
0x52: {  	_ =	shalt  }
0x53: {  	_ =	shalt  }
0x54: {  	_ =	shalt  }
0x55: {  	_ =	shalt  }
0x56: {  	_ =	shalt  }
0x57: {  	_ =	shalt  }
0x58: {  	_ =	shalt  }
0x59: {  	_ =	shalt  }
0x5a: {  	_ =	shalt  }
0x5b: {  	_ =	shalt  }
0x5c: {  	_ =	shalt  }
0x5d: {  	_ =	shalt  }
0x5e: {  	_ =	shalt  }
0x5f: {  	_ =	shalt  }
0x60: {  	_ =	shalt  }
0x61: {  	_ =	shalt  }
0x62: {  	_ =	shalt  }
0x63: {  	_ =	shalt  }
0x64: {  	_ =	shalt  }
0x65: {  	_ =	shalt  }
0x66: {  	_ =	shalt  }
0x67: {  	_ =	shalt  }
0x68: {  	_ =	shalt  }
0x69: {  	_ =	shalt  }
0x6a: {  	_ =	shalt  }
0x6b: {  	_ =	shalt  }
0x6c: {  	_ =	shalt  }
0x6d: {  	_ =	shalt  }
0x6e: {  	_ =	shalt  }
0x6f: {  	_ =	shalt  }
0x70: {  	_ =	shalt  }
0x71: {  	_ =	shalt  }
0x72: {  	_ =	shalt  }
0x73: {  	_ =	shalt  }
0x74: {  	_ =	shalt  }
0x75: {  	_ =	shalt  }
0x76: {  	_ =	shalt  }
0x77: {  	_ =	shalt  }
0x78: {  	_ =	shalt  }
0x79: {  	_ =	shalt  }
0x7a: {  	_ =	shalt  }
0x7b: {  	_ =	shalt  }
0x7c: {  	_ =	shalt  }
0x7d: {  	_ =	shalt  }
0x7e: {  	_ =	shalt  }
0x7f: {  	_ =	shalt  }
0x80: {  	_ =	shalt  }
0x81: {  	_ =	shalt  }
0x82: {  	_ =	shalt  }
0x83: {  	_ =	shalt  }
0x84: {  	_ =	shalt  }
0x85: {  	_ =	shalt  }
0x86: {  	_ =	shalt  }
0x87: {  	_ =	shalt  }
.Lfunc_end0:
.L_simem_size_0:
called_computation.2_lowered:
.L_overlay_start_0:
0x88: {  	s2 =	sld [smem:$0x3FD9]  }
0x89: {  	s3 =	sld [smem:$0x3FFE];
	_ =	sdelay $0x1  }
0x8a: {  	s1 =	srdreg.scid  }
0x8b: {  	s0 =	sand.u32 $0x1, s1  }
0x8c: {  	s17 =	sshll.u32 s0, $0xA;
	s2 =	sadd.s32 s3, s2  }
0x8d: {  	s2 =	sadd.s32 s2, s17  }
0x8e: {  	[smem:$0x3FBA] =	sst s2  }
0x8f: {  	_ = 	snop  }
0x90: {  	s2 =	sld [smem:$0x3FD0];
	(tm) =	ssettm $0x1  }
0x91: {  	s18 =	sld [smem:$0x3FFB];
	_ =	sdelay $0x3  }
0x92: {  	_ =	strace s18  }
0x93: {  	s3 =	sld [smem:$0x3FFC];
	_ =	sdelay $0x3  }
0x94: {  	_ =	strace s3  }
0x95: {  	s3 =	sld [smem:$0x3FFD];
	_ =	sdelay $0x3  }
0x96: {  	_ =	strace s3  }
0x97: {  	_ =	strace $0x8FFFFFFF  }
0x98: {  	s19 =	sld [smem:$0x3FDB];
	_ =	sdelay $0x1  }
0x99: {  	s4 =	simm.s32 $_scs_section_size  }
0x9a: {  	s5 =	simm.s32 $_size__tile_overlayer_lowered;
	s6 =	simm.s32 $_tile_overlayer_lowered  }
0x9b: {  	s22 =	simm.s32 $0x1BFF;
	s21 =	sshll.u32 s6, $0x1;
	s3 =	sadd.s32 s4, s19  }
0x9c: {  	s7 =	simm.s32 $0x0;
	s20 =	sshll.u32 s5, $0x1;
	s5 =	sadd.s32 s21, s3  }
0x9d: {  	[timem:s7], [sflag:s22] =	dma.local [hbm:s5], s20  }
0x9e: {  	_ =	swait.ge [sflag:s22], s20  }
0x9f: {  	s4 =	ssub.s32 $0x0, s20;
	[sflag:s22] =	ssyncset.done $0x0  }
0xa0: {  	[sflag:s22] =	ssyncadd.s32 s4;
	_ =	sdelay $0x1  }
0xa1: {  	s23 =	simm.s32 $0x1B8B  }
0xa2: {  	_ =	swait.ge [sflag:s23], $0x1  }
0xa3: {  	[sflag:s23] =	ssyncset.done $0x0  }
0xa4: {  	s25 =	simm.s32 $0x1B8E;
	s24 =	sld [smem:$0x3FFE];
	[sflag:s23] =	ssyncadd.s32 $0xFFFFFFFF  }
0xa5: {  	s26 =	simm.s32 $execute0_lowered;
	[smem:$0x3FD2] =	sst s25  }
0xa6: {  	s5 =	sshll.u32 s26, $0x1;
	_ =	strace $0x8000004C;
	[dreg:$0x1] =	wrdreg $0xFFFFFFFF  }
0xa7: {  	s28 =	simm.s32 $_size_execute0_lowered;
	s3 =	sadd.s32 s3, s5;
	[dreg:$0x0] =	wrdreg $0x0  }
0xa8: {  	s5 =	sshll.u32 s28, $0x1;
	[dreg:$0x2] =	wrdreg s3  }
0xa9: {  	[dreg:$0x3] =	wrdreg s5  }
0xaa: {  	[dreg:$0x4] =	wrdreg $0xC0  }
0xab: {  	_ =	task [dreg:s7], $0x5FFFF  }
0xac: {  	[dreg:$0x1] =	wrdreg $0xFFFFFFFF  }
0xad: {  	[dreg:$0x0] =	wrdreg $0x60  }
0xae: {  	[dreg:$0x2] =	wrdreg s2  }
0xaf: {  	[dreg:$0x3] =	wrdreg s24  }
0xb0: {  	[dreg:$0x4] =	wrdreg $0xA8000  }
0xb1: {  	[dreg:$0x5] =	wrdreg $0x9  }
0xb2: {  	_ =	task.clear_ibuf [dreg:s7], $0x6FFFF;
	_ =	strace $0x9000004C  }
0xb3: {  	s29 =	simm.s32 $0x9;
	_ =	strace $0x8000004E  }
0xb4: {  	_ =	swait.ge [sflag:s29], $0x1  }
0xb5: {  	[sflag:s29] =	ssyncadd.s32 $0xFFFFFFFF  }
0xb6: {  	_ =	strace $0x9000004E  }
0xb7: {  	_ =	sfence  }
0xb8: {  	s30 =	sld [smem:$0x0];
	_ =	sdelay $0x2  }
0xb9: {  	s31 =	sshll.u32 s1, $0xD;
	s1 =	sshrl.u32 s1, $0x2  }
0xba: {  	s3 =	sand.u32 $0x4000, s31;
	s1 =	sadd.s32 s1, s30  }
0xbb: {  	s0 =	sor.u32 s3, s0;
	s1 =	sshll.u32 s1, $0x11  }
0xbc: {  	s0 =	sor.u32 s1, s0  }
0xbd: {  	s0 =	sadd.s32 $0x8F2B, s0  }
0xbe: {  	[sflag:s0] =	ssyncadd.remote.s32 $0x1  }
0xbf: {  	_ =	sfence.sel $0xFFFF  }
0xc0: {  	[dreg:$0x0] =	wrdreg $0xFFFFFFFF;
	(pc) =	sbr.abs _section_cstart, $3  }
0xc1: {  	[dreg:$0x1] =	wrdreg $0xFFFFFFFF  }
0xc2: {  	_ =	task.clear_ibuf [dreg:s7], $0x2FFFF;
	_ =	strace $0x9FFFFFFF  }
0xc3: {  	(tm) =	ssettm $0x7FFFFFFF  }
tec
execute0_lowered:
.L_overlay_start_1:
0x0: {  	(tag) =	ssettag $0x1  }
0x1: {  	s1 =	rddreg [dreg:$0x0]  }
0x2: {  	s0 =	rddreg [dreg:$0x1]  }
0x3: {  	s3 =	rddreg [dreg:$0x2]  }
0x4: {  	s4 =	simm.s32 $0x0;
	s13 =	stileid.u32;
	s2 =	srdreg.scid  }
0x5: {  	s14 =	simm.s32 $0x9;
	s16 =	simm.s32 $0x40;
	s17 =	simm.s32 $0x2800  }
0x6: {  	s18 =	simm.s32 $0x4800;
	s19 =	simm.s32 $0x80;
	s20 =	simm.s32 $0x6800  }
0x7: {  	s21 =	simm.s32 $0xC0;
	s22 =	simm.s32 $0x8800;
	s28 =	simm.s32 $0x5  }
0x8: {  	s29 =	simm.s32 $0x6;
	s30 =	simm.s32 $0x7;
	s31 =	simm.s32 $0x8  }
0x9: {  	[smem:$0x7FF] =	sst s4;
	s5 =	smul.u32 $0x14000, s13;
	s2 =	sand.u32 $0x1, s2  }
0xa: {  	s7 =	sadd.s32 $0x3E00, s0;
	s8 =	sadd.s32 $0xDE00, s0;
	s10 =	sshll.u32 s13, $0x1  }
0xb: {  	s24 =	sshll.u32 s13, $0x6;
	_ =	strace $0x8000004D;
	s6 =	smul.u32 $0x140000, s2  }
0xc: {  	s11 =	ssub.s32 $0x2, s2;
	s2 =	sor.u32 s2, s10;
	s9 =	sshrl.u32 s5, $0x3  }
0xd: {  	s23 =	sshrl.u32 s11, $0x1;
	s2 =	smul.u32 $0x2800, s2;
	s9 =	sadd.s32 s9, s0  }
0xe: {  	s6 =	sadd.s32 s5, s6;
	s12 =	ssub.s32 s11, s23;
	s5 =	sadd.s32 s5, s3  }
0xf: {  	s23 =	simm.s32 $0x1;
	s6 =	sshrl.u32 s6, $0x3;
	s9 =	sadd.s32 $0x17E00, s9  }
0x10: {  	s2 =	sshrl.u32 s2, $0x3;
	s12 =	smax.u32 s12, $0x1;
	s13 =	sshrl.u32 s5, $0x3  }
0x11: {  	s5 =	simm.s32 $0x2780;
	s0 =	sadd.s32 s6, s0;
	[dreg:$0x4] =	wrdreg s9  }
0x12: {  	s6 =	sor.u32 $0x1C09, s24;
	s25 =	sadd.s32 s7, s2;
	s26 =	sadd.s32 s8, s2  }
0x13: {  	s2 =	sadd.s32 $0x280, s2;
	s24 =	simm.s32 $0x2;
	[dreg:$0x5] =	wrdreg s25  }
0x14: {  	[dreg:$0x6] =	wrdreg s26;
	s7 =	sadd.s32 s7, s2;
	s2 =	sadd.s32 s8, s2  }
0x15: {  	s11 =	sadd.s32 $0x3FE00, s0;
	s25 =	simm.s32 $0x3;
	s26 =	simm.s32 $0x4  }
0x16: {  	s0 =	simm.s32 $0x2700;
	s8 =	simm.s32 $0x0;
	[dreg:$0x7] =	wrdreg s7  }
0x17: {  	[dreg:$0x8] =	wrdreg s2;
	s2 =	simm.s32 $0x2740;
	s7 =	simm.s32 $0x27C0  }
.LBB2_1:
0x18: {  	s9 =	rddreg [dreg:$0x4]  }
0x19: {  	[spmem:s13], [sflag:s6] =	dma.local [hbm:s9], $0x2800  }
0x1a: {  	_ =	swait.ge [sflag:s14], $0x2800  }
0x1b: {  	[sflag:s14] =	ssyncset.done $0x0  }
0x1c: {  	[sflag:s14] =	ssyncadd.s32 $0xFFFFD800  }
0x1d: {  	[bflag:$0x0] =	sbarrier.arrive $0xFFFF  }
0x1e: {  	s10 =	rddreg [dreg:$0x5]  }
0x1f: {  	[tilespmem:s4], [sflag:$0x9] =	stream.linear.gather [hbm4b:s10+s4], $0x1400, $0x38;
	[tilespmem:$0x1E800] =	vst v63  }
0x20: {  	_ =	swait.ge [sflag:s14], $0x1400  }
0x21: {  	[sflag:s14] =	ssyncset.done $0x0  }
0x22: {  	s10 =	simm.s32 $0x1400;
	s15 =	rddreg [dreg:$0x6];
	[sflag:s14] =	ssyncadd.s32 $0xFFFFEC00  }
0x23: {  	[tilespmem:s10], [sflag:$0x9] =	stream.linear.gather [hbm4b:s15+s4], $0x1400, $0x38;
	[tilespmem:$0x1E800] =	vst v63  }
0x24: {  	_ =	swait.ge [sflag:s14], $0x1400  }
0x25: {  	[sflag:s14] =	ssyncset.done $0x0  }
0x26: {  	[sflag:s14] =	ssyncadd.s32 $0xFFFFEC00  }
0x27: {  	[tilespmem:s17], [sflag:$0x1] =	stream.indirect.gather [hbm4b:s1+s16], $0x80, s4, s16, $0xb8;
	[tilespmem:$0x1E800] =	vst v63  }
0x28: {  	_ = 	snop  }
0x29: {  	[tilespmem:s18], [sflag:$0x2] =	stream.indirect.gather [hbm4b:s1+s16], $0x80, s16, s16, $0xb8;
	[tilespmem:$0x1E800] =	vst v63  }
0x2a: {  	_ = 	snop  }
0x2b: {  	[tilespmem:s20], [sflag:$0x3] =	stream.indirect.gather [hbm4b:s1+s16], $0x80, s19, s16, $0xb8;
	[tilespmem:$0x1E800] =	vst v63  }
0x2c: {  	_ = 	snop  }
0x2d: {  	[tilespmem:s22], [sflag:$0x4] =	stream.indirect.gather [hbm4b:s1+s16], $0x80, s21, s16, $0xb8;
	[tilespmem:$0x1E800] =	vst v63  }
0x2e: {  	_ =	swait.ge [sflag:s23], $0x2000  }
0x2f: {  	[sflag:s23] =	ssyncset.done $0x0  }
0x30: {  	s15 =	simm.s32 $0x1400;
	[sflag:s23] =	ssyncadd.s32 $0xFFFFE000  }
0x31: {  	[spmem:s3] =	stream.indirect.scatter.add.f32 [tilespmem:s17], [sflag:$0x5], $0x80, s15, s16, $0xb8;
	[tilespmem:$0x1E800] =	vst v63  }
0x32: {  	_ =	swait.ge [sflag:s24], $0x2000  }
0x33: {  	[sflag:s24] =	ssyncset.done $0x0  }
0x34: {  	s10 =	simm.s32 $0x1440;
	[sflag:s24] =	ssyncadd.s32 $0xFFFFE000  }
0x35: {  	[spmem:s3] =	stream.indirect.scatter.add.f32 [tilespmem:s18], [sflag:$0x6], $0x80, s10, s16, $0xb8;
	[tilespmem:$0x1E800] =	vst v63  }
0x36: {  	_ =	swait.ge [sflag:s25], $0x2000  }
0x37: {  	[sflag:s25] =	ssyncset.done $0x0  }
0x38: {  	s15 =	simm.s32 $0x1480;
	[sflag:s25] =	ssyncadd.s32 $0xFFFFE000  }
0x39: {  	[spmem:s3] =	stream.indirect.scatter.add.f32 [tilespmem:s20], [sflag:$0x7], $0x80, s15, s16, $0xb8;
	[tilespmem:$0x1E800] =	vst v63  }
0x3a: {  	_ =	swait.ge [sflag:s26], $0x2000  }
0x3b: {  	[sflag:s26] =	ssyncset.done $0x0  }
0x3c: {  	s10 =	simm.s32 $0x14C0;
	[sflag:s26] =	ssyncadd.s32 $0xFFFFE000  }
0x3d: {  	[spmem:s3] =	stream.indirect.scatter.add.f32 [tilespmem:s22], [sflag:$0x8], $0x80, s10, s16, $0xb8;
	[tilespmem:$0x1E800] =	vst v63  }
0x3e: {  	_ =	swait.ge [sflag:s28], $0x2000  }
0x3f: {  	[sflag:s28] =	ssyncset.done $0x0  }
0x40: {  	s15 =	simm.s32 $0x100;
	[sflag:s28] =	ssyncadd.s32 $0xFFFFE000  }
0x41: {  	[tilespmem:s17], [sflag:$0x1] =	stream.indirect.gather [hbm4b:s1+s16], $0x80, s15, s16, $0xb8;
	[tilespmem:$0x1E800] =	vst v63  }
0x42: {  	_ =	swait.ge [sflag:s29], $0x2000  }
0x43: {  	[sflag:s29] =	ssyncset.done $0x0  }
0x44: {  	s10 =	simm.s32 $0x140;
	[sflag:s29] =	ssyncadd.s32 $0xFFFFE000  }
0x45: {  	[tilespmem:s18], [sflag:$0x2] =	stream.indirect.gather [hbm4b:s1+s16], $0x80, s10, s16, $0xb8;
	[tilespmem:$0x1E800] =	vst v63  }
0x46: {  	_ =	swait.ge [sflag:s30], $0x2000  }
0x47: {  	[sflag:s30] =	ssyncset.done $0x0  }
0x48: {  	s15 =	simm.s32 $0x180;
	[sflag:s30] =	ssyncadd.s32 $0xFFFFE000  }
0x49: {  	[tilespmem:s20], [sflag:$0x3] =	stream.indirect.gather [hbm4b:s1+s16], $0x80, s15, s16, $0xb8;
	[tilespmem:$0x1E800] =	vst v63  }
0x4a: {  	_ =	swait.ge [sflag:s31], $0x2000  }
0x4b: {  	[sflag:s31] =	ssyncset.done $0x0  }
0x4c: {  	s9 =	simm.s32 $0x400;
	s15 =	simm.s32 $0x1C0;
	[sflag:s31] =	ssyncadd.s32 $0xFFFFE000  }
.LBB2_2:
0x4d: {  	[tilespmem:s22], [sflag:$0x4] =	stream.indirect.gather [hbm4b:s1+s16], $0x80, s15, s16, $0xb8;
	[tilespmem:$0x1E800] =	vst v63  }
0x4e: {  	s15 =	smov.u32 s9  }
0x4f: {  	p0 =	sne.s32 s9, $0x4800;
	s9 =	sadd.s32 $0x400, s9;
	_ =	swait.ge [sflag:s23], $0x2000  }
0x50: {  	s15 =	sshra.s32 s15, $0x2;
	[sflag:s23] =	ssyncset.done $0x0  }
0x51: {  	s10 =	sadd.s32 $0x1400, s15;
	[sflag:s23] =	ssyncadd.s32 $0xFFFFE000  }
0x52: {  	[spmem:s3] =	stream.indirect.scatter.add.f32 [tilespmem:s17], [sflag:$0x5], $0x80, s10, s16, $0xb8;
	[tilespmem:$0x1E800] =	vst v63  }
0x53: {  	_ =	swait.ge [sflag:s24], $0x2000  }
0x54: {  	[sflag:s24] =	ssyncset.done $0x0  }
0x55: {  	s10 =	sadd.s32 $0x1440, s15;
	[sflag:s24] =	ssyncadd.s32 $0xFFFFE000  }
0x56: {  	[spmem:s3] =	stream.indirect.scatter.add.f32 [tilespmem:s18], [sflag:$0x6], $0x80, s10, s16, $0xb8;
	[tilespmem:$0x1E800] =	vst v63  }
0x57: {  	_ =	swait.ge [sflag:s25], $0x2000  }
0x58: {  	[sflag:s25] =	ssyncset.done $0x0  }
0x59: {  	s10 =	sadd.s32 $0x1480, s15;
	[sflag:s25] =	ssyncadd.s32 $0xFFFFE000  }
0x5a: {  	[spmem:s3] =	stream.indirect.scatter.add.f32 [tilespmem:s20], [sflag:$0x7], $0x80, s10, s16, $0xb8;
	[tilespmem:$0x1E800] =	vst v63  }
0x5b: {  	_ =	swait.ge [sflag:s26], $0x2000  }
0x5c: {  	[sflag:s26] =	ssyncset.done $0x0  }
0x5d: {  	s10 =	sadd.s32 $0x14C0, s15;
	[sflag:s26] =	ssyncadd.s32 $0xFFFFE000  }
0x5e: {  	[spmem:s3] =	stream.indirect.scatter.add.f32 [tilespmem:s22], [sflag:$0x8], $0x80, s10, s16, $0xb8;
	[tilespmem:$0x1E800] =	vst v63  }
0x5f: {  	_ =	swait.ge [sflag:s28], $0x2000  }
0x60: {  	[sflag:s28] =	ssyncset.done $0x0  }
0x61: {  	s10 =	sadd.s32 $0x100, s15;
	[sflag:s28] =	ssyncadd.s32 $0xFFFFE000  }
0x62: {  	[tilespmem:s17], [sflag:$0x1] =	stream.indirect.gather [hbm4b:s1+s16], $0x80, s10, s16, $0xb8;
	[tilespmem:$0x1E800] =	vst v63  }
0x63: {  	_ =	swait.ge [sflag:s29], $0x2000  }
0x64: {  	[sflag:s29] =	ssyncset.done $0x0  }
0x65: {  	s10 =	sadd.s32 $0x140, s15;
	[sflag:s29] =	ssyncadd.s32 $0xFFFFE000  }
0x66: {  	[tilespmem:s18], [sflag:$0x2] =	stream.indirect.gather [hbm4b:s1+s16], $0x80, s10, s16, $0xb8;
	[tilespmem:$0x1E800] =	vst v63  }
0x67: {  	_ =	swait.ge [sflag:s30], $0x2000  }
0x68: {  	[sflag:s30] =	ssyncset.done $0x0  }
.Ltmp0:
0x69: {  	s10 =	sadd.s32 $0x180, s15;
	[sflag:s30] =	ssyncadd.s32 $0xFFFFE000;
	(pc) =	sbr.rel @p0 .LBB2_2-.Ltmp0, $4  }
0x6a: {  	[tilespmem:s20], [sflag:$0x3] =	stream.indirect.gather [hbm4b:s1+s16], $0x80, s10, s16, $0xb8;
	[tilespmem:$0x1E800] =	vst v63  }
0x6b: {  	_ =	swait.ge [sflag:s31], $0x2000  }
0x6c: {  	[sflag:s31] =	ssyncset.done $0x0  }
0x6d: {  	s15 =	sadd.s32 $0x1C0, s15;
	[sflag:s31] =	ssyncadd.s32 $0xFFFFE000  }
0x6e: {  	[tilespmem:s22], [sflag:$0x4] =	stream.indirect.gather [hbm4b:s1+s16], $0x80, s15, s16, $0xb8;
	[tilespmem:$0x1E800] =	vst v63  }
0x6f: {  	_ =	swait.ge [sflag:s23], $0x2000  }
0x70: {  	[sflag:s23] =	ssyncset.done $0x0  }
0x71: {  	[sflag:s23] =	ssyncadd.s32 $0xFFFFE000  }
0x72: {  	[spmem:s3] =	stream.indirect.scatter.add.f32 [tilespmem:s17], [sflag:$0x5], $0x80, s0, s16, $0xb8;
	[tilespmem:$0x1E800] =	vst v63  }
0x73: {  	_ =	swait.ge [sflag:s24], $0x2000  }
0x74: {  	[sflag:s24] =	ssyncset.done $0x0  }
0x75: {  	[sflag:s24] =	ssyncadd.s32 $0xFFFFE000  }
0x76: {  	[spmem:s3] =	stream.indirect.scatter.add.f32 [tilespmem:s18], [sflag:$0x6], $0x80, s2, s16, $0xb8;
	[tilespmem:$0x1E800] =	vst v63  }
0x77: {  	_ =	swait.ge [sflag:s25], $0x2000  }
0x78: {  	[sflag:s25] =	ssyncset.done $0x0  }
0x79: {  	[sflag:s25] =	ssyncadd.s32 $0xFFFFE000  }
0x7a: {  	[spmem:s3] =	stream.indirect.scatter.add.f32 [tilespmem:s20], [sflag:$0x7], $0x80, s5, s16, $0xb8;
	[tilespmem:$0x1E800] =	vst v63  }
0x7b: {  	_ =	swait.ge [sflag:s26], $0x2000  }
0x7c: {  	[sflag:s26] =	ssyncset.done $0x0  }
0x7d: {  	[sflag:s26] =	ssyncadd.s32 $0xFFFFE000  }
0x7e: {  	[spmem:s3] =	stream.indirect.scatter.add.f32 [tilespmem:s22], [sflag:$0x8], $0x80, s7, s16, $0xb8;
	[tilespmem:$0x1E800] =	vst v63  }
0x7f: {  	_ =	swait.ge [sflag:s28], $0x2000  }
0x80: {  	[sflag:s28] =	ssyncset.done $0x0  }
0x81: {  	[sflag:s28] =	ssyncadd.s32 $0xFFFFE000  }
0x82: {  	_ =	swait.ge [sflag:s29], $0x2000  }
0x83: {  	[sflag:s29] =	ssyncset.done $0x0  }
0x84: {  	[sflag:s29] =	ssyncadd.s32 $0xFFFFE000  }
0x85: {  	_ =	swait.ge [sflag:s30], $0x2000  }
0x86: {  	[sflag:s30] =	ssyncset.done $0x0  }
0x87: {  	[sflag:s30] =	ssyncadd.s32 $0xFFFFE000  }
0x88: {  	_ =	swait.ge [sflag:s31], $0x2000  }
0x89: {  	[sflag:s31] =	ssyncset.done $0x0  }
0x8a: {  	s9 =	simm.s32 $0x0;
	s10 =	rddreg [dreg:$0x7];
	[sflag:s31] =	ssyncadd.s32 $0xFFFFE000  }
0x8b: {  	[tilespmem:s9], [sflag:$0x9] =	stream.linear.gather [hbm4b:s10+s9], $0x1400, $0x38;
	[tilespmem:$0x1E800] =	vst v63  }
0x8c: {  	_ =	swait.ge [sflag:s14], $0x1400  }
0x8d: {  	[sflag:s14] =	ssyncset.done $0x0  }
0x8e: {  	s15 =	simm.s32 $0x1400;
	s10 =	rddreg [dreg:$0x8];
	[sflag:s14] =	ssyncadd.s32 $0xFFFFEC00  }
0x8f: {  	[tilespmem:s15], [sflag:$0x9] =	stream.linear.gather [hbm4b:s10+s9], $0x1400, $0x38;
	[tilespmem:$0x1E800] =	vst v63  }
0x90: {  	_ =	swait.ge [sflag:s14], $0x1400  }
0x91: {  	[sflag:s14] =	ssyncset.done $0x0  }
0x92: {  	[sflag:s14] =	ssyncadd.s32 $0xFFFFEC00  }
0x93: {  	[tilespmem:s17], [sflag:$0x1] =	stream.indirect.gather [hbm4b:s1+s16], $0x80, s9, s16, $0xb8;
	[tilespmem:$0x1E800] =	vst v63  }
0x94: {  	_ = 	snop  }
0x95: {  	[tilespmem:s18], [sflag:$0x2] =	stream.indirect.gather [hbm4b:s1+s16], $0x80, s16, s16, $0xb8;
	[tilespmem:$0x1E800] =	vst v63  }
0x96: {  	_ = 	snop  }
0x97: {  	[tilespmem:s20], [sflag:$0x3] =	stream.indirect.gather [hbm4b:s1+s16], $0x80, s19, s16, $0xb8;
	[tilespmem:$0x1E800] =	vst v63  }
0x98: {  	_ = 	snop  }
0x99: {  	[tilespmem:s22], [sflag:$0x4] =	stream.indirect.gather [hbm4b:s1+s16], $0x80, s21, s16, $0xb8;
	[tilespmem:$0x1E800] =	vst v63  }
0x9a: {  	_ =	swait.ge [sflag:s23], $0x2000  }
0x9b: {  	[sflag:s23] =	ssyncset.done $0x0  }
0x9c: {  	s15 =	simm.s32 $0x1400;
	[sflag:s23] =	ssyncadd.s32 $0xFFFFE000  }
0x9d: {  	[spmem:s3] =	stream.indirect.scatter.add.f32 [tilespmem:s17], [sflag:$0x5], $0x80, s15, s16, $0xb8;
	[tilespmem:$0x1E800] =	vst v63  }
0x9e: {  	_ =	swait.ge [sflag:s24], $0x2000  }
0x9f: {  	[sflag:s24] =	ssyncset.done $0x0  }
0xa0: {  	s10 =	simm.s32 $0x1440;
	[sflag:s24] =	ssyncadd.s32 $0xFFFFE000  }
0xa1: {  	[spmem:s3] =	stream.indirect.scatter.add.f32 [tilespmem:s18], [sflag:$0x6], $0x80, s10, s16, $0xb8;
	[tilespmem:$0x1E800] =	vst v63  }
0xa2: {  	_ =	swait.ge [sflag:s25], $0x2000  }
0xa3: {  	[sflag:s25] =	ssyncset.done $0x0  }
0xa4: {  	s15 =	simm.s32 $0x1480;
	[sflag:s25] =	ssyncadd.s32 $0xFFFFE000  }
0xa5: {  	[spmem:s3] =	stream.indirect.scatter.add.f32 [tilespmem:s20], [sflag:$0x7], $0x80, s15, s16, $0xb8;
	[tilespmem:$0x1E800] =	vst v63  }
0xa6: {  	_ =	swait.ge [sflag:s26], $0x2000  }
0xa7: {  	[sflag:s26] =	ssyncset.done $0x0  }
0xa8: {  	s10 =	simm.s32 $0x14C0;
	[sflag:s26] =	ssyncadd.s32 $0xFFFFE000  }
0xa9: {  	[spmem:s3] =	stream.indirect.scatter.add.f32 [tilespmem:s22], [sflag:$0x8], $0x80, s10, s16, $0xb8;
	[tilespmem:$0x1E800] =	vst v63  }
0xaa: {  	_ =	swait.ge [sflag:s28], $0x2000  }
0xab: {  	[sflag:s28] =	ssyncset.done $0x0  }
0xac: {  	s15 =	simm.s32 $0x100;
	[sflag:s28] =	ssyncadd.s32 $0xFFFFE000  }
0xad: {  	[tilespmem:s17], [sflag:$0x1] =	stream.indirect.gather [hbm4b:s1+s16], $0x80, s15, s16, $0xb8;
	[tilespmem:$0x1E800] =	vst v63  }
0xae: {  	_ =	swait.ge [sflag:s29], $0x2000  }
0xaf: {  	[sflag:s29] =	ssyncset.done $0x0  }
0xb0: {  	s10 =	simm.s32 $0x140;
	[sflag:s29] =	ssyncadd.s32 $0xFFFFE000  }
0xb1: {  	[tilespmem:s18], [sflag:$0x2] =	stream.indirect.gather [hbm4b:s1+s16], $0x80, s10, s16, $0xb8;
	[tilespmem:$0x1E800] =	vst v63  }
0xb2: {  	_ =	swait.ge [sflag:s30], $0x2000  }
0xb3: {  	[sflag:s30] =	ssyncset.done $0x0  }
0xb4: {  	s15 =	simm.s32 $0x180;
	[sflag:s30] =	ssyncadd.s32 $0xFFFFE000  }
0xb5: {  	[tilespmem:s20], [sflag:$0x3] =	stream.indirect.gather [hbm4b:s1+s16], $0x80, s15, s16, $0xb8;
	[tilespmem:$0x1E800] =	vst v63  }
0xb6: {  	_ =	swait.ge [sflag:s31], $0x2000  }
0xb7: {  	[sflag:s31] =	ssyncset.done $0x0  }
0xb8: {  	s9 =	simm.s32 $0x400;
	s15 =	simm.s32 $0x1C0;
	[sflag:s31] =	ssyncadd.s32 $0xFFFFE000  }
.LBB2_4:
0xb9: {  	[tilespmem:s22], [sflag:$0x4] =	stream.indirect.gather [hbm4b:s1+s16], $0x80, s15, s16, $0xb8;
	[tilespmem:$0x1E800] =	vst v63  }
0xba: {  	s10 =	smov.u32 s9  }
0xbb: {  	p0 =	sne.s32 s9, $0x4800;
	s9 =	sadd.s32 $0x400, s9;
	_ =	swait.ge [sflag:s23], $0x2000  }
0xbc: {  	s15 =	sshra.s32 s10, $0x2;
	[sflag:s23] =	ssyncset.done $0x0  }
0xbd: {  	s10 =	sadd.s32 $0x1400, s15;
	[sflag:s23] =	ssyncadd.s32 $0xFFFFE000  }
0xbe: {  	[spmem:s3] =	stream.indirect.scatter.add.f32 [tilespmem:s17], [sflag:$0x5], $0x80, s10, s16, $0xb8;
	[tilespmem:$0x1E800] =	vst v63  }
0xbf: {  	_ =	swait.ge [sflag:s24], $0x2000  }
0xc0: {  	[sflag:s24] =	ssyncset.done $0x0  }
0xc1: {  	s10 =	sadd.s32 $0x1440, s15;
	[sflag:s24] =	ssyncadd.s32 $0xFFFFE000  }
0xc2: {  	[spmem:s3] =	stream.indirect.scatter.add.f32 [tilespmem:s18], [sflag:$0x6], $0x80, s10, s16, $0xb8;
	[tilespmem:$0x1E800] =	vst v63  }
0xc3: {  	_ =	swait.ge [sflag:s25], $0x2000  }
0xc4: {  	[sflag:s25] =	ssyncset.done $0x0  }
0xc5: {  	s10 =	sadd.s32 $0x1480, s15;
	[sflag:s25] =	ssyncadd.s32 $0xFFFFE000  }
0xc6: {  	[spmem:s3] =	stream.indirect.scatter.add.f32 [tilespmem:s20], [sflag:$0x7], $0x80, s10, s16, $0xb8;
	[tilespmem:$0x1E800] =	vst v63  }
0xc7: {  	_ =	swait.ge [sflag:s26], $0x2000  }
0xc8: {  	[sflag:s26] =	ssyncset.done $0x0  }
0xc9: {  	s10 =	sadd.s32 $0x14C0, s15;
	[sflag:s26] =	ssyncadd.s32 $0xFFFFE000  }
0xca: {  	[spmem:s3] =	stream.indirect.scatter.add.f32 [tilespmem:s22], [sflag:$0x8], $0x80, s10, s16, $0xb8;
	[tilespmem:$0x1E800] =	vst v63  }
0xcb: {  	_ =	swait.ge [sflag:s28], $0x2000  }
0xcc: {  	[sflag:s28] =	ssyncset.done $0x0  }
0xcd: {  	s10 =	sadd.s32 $0x100, s15;
	[sflag:s28] =	ssyncadd.s32 $0xFFFFE000  }
0xce: {  	[tilespmem:s17], [sflag:$0x1] =	stream.indirect.gather [hbm4b:s1+s16], $0x80, s10, s16, $0xb8;
	[tilespmem:$0x1E800] =	vst v63  }
0xcf: {  	_ =	swait.ge [sflag:s29], $0x2000  }
0xd0: {  	[sflag:s29] =	ssyncset.done $0x0  }
0xd1: {  	s10 =	sadd.s32 $0x140, s15;
	[sflag:s29] =	ssyncadd.s32 $0xFFFFE000  }
0xd2: {  	[tilespmem:s18], [sflag:$0x2] =	stream.indirect.gather [hbm4b:s1+s16], $0x80, s10, s16, $0xb8;
	[tilespmem:$0x1E800] =	vst v63  }
0xd3: {  	_ =	swait.ge [sflag:s30], $0x2000  }
0xd4: {  	[sflag:s30] =	ssyncset.done $0x0  }
.Ltmp1:
0xd5: {  	s10 =	sadd.s32 $0x180, s15;
	[sflag:s30] =	ssyncadd.s32 $0xFFFFE000;
	(pc) =	sbr.rel @p0 .LBB2_4-.Ltmp1, $4  }
0xd6: {  	[tilespmem:s20], [sflag:$0x3] =	stream.indirect.gather [hbm4b:s1+s16], $0x80, s10, s16, $0xb8;
	[tilespmem:$0x1E800] =	vst v63  }
0xd7: {  	_ =	swait.ge [sflag:s31], $0x2000  }
0xd8: {  	[sflag:s31] =	ssyncset.done $0x0  }
0xd9: {  	s15 =	sadd.s32 $0x1C0, s15;
	[sflag:s31] =	ssyncadd.s32 $0xFFFFE000  }
0xda: {  	[tilespmem:s22], [sflag:$0x4] =	stream.indirect.gather [hbm4b:s1+s16], $0x80, s15, s16, $0xb8;
	[tilespmem:$0x1E800] =	vst v63  }
0xdb: {  	_ =	swait.ge [sflag:s23], $0x2000  }
0xdc: {  	[sflag:s23] =	ssyncset.done $0x0  }
0xdd: {  	[sflag:s23] =	ssyncadd.s32 $0xFFFFE000  }
0xde: {  	[spmem:s3] =	stream.indirect.scatter.add.f32 [tilespmem:s17], [sflag:$0x5], $0x80, s0, s16, $0xb8;
	[tilespmem:$0x1E800] =	vst v63  }
0xdf: {  	_ =	swait.ge [sflag:s24], $0x2000  }
0xe0: {  	[sflag:s24] =	ssyncset.done $0x0  }
0xe1: {  	[sflag:s24] =	ssyncadd.s32 $0xFFFFE000  }
0xe2: {  	[spmem:s3] =	stream.indirect.scatter.add.f32 [tilespmem:s18], [sflag:$0x6], $0x80, s2, s16, $0xb8;
	[tilespmem:$0x1E800] =	vst v63  }
0xe3: {  	_ =	swait.ge [sflag:s25], $0x2000  }
0xe4: {  	[sflag:s25] =	ssyncset.done $0x0  }
0xe5: {  	[sflag:s25] =	ssyncadd.s32 $0xFFFFE000  }
0xe6: {  	[spmem:s3] =	stream.indirect.scatter.add.f32 [tilespmem:s20], [sflag:$0x7], $0x80, s5, s16, $0xb8;
	[tilespmem:$0x1E800] =	vst v63  }
0xe7: {  	_ =	swait.ge [sflag:s26], $0x2000  }
0xe8: {  	[sflag:s26] =	ssyncset.done $0x0  }
0xe9: {  	[sflag:s26] =	ssyncadd.s32 $0xFFFFE000  }
0xea: {  	[spmem:s3] =	stream.indirect.scatter.add.f32 [tilespmem:s22], [sflag:$0x8], $0x80, s7, s16, $0xb8;
	[tilespmem:$0x1E800] =	vst v63  }
0xeb: {  	_ =	swait.ge [sflag:s28], $0x2000  }
0xec: {  	[sflag:s28] =	ssyncset.done $0x0  }
0xed: {  	[sflag:s28] =	ssyncadd.s32 $0xFFFFE000  }
0xee: {  	_ =	swait.ge [sflag:s29], $0x2000  }
0xef: {  	[sflag:s29] =	ssyncset.done $0x0  }
0xf0: {  	[sflag:s29] =	ssyncadd.s32 $0xFFFFE000  }
0xf1: {  	_ =	swait.ge [sflag:s30], $0x2000  }
0xf2: {  	[sflag:s30] =	ssyncset.done $0x0  }
0xf3: {  	[sflag:s30] =	ssyncadd.s32 $0xFFFFE000  }
0xf4: {  	_ =	swait.ge [sflag:s31], $0x2000  }
0xf5: {  	s8 =	sadd.s32 $0x1, s8;
	[sflag:s31] =	ssyncset.done $0x0  }
0xf6: {  	p0 =	sne.s32 s8, s12;
	[sflag:s31] =	ssyncadd.s32 $0xFFFFE000  }
.Ltmp2:
0xf7: {  	[bflag:$0x0] =	sbarrier.arrive $0xFFFF;
	(pc) =	sbr.rel @p0 .LBB2_1-.Ltmp2, $4  }
0xf8: {  	[hbm:s11], [sflag:s6] =	dma.local [spmem:s13], $0x2800  }
0xf9: {  	_ =	swait.ge [sflag:s14], $0x2800  }
0xfa: {  	[sflag:s14] =	ssyncset.done $0x0  }
0xfb: {  	[sflag:s14] =	ssyncadd.s32 $0xFFFFD800  }
0xfc: {  	_ =	sfence.sel $0x180000  }
0xfd: {  	[bflag:$0x0] =	sbarrier.arrive $0xFFFF  }
0xfe: {  	_ =	strace $0x9000004D  }
0xff: {  	s0 =	stileid.u32;
	[bflag:$0x2] =	sbarrier.arrive $0xFFFF  }
0x100: {  	p0 =	sne.s32 s0, $0x0;
	s0 =	rddreg [dreg:$0x3]  }
0x101: {  	s0 =	sadd.s32 @!p0 $0x100000, s0  }
0x102: {  	[sflag:s0] =	ssyncadd.tile.s32 @!p0 $0x1;
	_ =	shalt  }
.Lfunc_end2:
_tile_overlayer_lowered:
.L_overlay_start_2:
0x103: {  	(tag) =	ssettag $0x2  }
0x104: {  	s0 =	rddreg [dreg:$0x0];
	s2 =	stileid.u32  }
0x105: {  	s1 =	rddreg [dreg:$0x1];
	p0 =	sne.s32 s2, $0x0  }
0x106: {  	s3 =	rddreg [dreg:$0x2];
	[bflag:$0x3] =	sbarrier.arrive $0xFFFF;
	s2 =	simm.s32 @!p0 $0x1C09  }
0x107: {  	[timem:s3], [sflag:s2] =	dma.local @!p0 [hbm:s0], s1  }
0x108: {  	s0 =	simm.s32 @!p0 $0x9  }
0x109: {  	_ =	swait.ge @!p0 [sflag:s0], s1  }
0x10a: {  	s1 =	ssub.s32 @!p0 $0x0, s1;
	[sflag:s0] =	ssyncset.done @!p0 $0x0  }
0x10b: {  	[sflag:s0] =	ssyncadd.s32 @!p0 s1  }
0x10c: {  	[bflag:$0x3] =	sbarrier.arrive $0xFFFF  }
0x10d: {  	_ =	shalt  }

// kernel: kernel.8.cloned.1.call-start
scs
__scs_entry_jumppad:
0x0: {  	(pc) =	sbr.rel $0x88, $3  }
0x1: {  	(tag) =	ssettag $0x0;
	lr =	simm.s32 $0x1  }
0x2: {  	[smem:$0x3F93] =	sst lr;
	_ =	strace $0xD0000000  }
0x3: {  	_ = 	snop  }
0x4: {  	_ = 	snop  }
0x5: {  	_ = 	snop  }
0x6: {  	_ = 	snop  }
0x7: {  	_ = 	snop  }
__scs_overlays_trampoline_lowered:
0x8: {  	[smem:$0x3FA2] =	sst s0  }
0x9: {  	[smem:$0x3FA3] =	sst s1  }
0xa: {  	[smem:$0x3FA4] =	sst s2  }
0xb: {  	[smem:$0x3FA5] =	sst s3  }
0xc: {  	[smem:$0x3FA6] =	sst s4  }
0xd: {  	[smem:$0x3FA7] =	sst s5  }
0xe: {  	[smem:$0x3FA8] =	sst s6  }
0xf: {  	[smem:$0x3FA9] =	sst s7  }
0x10: {  	[smem:$0x3FAA] =	sst s8  }
0x11: {  	[smem:$0x3FAB] =	sst s9;
	s0 =	simm.s32 @!p0 $0x0  }
0x12: {  	s1 =	sld [smem:$0x3F91];
	s0 =	simm.s32 @p0 $0x1  }
0x13: {  	[smem:$0x3FAC] =	sst s0;
	s0 =	simm.s32 @!p1 $0x0  }
0x14: {  	s2 =	sld [smem:$0x3F90];
	s0 =	simm.s32 @p1 $0x1  }
0x15: {  	[smem:$0x3FAD] =	sst s0;
	s0 =	simm.s32 @!p2 $0x0  }
0x16: {  	s3 =	sld [smem:$0x3FDB];
	s0 =	simm.s32 @p2 $0x1  }
0x17: {  	s4 =	simm.s32 $0x1BF5;
	[smem:$0x3FAF] =	sst s0  }
0x18: {  	s0 =	sld [smem:$0x3F92];
	_ =	swait.ge [sflag:s4], $0x0  }
0x19: {  	s7 =	sld [smem:$0x3F93]  }
0x1a: {  	s8 =	sadd.s32 $0xFFFFE003, lr  }
0x1b: {  	s9 =	sadd.s32 $0xFFFFFEF7, lr;
	s5 =	simm.s32 $0xFFFFFFFF;
	p2 =	slt.u32 s8, $0xFFFFF086  }
0x1c: {  	p1 =	slt.u32 s9, $0xF7A;
	s5 =	simm.s32 @!p2 $0x0  }
0x1d: {  	s5 =	simm.s32 @p1 $0x1;
	p0 =	seq.s32 s7, s2  }
0x1e: {  	s7 =	smul.u32 @!p0 $0xF7A, s2;
	p2 =	seq.s32 @!p0 s5, $0x0  }
0x1f: {  	s9 =	smul.u32 $0xF7A, s1;
	s8 =	simm.s32 @!p0 $0x1BF5;
	p2 =	por !p2, p0  }
0x20: {  	[sflag:s8] =	ssyncset.s32 @!p0 $0xFFFFF086;
	s6 =	sadd.s32 @!p0 s3, s7;
	s7 =	simm.s32 @!p0 $0x108  }
0x21: {  	s3 =	sadd.s32 s3, s9;
	s6 =	sadd.s32 @!p0 $0x88, s6;
	s7 =	simm.s32 @p2 $0x1082  }
0x22: {  	[simem:s7], [sflag:s8] =	dma.local @!p0 [hbm:s6], $0xF7A  }
0x23: {  	s9 =	sor.u32 $0xD0000000, s2;
	s6 =	simm.s32 $0x108;
	_ =	swait.ge @!p0 [sflag:s8], $0x0  }
0x24: {  	s3 =	sadd.s32 $0x88, s3;
	s6 =	simm.s32 @!p1 $0x1082;
	[sflag:s4] =	ssyncset.s32 $0xFFFFF086  }
0x25: {  	[simem:s6], [sflag:s4] =	dma.local [hbm:s3], $0xF7A  }
0x26: {  	[smem:$0x3F93] =	sst s1;
	(tag) =	ssettag s2;
	_ =	strace s9  }
0x27: {  	s1 =	sld [smem:$0x3FA3]  }
0x28: {  	s2 =	sld [smem:$0x3FA4]  }
0x29: {  	s4 =	sld [smem:$0x3FA6]  }
0x2a: {  	p0 =	seq.s32 s5, $0x0;
	s5 =	sld [smem:$0x3FA7]  }
0x2b: {  	s6 =	sld [smem:$0x3FA8]  }
0x2c: {  	s7 =	sld [smem:$0x3FA9]  }
0x2d: {  	s3 =	simm.s32 $0x108;
	s8 =	sld [smem:$0x3FAA]  }
0x2e: {  	s3 =	simm.s32 @!p0 $0x1082;
	s9 =	sld [smem:$0x3FAB]  }
0x2f: {  	lr =	sadd.s32 s0, s3;
	s0 =	sld [smem:$0x3FA2]  }
0x30: {  	s3 =	sld [smem:$0x3FA5]  }
0x31: {  	[smem:$0x3FAE] =	sst s10  }
0x32: {  	s10 =	sld [smem:$0x3FAC];
	_ =	sdelay $0x3  }
0x33: {  	p0 =	seq.s32 s10, $0x1;
	s10 =	sld [smem:$0x3FAE];
	_ =	sdelay $0x3  }
0x34: {  	[smem:$0x3FAE] =	sst s10  }
0x35: {  	s10 =	sld [smem:$0x3FAD];
	_ =	sdelay $0x3  }
0x36: {  	p1 =	seq.s32 s10, $0x1;
	s10 =	sld [smem:$0x3FAE];
	_ =	sdelay $0x3  }
0x37: {  	[smem:$0x3FAE] =	sst s10  }
0x38: {  	s10 =	sld [smem:$0x3FAF]  }
0x39: {  	_ = 	snop;
	(pc) =	sbr.ind lr, $3  }
0x3a: {  	_ = 	snop  }
0x3b: {  	_ = 	snop  }
0x3c: {  	p2 =	seq.s32 s10, $0x1;
	s10 =	sld [smem:$0x3FAE]  }
0x3d: {  	_ =	shalt  }
0x3e: {  	_ =	shalt  }
0x3f: {  	_ =	shalt  }
0x40: {  	_ =	shalt  }
0x41: {  	_ =	shalt  }
0x42: {  	_ =	shalt  }
0x43: {  	_ =	shalt  }
0x44: {  	_ =	shalt  }
0x45: {  	_ =	shalt  }
0x46: {  	_ =	shalt  }
0x47: {  	_ =	shalt  }
0x48: {  	_ =	shalt  }
0x49: {  	_ =	shalt  }
0x4a: {  	_ =	shalt  }
0x4b: {  	_ =	shalt  }
0x4c: {  	_ =	shalt  }
0x4d: {  	_ =	shalt  }
0x4e: {  	_ =	shalt  }
0x4f: {  	_ =	shalt  }
0x50: {  	_ =	shalt  }
0x51: {  	_ =	shalt  }
0x52: {  	_ =	shalt  }
0x53: {  	_ =	shalt  }
0x54: {  	_ =	shalt  }
0x55: {  	_ =	shalt  }
0x56: {  	_ =	shalt  }
0x57: {  	_ =	shalt  }
0x58: {  	_ =	shalt  }
0x59: {  	_ =	shalt  }
0x5a: {  	_ =	shalt  }
0x5b: {  	_ =	shalt  }
0x5c: {  	_ =	shalt  }
0x5d: {  	_ =	shalt  }
0x5e: {  	_ =	shalt  }
0x5f: {  	_ =	shalt  }
0x60: {  	_ =	shalt  }
0x61: {  	_ =	shalt  }
0x62: {  	_ =	shalt  }
0x63: {  	_ =	shalt  }
0x64: {  	_ =	shalt  }
0x65: {  	_ =	shalt  }
0x66: {  	_ =	shalt  }
0x67: {  	_ =	shalt  }
0x68: {  	_ =	shalt  }
0x69: {  	_ =	shalt  }
0x6a: {  	_ =	shalt  }
0x6b: {  	_ =	shalt  }
0x6c: {  	_ =	shalt  }
0x6d: {  	_ =	shalt  }
0x6e: {  	_ =	shalt  }
0x6f: {  	_ =	shalt  }
0x70: {  	_ =	shalt  }
0x71: {  	_ =	shalt  }
0x72: {  	_ =	shalt  }
0x73: {  	_ =	shalt  }
0x74: {  	_ =	shalt  }
0x75: {  	_ =	shalt  }
0x76: {  	_ =	shalt  }
0x77: {  	_ =	shalt  }
0x78: {  	_ =	shalt  }
0x79: {  	_ =	shalt  }
0x7a: {  	_ =	shalt  }
0x7b: {  	_ =	shalt  }
0x7c: {  	_ =	shalt  }
0x7d: {  	_ =	shalt  }
0x7e: {  	_ =	shalt  }
0x7f: {  	_ =	shalt  }
0x80: {  	_ =	shalt  }
0x81: {  	_ =	shalt  }
0x82: {  	_ =	shalt  }
0x83: {  	_ =	shalt  }
0x84: {  	_ =	shalt  }
0x85: {  	_ =	shalt  }
0x86: {  	_ =	shalt  }
0x87: {  	_ =	shalt  }
.Lfunc_end0:
.L_simem_size_0:
called_computation_lowered:
.L_overlay_start_0:
0x88: {  	s2 =	sld [smem:$0x3FD9]  }
0x89: {  	s3 =	sld [smem:$0x3FFE];
	_ =	sdelay $0x1  }
0x8a: {  	s1 =	srdreg.scid  }
0x8b: {  	s0 =	sand.u32 $0x1, s1  }
0x8c: {  	s17 =	sshll.u32 s0, $0xA;
	s2 =	sadd.s32 s3, s2  }
0x8d: {  	s2 =	sadd.s32 s2, s17  }
0x8e: {  	[smem:$0x3FBA] =	sst s2  }
0x8f: {  	_ = 	snop  }
0x90: {  	s2 =	sld [smem:$0x3FD0];
	(tm) =	ssettm $0x1  }
0x91: {  	s18 =	sld [smem:$0x3FFB];
	_ =	sdelay $0x3  }
0x92: {  	_ =	strace s18  }
0x93: {  	s3 =	sld [smem:$0x3FFC];
	_ =	sdelay $0x3  }
0x94: {  	_ =	strace s3  }
0x95: {  	s3 =	sld [smem:$0x3FFD];
	_ =	sdelay $0x3  }
0x96: {  	_ =	strace s3  }
0x97: {  	_ =	strace $0x8FFFFFFF  }
0x98: {  	s19 =	sld [smem:$0x3FDB];
	_ =	sdelay $0x1  }
0x99: {  	s4 =	simm.s32 $_scs_section_size  }
0x9a: {  	s5 =	simm.s32 $_size__tile_overlayer_lowered;
	s6 =	simm.s32 $_tile_overlayer_lowered  }
0x9b: {  	s22 =	simm.s32 $0x1BFF;
	s21 =	sshll.u32 s6, $0x1;
	s3 =	sadd.s32 s4, s19  }
0x9c: {  	s7 =	simm.s32 $0x0;
	s20 =	sshll.u32 s5, $0x1;
	s5 =	sadd.s32 s21, s3  }
0x9d: {  	[timem:s7], [sflag:s22] =	dma.local [hbm:s5], s20  }
0x9e: {  	_ =	swait.ge [sflag:s22], s20  }
0x9f: {  	s4 =	ssub.s32 $0x0, s20;
	[sflag:s22] =	ssyncset.done $0x0  }
0xa0: {  	[sflag:s22] =	ssyncadd.s32 s4;
	_ =	sdelay $0x1  }
0xa1: {  	s23 =	simm.s32 $0x1B8B  }
0xa2: {  	_ =	swait.ge [sflag:s23], $0x1  }
0xa3: {  	[sflag:s23] =	ssyncset.done $0x0  }
0xa4: {  	s25 =	simm.s32 $0x1B8E;
	s24 =	sld [smem:$0x3FFE];
	[sflag:s23] =	ssyncadd.s32 $0xFFFFFFFF  }
0xa5: {  	s26 =	simm.s32 $execute0_lowered;
	[smem:$0x3FD2] =	sst s25  }
0xa6: {  	s5 =	sshll.u32 s26, $0x1;
	_ =	strace $0x80000046;
	[dreg:$0x1] =	wrdreg $0xFFFFFFFF  }
0xa7: {  	s28 =	simm.s32 $_size_execute0_lowered;
	s3 =	sadd.s32 s3, s5;
	[dreg:$0x0] =	wrdreg $0x0  }
0xa8: {  	s5 =	sshll.u32 s28, $0x1;
	[dreg:$0x2] =	wrdreg s3  }
0xa9: {  	[dreg:$0x3] =	wrdreg s5  }
0xaa: {  	[dreg:$0x4] =	wrdreg $0xC0  }
0xab: {  	_ =	task [dreg:s7], $0x5FFFF  }
0xac: {  	[dreg:$0x1] =	wrdreg $0xFFFFFFFF  }
0xad: {  	[dreg:$0x0] =	wrdreg $0x60  }
0xae: {  	[dreg:$0x2] =	wrdreg s2  }
0xaf: {  	[dreg:$0x3] =	wrdreg s24  }
0xb0: {  	[dreg:$0x4] =	wrdreg $0x50800  }
0xb1: {  	[dreg:$0x5] =	wrdreg $0x9  }
0xb2: {  	_ =	task.clear_ibuf [dreg:s7], $0x6FFFF;
	_ =	strace $0x90000046  }
0xb3: {  	s29 =	simm.s32 $0x9;
	_ =	strace $0x80000048  }
0xb4: {  	_ =	swait.ge [sflag:s29], $0x1  }
0xb5: {  	[sflag:s29] =	ssyncadd.s32 $0xFFFFFFFF  }
0xb6: {  	_ =	strace $0x90000048  }
0xb7: {  	_ =	sfence  }
0xb8: {  	s30 =	sld [smem:$0x0];
	_ =	sdelay $0x2  }
0xb9: {  	s31 =	sshll.u32 s1, $0xD;
	s1 =	sshrl.u32 s1, $0x2  }
0xba: {  	s3 =	sand.u32 $0x4000, s31;
	s1 =	sadd.s32 s1, s30  }
0xbb: {  	s0 =	sor.u32 s3, s0;
	s1 =	sshll.u32 s1, $0x11  }
0xbc: {  	s0 =	sor.u32 s1, s0  }
0xbd: {  	s0 =	sadd.s32 $0x8F2B, s0  }
0xbe: {  	[sflag:s0] =	ssyncadd.remote.s32 $0x1  }
0xbf: {  	_ =	sfence.sel $0xFFFF  }
0xc0: {  	[dreg:$0x0] =	wrdreg $0xFFFFFFFF;
	(pc) =	sbr.abs _section_cstart, $3  }
0xc1: {  	[dreg:$0x1] =	wrdreg $0xFFFFFFFF  }
0xc2: {  	_ =	task.clear_ibuf [dreg:s7], $0x2FFFF;
	_ =	strace $0x9FFFFFFF  }
0xc3: {  	(tm) =	ssettm $0x7FFFFFFF  }
tec
execute0_lowered:
.L_overlay_start_1:
0x0: {  	(tag) =	ssettag $0x1  }
0x1: {  	s6 =	rddreg [dreg:$0x0]  }
0x2: {  	s4 =	rddreg [dreg:$0x1]  }
0x3: {  	s2 =	rddreg [dreg:$0x2]  }
0x4: {  	s0 =	rddreg [dreg:$0x3];
	s1 =	stileid.u32  }
0x5: {  	s3 =	simm.s32 $0x0;
	s7 =	srdreg.scid;
	s12 =	simm.s32 $0x5000  }
0x6: {  	s13 =	simm.s32 $0x20;
	s14 =	simm.s32 $0x10;
	s15 =	simm.s32 $0x0  }
0x7: {  	s5 =	smul.u32 $0x280, s1;
	[smem:$0x7FF] =	sst s3;
	s7 =	sand.u32 $0x1, s7  }
0x8: {  	s8 =	smul.u32 $0x500, s1;
	s26 =	sshll.u32 s1, $0x1;
	s31 =	sshll.u32 s1, $0x6  }
0x9: {  	_ =	strace $0x80000047;
	s10 =	sshll.u32 s7, $0x7;
	s11 =	ssub.s32 $0x2, s7  }
0xa: {  	s7 =	sor.u32 s7, s26;
	s9 =	sshrl.u32 s5, $0x3;
	s8 =	sor.u32 s10, s8  }
0xb: {  	s28 =	sshrl.u32 s11, $0x1;
	s7 =	smul.u32 $0xA00, s7;
	s30 =	sadd.s32 s5, s2  }
0xc: {  	s5 =	sor.u32 $0x1C01, s31;
	s10 =	simm.s32 $0x1;
	s9 =	sadd.s32 s9, s4  }
0xd: {  	s8 =	sshrl.u32 s8, $0x3;
	s29 =	ssub.s32 s11, s28;
	s11 =	simm.s32 $0x40  }
0xe: {  	s8 =	sadd.s32 s8, s4;
	s4 =	sadd.s32 $0x2E00, s9;
	s6 =	sadd.s32 s6, s7  }
0xf: {  	v0 =	vimm.f32 $1.000000000e+00;
	s9 =	sshrl.u32 s30, $0x3;
	s7 =	sadd.s32 $0x3400, s8;
	s8 =	smax.u32 s29, $0x1  }
.LBB2_1:
0x10: {  	[spmem:s9], [sflag:s5] =	dma.local [hbm:s4], $0x50  }
0x11: {  	_ =	swait.ge [sflag:s10], $0x50  }
0x12: {  	[sflag:s10] =	ssyncset.done $0x0  }
0x13: {  	[sflag:s10] =	ssyncadd.s32 $0xFFFFFFB0  }
0x14: {  	[tilespmem:s3], [sflag:$0x1] =	stream.linear.gather [hbm4b:s6+s3], $0x5000, $0x38;
	[tilespmem:$0x5300] =	vst v63  }
0x15: {  	_ =	swait.ge [sflag:s10], $0x5000  }
0x16: {  	[sflag:s10] =	ssyncset.done $0x0  }
0x17: {  	[sflag:s10] =	ssyncadd.s32 $0xFFFFB000  }
0x18: {  	[tilespmem:$0x5000] =	vst v0  }
0x19: {  	[tilespmem:$0x5010] =	vst v0  }
0x1a: {  	[tilespmem:$0x5020] =	vst v0  }
0x1b: {  	[tilespmem:$0x5030] =	vst v0  }
0x1c: {  	s16 =	simm.s32 $0x0;
	[bflag:$0x0] =	sbarrier.arrive $0xFFFF  }
0x1d: {  	[spmem:s2] =	stream.indirect.scatter.add.f32 [tilespmem:s12], [sflag:$0x1], $0x1, s16, s11, $0xb8;
	[tilespmem:$0x5300] =	vst v63  }
0x1e: {  	_ =	swait.ge [sflag:s10], $0x40  }
0x1f: {  	s16 =	simm.s32 $0x200;
	[sflag:s10] =	ssyncset.done $0x0  }
.LBB2_2:
0x20: {  	s17 =	sshra.s32 s16, $0x2;
	[sflag:s10] =	ssyncadd.s32 $0xFFFFFFC0;
	p0 =	sne.s32 s16, $0x13E00  }
0x21: {  	[spmem:s2] =	stream.indirect.scatter.add.f32 [tilespmem:s12], [sflag:$0x1], $0x1, s17, s11, $0xb8;
	[tilespmem:$0x5300] =	vst v63  }
.Ltmp0:
0x22: {  	_ = 	snop;
	(pc) =	sbr.rel @p0 .LBB2_2-.Ltmp0, $4  }
0x23: {  	_ = 	snop  }
0x24: {  	s16 =	sadd.s32 $0x200, s16  }
0x25: {  	_ =	swait.ge [sflag:s10], $0x40  }
0x26: {  	[sflag:s10] =	ssyncset.done $0x0  }
0x27: {  	s15 =	sadd.s32 $0x1, s15  }
0x28: {  	[sflag:s10] =	ssyncadd.s32 $0xFFFFFFC0;
	p0 =	sne.s32 s15, s8  }
.Ltmp1:
0x29: {  	[bflag:$0x0] =	sbarrier.arrive $0xFFFF;
	(pc) =	sbr.rel @p0 .LBB2_1-.Ltmp1, $4  }
0x2a: {  	[hbm:s7@s13], [sflag:s5] =	dma.strided [spmem:s9@s14], $0x50, s10, $0x10   }
0x2b: {  	_ =	swait.ge [sflag:s10], $0x50  }
0x2c: {  	[sflag:s10] =	ssyncset.done $0x0  }
0x2d: {  	[sflag:s10] =	ssyncadd.s32 $0xFFFFFFB0  }
0x2e: {  	_ =	sfence.sel $0x180000  }
0x2f: {  	[bflag:$0x0] =	sbarrier.arrive $0xFFFF  }
0x30: {  	p0 =	sne.s32 s1, $0x0;
	_ =	strace $0x90000047  }
0x31: {  	s0 =	sadd.s32 @!p0 $0x100000, s0;
	[bflag:$0x2] =	sbarrier.arrive $0xFFFF  }
0x32: {  	[sflag:s0] =	ssyncadd.tile.s32 @!p0 $0x1;
	_ =	shalt  }
.Lfunc_end2:
_tile_overlayer_lowered:
.L_overlay_start_2:
0x33: {  	(tag) =	ssettag $0x2  }
0x34: {  	s0 =	rddreg [dreg:$0x0];
	s2 =	stileid.u32  }
0x35: {  	s1 =	rddreg [dreg:$0x1];
	p0 =	sne.s32 s2, $0x0  }
0x36: {  	s3 =	rddreg [dreg:$0x2];
	[bflag:$0x3] =	sbarrier.arrive $0xFFFF;
	s2 =	simm.s32 @!p0 $0x1C01  }
0x37: {  	[timem:s3], [sflag:s2] =	dma.local @!p0 [hbm:s0], s1  }
0x38: {  	s0 =	simm.s32 @!p0 $0x1  }
0x39: {  	_ =	swait.ge @!p0 [sflag:s0], s1  }
0x3a: {  	s1 =	ssub.s32 @!p0 $0x0, s1;
	[sflag:s0] =	ssyncset.done @!p0 $0x0  }
0x3b: {  	[sflag:s0] =	ssyncadd.s32 @!p0 s1  }
0x3c: {  	[bflag:$0x3] =	sbarrier.arrive $0xFFFF  }
0x3d: {  	_ =	shalt  }

</sc_bundles>
